<compile_context>
chip_gen: v7x
topology: tpu7x:2x2x1
jax: 0.10.2.dev20260603
libtpu: 0.0.44.dev20260713+nightly
codegen_flags: <defaults>
</compile_context>

<pallas_src>
import functools

import jax
import jax.numpy as jnp
from jax.experimental import pallas as pl
from jax.experimental.pallas import tpu as pltpu
from jax.experimental.pallas import tpu_sc as plsc

_KNN = 5
_HIGH = jax.lax.Precision.HIGHEST


def _dot(a, b, dims):
    return jax.lax.dot_general(
        a, b, (dims, ((), ())),
        preferred_element_type=jnp.float32, precision=_HIGH)


def _stage1_body(xn_ref, e_ref, w0_ref, g0_ref, b0_ref, anc_ref, sigp_ref,
                 nodes_ref):
    B, N, C = xn_ref.shape

    hs = []
    ssum = jnp.zeros((1, C), jnp.float32)
    qsum = jnp.zeros((1, C), jnp.float32)
    for b in range(B):
        x1 = jax.nn.sigmoid(e_ref[b]) * xn_ref[b]
        h = _dot(x1, w0_ref[...], ((1,), (1,)))
        hs.append(h)
        ssum = ssum + jnp.sum(h, axis=0, keepdims=True)
        qsum = qsum + jnp.sum(h * h, axis=0, keepdims=True)
    mean = ssum / (B * N)
    var = qsum / (B * N) - mean * mean
    scale = g0_ref[...] / jnp.sqrt(var + 1e-5)
    shift = b0_ref[...] - mean * scale

    sig = jax.nn.sigmoid(sigp_ref[...])
    inv2 = 1.0 / (sig * sig)
    anc = anc_ref[...]
    a1 = anc * inv2
    ones_c = jnp.ones((C, 1), jnp.float32)
    c0 = _dot(anc * a1, ones_c, ((1,), (0,)))
    ones_col = jnp.ones((N, 1), jnp.float32)

    for b in range(B):
        hn = jnp.maximum(hs[b] * scale + shift, 0.0)
        t1 = _dot(inv2, hn * hn, ((1,), (1,)))
        t2 = _dot(a1, hn, ((1,), (1,)))
        logits = -0.5 * t1 + t2 - 0.5 * c0
        m = jnp.max(logits, axis=0, keepdims=True)
        e = jnp.exp(logits - m)
        sa = e / jnp.sum(e, axis=0, keepdims=True)
        den = _dot(sa, ones_col, ((1,), (0,)))
        sxh = _dot(sa, hn, ((1,), (0,)))
        nodes = (sxh - anc * den) / sig / (den + 1e-9)
        rn = jnp.sqrt(jnp.sum(nodes * nodes, axis=1, keepdims=True))
        nodes = nodes / jnp.maximum(rn, 1e-12)
        fl = jnp.sqrt(jnp.sum(nodes * nodes, keepdims=True))
        nodes = nodes / jnp.maximum(fl, 1e-12)
        nodes_ref[b] = nodes


def _d2_body(xc_ref, m1_ref, d2_ref):
    B, C, N = xc_ref.shape

    ones_c = jnp.ones((1, C), jnp.float32)
    ones_c_col = jnp.ones((C, 1), jnp.float32)
    for b in range(B):
        xc = xc_ref[b]
        m1 = m1_ref[b]
        mv = _dot(m1, xc, ((0,), (0,)))
        xsq = _dot(ones_c, xc * xc, ((1,), (0,)))
        vsq = _dot(m1 * m1, ones_c_col, ((0,), (0,)))
        d2_ref[b] = xsq - 2.0 * mv + vsq


def _tree_min(vals):
    while len(vals) > 1:
        vals = [jnp.minimum(vals[i], vals[i + 1])
                for i in range(0, len(vals) - 1, 2)] \
            + ([vals[-1]] if len(vals) % 2 else [])
    return vals[0]


def _sc_rank(d2):
    B, K, N = d2.shape
    info = plsc.get_sparse_core_info()
    nw = info.num_cores * info.num_subcores
    chunk = (B * N) // nw
    nchunk = N // chunk
    ngrp = chunk // info.num_lanes

    mesh = plsc.VectorSubcoreMesh(core_axis_name="c", subcore_axis_name="s")

    @functools.partial(
        pl.kernel, mesh=mesh,
        out_type=jax.ShapeDtypeStruct((B, _KNN, N), jnp.float32),
        scratch_types=[
            pltpu.VMEM((K, chunk), jnp.float32),
            pltpu.VMEM((_KNN, chunk), jnp.float32),
        ],
    )
    def rank_kernel(d2_hbm, li_hbm, dbuf, libuf):
        wid = jax.lax.axis_index("s") * info.num_cores + jax.lax.axis_index("c")
        b = wid // nchunk
        base = (wid % nchunk) * chunk
        pltpu.sync_copy(d2_hbm.at[b, :, pl.ds(base, chunk)], dbuf)

        def group(g, carry):
            off = g * info.num_lanes
            dwork = [dbuf[k, pl.ds(off, info.num_lanes)] for k in range(K)]
            for r in range(_KNN):
                mn = _tree_min(dwork)
                li = jnp.full((info.num_lanes,), float(K), jnp.float32)
                for k in reversed(range(K)):
                    li = jnp.where(dwork[k] == mn, float(k), li)
                for k in range(K):
                    dwork[k] = jnp.where(li == float(k), jnp.inf, dwork[k])
                libuf[r, pl.ds(off, info.num_lanes)] = li
            return carry

        jax.lax.fori_loop(0, ngrp, group, 0)
        pltpu.sync_copy(libuf, li_hbm.at[b, :, pl.ds(base, chunk)])

    return rank_kernel(d2)


def _edgeconv_body(xn_ref, m1_ref, w1a_ref, wd_ref, ids_ref, g1_ref, b1_ref,
                   out_ref):
    B, N, C = xn_ref.shape
    K = m1_ref.shape[2]

    kio = jax.lax.broadcasted_iota(jnp.int32, (K, N), 0).astype(jnp.float32)
    ones_n = jnp.ones((1, N), jnp.float32)

    qs, sums, mxs, mns = [], [], [], []
    s1 = jnp.zeros((1, C), jnp.float32)
    s2 = jnp.zeros((1, C), jnp.float32)
    for b in range(B):
        q = _dot(xn_ref[b], wd_ref[...], ((1,), (1,)))
        pmt = _dot(m1_ref[b], w1a_ref[...], ((0,), (1,)))
        qs.append(q)
        idsb = ids_ref[b]

        ssum = jnp.zeros((N, C), jnp.float32)
        smax = jnp.full((N, C), -jnp.inf, jnp.float32)
        smin = jnp.full((N, C), jnp.inf, jnp.float32)
        mfall = jnp.zeros((K, N), jnp.float32)
        for m in range(_KNN):
            mft = (kio == idsb[m:m + 1, :]).astype(jnp.float32)
            g = _dot(mft, pmt, ((0,), (0,)))
            ssum = ssum + g
            smax = jnp.maximum(smax, g)
            smin = jnp.minimum(smin, g)
            mfall = mfall + mft
        sums.append(ssum)
        mxs.append(smax)
        mns.append(smin)
        cnt = _dot(ones_n, mfall, ((1,), (1,)))
        s1 = s1 + jnp.sum(ssum, axis=0, keepdims=True) \
            + _KNN * jnp.sum(q, axis=0, keepdims=True)
        s2 = s2 + _dot(cnt, pmt * pmt, ((1,), (0,))) \
            + 2.0 * jnp.sum(q * ssum, axis=0, keepdims=True) \
            + _KNN * jnp.sum(q * q, axis=0, keepdims=True)

    count = B * N * _KNN
    mean = s1 / count
    var = s2 / count - mean * mean
    a = g1_ref[...] / jnp.sqrt(var + 1e-5)
    bb = b1_ref[...] - mean * a
    for b in range(B):
        meff = jnp.where(a >= 0.0, mxs[b], mns[b])
        y = jnp.maximum(a * (meff + qs[b]) + bb, 0.0)
        out_ref[b] = xn_ref[b] + y


def _run(interpret=False):
    def go(xn, xc, en, w0, g0, b0, anc, sigp, w1a, wd, g1, b1):
        B, N, C = xn.shape
        K = anc.shape[0]
        nodes = pl.pallas_call(
            _stage1_body,
            out_shape=jax.ShapeDtypeStruct((B, K, C), jnp.float32),
            interpret=interpret,
        )(xn, en, w0, g0, b0, anc, sigp)
        m1 = nodes.reshape(B, C, K)

        d2 = pl.pallas_call(
            _d2_body,
            out_shape=jax.ShapeDtypeStruct((B, K, N), jnp.float32),
            interpret=interpret,
        )(xc, m1)
        li = _sc_rank(d2)
        ids = li.reshape(B, N, _KNN).transpose(0, 2, 1)

        outn = pl.pallas_call(
            _edgeconv_body,
            out_shape=jax.ShapeDtypeStruct((B, N, C), jnp.float32),
            interpret=interpret,
        )(xn, m1, w1a, wd, ids, g1, b1)
        return outn
    return go


def kernel(x, edge, W0, gamma0, beta0, anchor, sigma_p, W1, gamma1, beta1):
    B, C, H, W = x.shape
    N = H * W
    xc = x.reshape(B, C, N)
    xn = xc.transpose(0, 2, 1)
    en = edge.reshape(B, N, 1)
    w1a = W1[:, :C]
    wd = W1[:, C:] - w1a
    outn = _run()(xn, xc, en, W0, gamma0.reshape(1, C), beta0.reshape(1, C),
                  anchor, sigma_p, w1a, wd,
                  gamma1.reshape(1, C), beta1.reshape(1, C))
    return outn.transpose(0, 2, 1).reshape(B, C, H, W)

# --- scband reference (transcript-rebuilt; emitter-appended) ---
"""Pipeline reference for scband-ecgraph-net-16655883174000 (READ-ONLY COPY).

The authoritative reference and input builder live on the scoring server;
editing this copy changes nothing except your own understanding.
"""

import jax, jax.numpy as jnp
import numpy as np

NODE = 32
KNN = 5

def setup_inputs(seed: int = 0) -> dict:
    key = jax.random.key(seed)
    ks = jax.random.split(key, 8)
    B, C, H, W = 2, 96, 64, 64
    x = jax.random.normal(ks[0], (B, C, H, W), dtype=jnp.float32)
    edge = jax.random.normal(ks[1], (B, 1, H, W), dtype=jnp.float32)
    stdv0 = 1.0 / np.sqrt(C)
    W0 = jax.random.uniform(ks[2], (C, C), minval=-stdv0, maxval=stdv0, dtype=jnp.float32)
    gamma0 = jnp.ones((C,), dtype=jnp.float32)
    beta0 = jnp.zeros((C,), dtype=jnp.float32)
    anchor = jax.random.uniform(ks[3], (NODE, C), dtype=jnp.float32)
    sigma_p = jax.random.uniform(ks[4], (NODE, C), dtype=jnp.float32)
    stdv1 = 1.0 / np.sqrt(2 * C)
    W1 = jax.random.uniform(ks[5], (C, 2 * C), minval=-stdv1, maxval=stdv1, dtype=jnp.float32)
    gamma1 = jnp.ones((C,), dtype=jnp.float32)
    beta1 = jnp.zeros((C,), dtype=jnp.float32)
    return dict(x=x, edge=edge, W0=W0, gamma0=gamma0, beta0=beta0, anchor=anchor, sigma_p=sigma_p, W1=W1, gamma1=gamma1, beta1=beta1)

def _bn(x, gamma, beta, eps=1e-5):
    mean = x.mean(axis=(0, 2, 3), keepdims=True)
    var = ((x - mean) ** 2).mean(axis=(0, 2, 3), keepdims=True)
    xn = (x - mean) / jnp.sqrt(var + eps)
    return xn * gamma[None, :, None, None] + beta[None, :, None, None]

def _graphnet(x, anchor, sigma_p, eps=1e-9):
    B, C, H, W = x.shape
    N = H * W
    sigma = jax.nn.sigmoid(sigma_p)
    xf = x.reshape(B, C, N).transpose(0, 2, 1)  # [B,N,C]
    resid = (xf[:, :, None, :] - anchor[None, None, :, :]) / sigma[None, None, :, :]  # [B,N,K,C]
    sa = -0.5 * jnp.sum(resid ** 2, axis=-1)  # [B,N,K]
    sa = sa.transpose(0, 2, 1)  # [B,K,N]
    sa = jax.nn.softmax(sa, axis=1)
    wgt = sa.transpose(0, 2, 1)[..., None]  # [B,N,K,1]
    num = jnp.sum(resid * wgt, axis=1)  # [B,K,C]
    den = jnp.sum(sa, axis=2)[..., None] + eps  # [B,K,1]
    nodes = num / den
    nodes = nodes / jnp.maximum(jnp.linalg.norm(nodes, axis=2, keepdims=True), 1e-12)
    flat = nodes.reshape(B, -1)
    flat = flat / jnp.maximum(jnp.linalg.norm(flat, axis=1, keepdims=True), 1e-12)
    nodes_out = flat.reshape(B, C, NODE)
    return nodes_out, sa

def _forward(x, edge, W0, gamma0, beta0, anchor, sigma_p, W1, gamma1, beta1):
    b, c, h, w = x.shape
    x1 = jax.nn.sigmoid(edge) * x
    x1 = jnp.einsum('oi,bihw->bohw', W0, x1)
    x1 = jax.nn.relu(_bn(x1, gamma0, beta0))
    nodes, _ = _graphnet(x1, anchor, sigma_p)
    xf = x.reshape(b, c, -1)  # [b,c,N]
    rx = xf.transpose(2, 0, 1)[:, None] - nodes.transpose(2, 0, 1)[None]  # [N,K,b,c]
    rx = rx.transpose(2, 3, 1, 0).reshape(b, c, NODE, h, w)
    dists = jnp.sqrt(jnp.sum(rx ** 2, axis=1))  # [b,K,h,w]
    d = jnp.moveaxis(dists, 1, -1)  # [b,h,w,K]
    _, idx = jax.lax.top_k(-d, KNN)  # smallest KNN dists
    idx = jnp.moveaxis(idx, -1, 1)  # [b,KNN,h,w]
    idx_base = jnp.arange(b).reshape(-1, 1, 1, 1) * NODE
    idx_flat = (idx + idx_base).reshape(-1)
    nodes_t = nodes.transpose(0, 2, 1).reshape(b * NODE, c)
    N = h * w
    g = nodes_t[idx_flat].reshape(b, N, KNN, c)
    x2 = xf.transpose(0, 2, 1)[:, :, None, :]
    x2 = jnp.broadcast_to(x2, (b, N, KNN, c))
    cat = jnp.concatenate([g - x2, x2], axis=3).transpose(0, 3, 1, 2)  # [b,2c,N,KNN]
    y = jnp.einsum('oi,binm->bonm', W1, cat)
    y = jax.nn.relu(_bn(y, gamma1, beta1))
    y = jnp.max(y, axis=-1)  # [b,c,N]
    return x + y.reshape(b, c, h, w)

def reference(x, edge, W0, gamma0, beta0, anchor, sigma_p, W1, gamma1, beta1):
    return _forward(x, edge, W0, gamma0, beta0, anchor, sigma_p, W1, gamma1, beta1)

if __name__ == "__main__":
    import jax
    _d = setup_inputs()
    print(jax.jit(kernel)(*tuple(_d.values())))

</pallas_src>

<mosaic_0001>
#map = affine_map<(d0, d1) -> (0, 0, 0)>
module attributes {stable_mosaic.version = 14 : i64} {
  func.func @rank_kernel(%arg0: i32, %arg1: i32, %arg2: memref<2x32x4096xf32, #tpu.memory_space<hbm>>, %arg3: memref<2x5x4096xf32, #tpu.memory_space<hbm>>, %arg4: memref<32x256xf32, #tpu.memory_space<vmem>>, %arg5: memref<5x256xf32, #tpu.memory_space<vmem>>) attributes {dimension_semantics = [#tpu.dimension_semantics<core_parallel>, #tpu.dimension_semantics<subcore_parallel>], iteration_bounds = array<i64: 2, 16>, scalar_prefetch = 0 : i64, scratch_operands = 2 : i64, tpu.core_type = #tpu.core_type<sc_vector_subcore>, window_params = [{transform_indices = #map}, {transform_indices = #map}]} {
    %mul3A = arith.constant 2 : i32
    %mul3A_0 = arith.muli %arg1, %mul3A : i32
    %add3A = arith.addi %mul3A_0, %arg0 : i32
    %jit3A = arith.constant 16 : i32
    %div3A = arith.divsi %add3A, %jit3A : i32
    %sign3A = arith.constant 0 : i32
    %sign3A_1 = arith.cmpi sgt, %add3A, %sign3A : i32
    %sign3A_2 = arith.extui %sign3A_1 : i1 to i32
    %sign3A_3 = arith.constant 0 : i32
    %sign3A_4 = arith.cmpi slt, %add3A, %sign3A_3 : i32
    %sign3A_5 = arith.extui %sign3A_4 : i1 to i32
    %sign3A_6 = arith.subi %sign3A_2, %sign3A_5 : i32
    %sign3A_7 = arith.constant 0 : i32
    %sign3A_8 = arith.cmpi sgt, %jit3A, %sign3A_7 : i32
    %sign3A_9 = arith.extui %sign3A_8 : i1 to i32
    %sign3A_10 = arith.constant 0 : i32
    %sign3A_11 = arith.cmpi slt, %jit3A, %sign3A_10 : i32
    %sign3A_12 = arith.extui %sign3A_11 : i1 to i32
    %sign3A_13 = arith.subi %sign3A_9, %sign3A_12 : i32
    %ne3A = arith.cmpi ne, %sign3A_6, %sign3A_13 : i32
    %rem3A = arith.remsi %add3A, %jit3A : i32
    %ne3A_14 = arith.constant 0 : i32
    %ne3A_15 = arith.cmpi ne, %rem3A, %ne3A_14 : i32
    %and3A = arith.andi %ne3A, %ne3A_15 : i1
    %sub3A = arith.constant 1 : i32
    %sub3A_16 = arith.subi %div3A, %sub3A : i32
    %select_n3A = arith.select %and3A, %sub3A_16, %div3A : i32
    %jit3A_17 = arith.constant 16 : i32
    %eq3A = arith.constant 0 : i32
    %eq3A_18 = arith.cmpi eq, %jit3A_17, %eq3A : i32
    %jit3A_19 = arith.constant 1 : i32
    %select_n3A_20 = arith.select %eq3A_18, %jit3A_19, %jit3A_17 : i32
    %rem3A_21 = arith.remsi %add3A, %select_n3A_20 : i32
    %ne3A_22 = arith.constant 0 : i32
    %ne3A_23 = arith.cmpi ne, %rem3A_21, %ne3A_22 : i32
    %lt3A = arith.constant 0 : i32
    %lt3A_24 = arith.cmpi slt, %rem3A_21, %lt3A : i32
    %lt3A_25 = arith.constant 0 : i32
    %lt3A_26 = arith.cmpi slt, %select_n3A_20, %lt3A_25 : i32
    %ne3A_27 = arith.xori %lt3A_24, %lt3A_26 : i1
    %and3A_28 = arith.andi %ne3A_27, %ne3A_23 : i1
    %add3A_29 = arith.addi %rem3A_21, %select_n3A_20 : i32
    %select_n3A_30 = arith.select %and3A_28, %add3A_29, %rem3A_21 : i32
    %mul3A_31 = arith.constant 256 : i32
    %mul3A_32 = arith.muli %select_n3A_30, %mul3A_31 : i32
    "tpu.region"() ({
      %run_scoped3A = tpu.sem_alloc : memref<!tpu.dma_semaphore, #tpu.memory_space<semaphore_mem>>
      %dma_start3A = arith.constant 0 : i32
      %dma_start3A_38 = tpu.memref_slice %arg2[%select_n3A, %dma_start3A, %mul3A_32] : memref<2x32x4096xf32, #tpu.memory_space<hbm>> -> memref<1x32x256xf32, #tpu.memory_space<hbm>>
      %dma_start3A_39 = tpu.memref_squeeze %dma_start3A_38 : memref<1x32x256xf32, #tpu.memory_space<hbm>> -> memref<32x256xf32, #tpu.memory_space<hbm>>
      %dma_start3A_40 = arith.constant 0 : i32
      %dma_start3A_41 = tpu.memref_slice %arg2[%select_n3A, %dma_start3A_40, %mul3A_32] : memref<2x32x4096xf32, #tpu.memory_space<hbm>> -> memref<1x32x256xf32, #tpu.memory_space<hbm>>
      %dma_start3A_42 = tpu.memref_squeeze %dma_start3A_41 : memref<1x32x256xf32, #tpu.memory_space<hbm>> -> memref<32x256xf32, #tpu.memory_space<hbm>>
      tpu.enqueue_dma source(%dma_start3A_42 : memref<32x256xf32, #tpu.memory_space<hbm>>) target(%arg4 : memref<32x256xf32, #tpu.memory_space<vmem>>) target_semaphore(%run_scoped3A : memref<!tpu.dma_semaphore, #tpu.memory_space<semaphore_mem>>)
      %dma_wait3A = arith.constant 0 : i32
      %dma_wait3A_43 = tpu.memref_slice %arg2[%select_n3A, %dma_wait3A, %mul3A_32] : memref<2x32x4096xf32, #tpu.memory_space<hbm>> -> memref<1x32x256xf32, #tpu.memory_space<hbm>>
      %dma_wait3A_44 = tpu.memref_squeeze %dma_wait3A_43 : memref<1x32x256xf32, #tpu.memory_space<hbm>> -> memref<32x256xf32, #tpu.memory_space<hbm>>
      %dma_wait3A_45 = arith.constant 0 : i32
      %dma_wait3A_46 = tpu.memref_slice %arg2[%select_n3A, %dma_wait3A_45, %mul3A_32] : memref<2x32x4096xf32, #tpu.memory_space<hbm>> -> memref<1x32x256xf32, #tpu.memory_space<hbm>>
      %dma_wait3A_47 = tpu.memref_squeeze %dma_wait3A_46 : memref<1x32x256xf32, #tpu.memory_space<hbm>> -> memref<32x256xf32, #tpu.memory_space<hbm>>
      tpu.wait_dma2 semaphore(%run_scoped3A : memref<!tpu.dma_semaphore, #tpu.memory_space<semaphore_mem>>) src(%dma_wait3A_47 : memref<32x256xf32, #tpu.memory_space<hbm>>) dst(%arg4 : memref<32x256xf32, #tpu.memory_space<vmem>>)
      tpu.yield
    }) : () -> ()
    %scan3A = arith.constant 0 : i32
    %scan3A_33 = arith.constant 0 : i32
    %scan3A_34 = arith.constant 16 : i32
    %scan3A_35 = arith.addi %scan3A_33, %scan3A_34 : i32
    %scan3A_36 = arith.constant 1 : i32
    scf.for %scan3A_38 = %scan3A_33 to %scan3A_35 step %scan3A_36  : i32 {
      %mul3A_39 = arith.constant 16 : i32
      %mul3A_40 = arith.muli %scan3A_38, %mul3A_39 : i32
      %get3A = arith.constant 0 : i32
      %get3A_41 = arith.index_cast %get3A : i32 to index
      %get3A_42 = arith.index_cast %mul3A_40 : i32 to index
      %get3A_43 = tpu.vector_load %arg4[%get3A_41, %get3A_42] {strides = array<i32>} : memref<32x256xf32, #tpu.memory_space<vmem>>, vector<1x16xf32>,
      %get3A_44 = vector.shape_cast %get3A_43 : vector<1x16xf32> to vector<16xf32>
      %get3A_45 = arith.constant 1 : i32
      %get3A_46 = arith.index_cast %get3A_45 : i32 to index
      %get3A_47 = arith.index_cast %mul3A_40 : i32 to index
      %get3A_48 = tpu.vector_load %arg4[%get3A_46, %get3A_47] {strides = array<i32>} : memref<32x256xf32, #tpu.memory_space<vmem>>, vector<1x16xf32>,
      %get3A_49 = vector.shape_cast %get3A_48 : vector<1x16xf32> to vector<16xf32>
      %get3A_50 = arith.constant 2 : i32
      %get3A_51 = arith.index_cast %get3A_50 : i32 to index
      %get3A_52 = arith.index_cast %mul3A_40 : i32 to index
      %get3A_53 = tpu.vector_load %arg4[%get3A_51, %get3A_52] {strides = array<i32>} : memref<32x256xf32, #tpu.memory_space<vmem>>, vector<1x16xf32>,
      %get3A_54 = vector.shape_cast %get3A_53 : vector<1x16xf32> to vector<16xf32>
      %get3A_55 = arith.constant 3 : i32
      %get3A_56 = arith.index_cast %get3A_55 : i32 to index
      %get3A_57 = arith.index_cast %mul3A_40 : i32 to index
      %get3A_58 = tpu.vector_load %arg4[%get3A_56, %get3A_57] {strides = array<i32>} : memref<32x256xf32, #tpu.memory_space<vmem>>, vector<1x16xf32>,
      %get3A_59 = vector.shape_cast %get3A_58 : vector<1x16xf32> to vector<16xf32>
      %get3A_60 = arith.constant 4 : i32
      %get3A_61 = arith.index_cast %get3A_60 : i32 to index
      %get3A_62 = arith.index_cast %mul3A_40 : i32 to index
      %get3A_63 = tpu.vector_load %arg4[%get3A_61, %get3A_62] {strides = array<i32>} : memref<32x256xf32, #tpu.memory_space<vmem>>, vector<1x16xf32>,
      %get3A_64 = vector.shape_cast %get3A_63 : vector<1x16xf32> to vector<16xf32>
      %get3A_65 = arith.constant 5 : i32
      %get3A_66 = arith.index_cast %get3A_65 : i32 to index
      %get3A_67 = arith.index_cast %mul3A_40 : i32 to index
      %get3A_68 = tpu.vector_load %arg4[%get3A_66, %get3A_67] {strides = array<i32>} : memref<32x256xf32, #tpu.memory_space<vmem>>, vector<1x16xf32>,
      %get3A_69 = vector.shape_cast %get3A_68 : vector<1x16xf32> to vector<16xf32>
      %get3A_70 = arith.constant 6 : i32
      %get3A_71 = arith.index_cast %get3A_70 : i32 to index
      %get3A_72 = arith.index_cast %mul3A_40 : i32 to index
      %get3A_73 = tpu.vector_load %arg4[%get3A_71, %get3A_72] {strides = array<i32>} : memref<32x256xf32, #tpu.memory_space<vmem>>, vector<1x16xf32>,
      %get3A_74 = vector.shape_cast %get3A_73 : vector<1x16xf32> to vector<16xf32>
      %get3A_75 = arith.constant 7 : i32
      %get3A_76 = arith.index_cast %get3A_75 : i32 to index
      %get3A_77 = arith.index_cast %mul3A_40 : i32 to index
      %get3A_78 = tpu.vector_load %arg4[%get3A_76, %get3A_77] {strides = array<i32>} : memref<32x256xf32, #tpu.memory_space<vmem>>, vector<1x16xf32>,
      %get3A_79 = vector.shape_cast %get3A_78 : vector<1x16xf32> to vector<16xf32>
      %get3A_80 = arith.constant 8 : i32
      %get3A_81 = arith.index_cast %get3A_80 : i32 to index
      %get3A_82 = arith.index_cast %mul3A_40 : i32 to index
      %get3A_83 = tpu.vector_load %arg4[%get3A_81, %get3A_82] {strides = array<i32>} : memref<32x256xf32, #tpu.memory_space<vmem>>, vector<1x16xf32>,
      %get3A_84 = vector.shape_cast %get3A_83 : vector<1x16xf32> to vector<16xf32>
      %get3A_85 = arith.constant 9 : i32
      %get3A_86 = arith.index_cast %get3A_85 : i32 to index
      %get3A_87 = arith.index_cast %mul3A_40 : i32 to index
      %get3A_88 = tpu.vector_load %arg4[%get3A_86, %get3A_87] {strides = array<i32>} : memref<32x256xf32, #tpu.memory_space<vmem>>, vector<1x16xf32>,
      %get3A_89 = vector.shape_cast %get3A_88 : vector<1x16xf32> to vector<16xf32>
      %get3A_90 = arith.constant 10 : i32
      %get3A_91 = arith.index_cast %get3A_90 : i32 to index
      %get3A_92 = arith.index_cast %mul3A_40 : i32 to index
      %get3A_93 = tpu.vector_load %arg4[%get3A_91, %get3A_92] {strides = array<i32>} : memref<32x256xf32, #tpu.memory_space<vmem>>, vector<1x16xf32>,
      %get3A_94 = vector.shape_cast %get3A_93 : vector<1x16xf32> to vector<16xf32>
      %get3A_95 = arith.constant 11 : i32
      %get3A_96 = arith.index_cast %get3A_95 : i32 to index
      %get3A_97 = arith.index_cast %mul3A_40 : i32 to index
      %get3A_98 = tpu.vector_load %arg4[%get3A_96, %get3A_97] {strides = array<i32>} : memref<32x256xf32, #tpu.memory_space<vmem>>, vector<1x16xf32>,
      %get3A_99 = vector.shape_cast %get3A_98 : vector<1x16xf32> to vector<16xf32>
      %get3A_100 = arith.constant 12 : i32
      %get3A_101 = arith.index_cast %get3A_100 : i32 to index
      %get3A_102 = arith.index_cast %mul3A_40 : i32 to index
      %get3A_103 = tpu.vector_load %arg4[%get3A_101, %get3A_102] {strides = array<i32>} : memref<32x256xf32, #tpu.memory_space<vmem>>, vector<1x16xf32>,
      %get3A_104 = vector.shape_cast %get3A_103 : vector<1x16xf32> to vector<16xf32>
      %get3A_105 = arith.constant 13 : i32
      %get3A_106 = arith.index_cast %get3A_105 : i32 to index
      %get3A_107 = arith.index_cast %mul3A_40 : i32 to index
      %get3A_108 = tpu.vector_load %arg4[%get3A_106, %get3A_107] {strides = array<i32>} : memref<32x256xf32, #tpu.memory_space<vmem>>, vector<1x16xf32>,
      %get3A_109 = vector.shape_cast %get3A_108 : vector<1x16xf32> to vector<16xf32>
      %get3A_110 = arith.constant 14 : i32
      %get3A_111 = arith.index_cast %get3A_110 : i32 to index
      %get3A_112 = arith.index_cast %mul3A_40 : i32 to index
      %get3A_113 = tpu.vector_load %arg4[%get3A_111, %get3A_112] {strides = array<i32>} : memref<32x256xf32, #tpu.memory_space<vmem>>, vector<1x16xf32>,
      %get3A_114 = vector.shape_cast %get3A_113 : vector<1x16xf32> to vector<16xf32>
      %get3A_115 = arith.constant 15 : i32
      %get3A_116 = arith.index_cast %get3A_115 : i32 to index
      %get3A_117 = arith.index_cast %mul3A_40 : i32 to index
      %get3A_118 = tpu.vector_load %arg4[%get3A_116, %get3A_117] {strides = array<i32>} : memref<32x256xf32, #tpu.memory_space<vmem>>, vector<1x16xf32>,
      %get3A_119 = vector.shape_cast %get3A_118 : vector<1x16xf32> to vector<16xf32>
      %get3A_120 = arith.constant 16 : i32
      %get3A_121 = arith.index_cast %get3A_120 : i32 to index
      %get3A_122 = arith.index_cast %mul3A_40 : i32 to index
      %get3A_123 = tpu.vector_load %arg4[%get3A_121, %get3A_122] {strides = array<i32>} : memref<32x256xf32, #tpu.memory_space<vmem>>, vector<1x16xf32>,
      %get3A_124 = vector.shape_cast %get3A_123 : vector<1x16xf32> to vector<16xf32>
      %get3A_125 = arith.constant 17 : i32
      %get3A_126 = arith.index_cast %get3A_125 : i32 to index
      %get3A_127 = arith.index_cast %mul3A_40 : i32 to index
      %get3A_128 = tpu.vector_load %arg4[%get3A_126, %get3A_127] {strides = array<i32>} : memref<32x256xf32, #tpu.memory_space<vmem>>, vector<1x16xf32>,
      %get3A_129 = vector.shape_cast %get3A_128 : vector<1x16xf32> to vector<16xf32>
      %get3A_130 = arith.constant 18 : i32
      %get3A_131 = arith.index_cast %get3A_130 : i32 to index
      %get3A_132 = arith.index_cast %mul3A_40 : i32 to index
      %get3A_133 = tpu.vector_load %arg4[%get3A_131, %get3A_132] {strides = array<i32>} : memref<32x256xf32, #tpu.memory_space<vmem>>, vector<1x16xf32>,
      %get3A_134 = vector.shape_cast %get3A_133 : vector<1x16xf32> to vector<16xf32>
      %get3A_135 = arith.constant 19 : i32
      %get3A_136 = arith.index_cast %get3A_135 : i32 to index
      %get3A_137 = arith.index_cast %mul3A_40 : i32 to index
      %get3A_138 = tpu.vector_load %arg4[%get3A_136, %get3A_137] {strides = array<i32>} : memref<32x256xf32, #tpu.memory_space<vmem>>, vector<1x16xf32>,
      %get3A_139 = vector.shape_cast %get3A_138 : vector<1x16xf32> to vector<16xf32>
      %get3A_140 = arith.constant 20 : i32
      %get3A_141 = arith.index_cast %get3A_140 : i32 to index
      %get3A_142 = arith.index_cast %mul3A_40 : i32 to index
      %get3A_143 = tpu.vector_load %arg4[%get3A_141, %get3A_142] {strides = array<i32>} : memref<32x256xf32, #tpu.memory_space<vmem>>, vector<1x16xf32>,
      %get3A_144 = vector.shape_cast %get3A_143 : vector<1x16xf32> to vector<16xf32>
      %get3A_145 = arith.constant 21 : i32
      %get3A_146 = arith.index_cast %get3A_145 : i32 to index
      %get3A_147 = arith.index_cast %mul3A_40 : i32 to index
      %get3A_148 = tpu.vector_load %arg4[%get3A_146, %get3A_147] {strides = array<i32>} : memref<32x256xf32, #tpu.memory_space<vmem>>, vector<1x16xf32>,
      %get3A_149 = vector.shape_cast %get3A_148 : vector<1x16xf32> to vector<16xf32>
      %get3A_150 = arith.constant 22 : i32
      %get3A_151 = arith.index_cast %get3A_150 : i32 to index
      %get3A_152 = arith.index_cast %mul3A_40 : i32 to index
      %get3A_153 = tpu.vector_load %arg4[%get3A_151, %get3A_152] {strides = array<i32>} : memref<32x256xf32, #tpu.memory_space<vmem>>, vector<1x16xf32>,
      %get3A_154 = vector.shape_cast %get3A_153 : vector<1x16xf32> to vector<16xf32>
      %get3A_155 = arith.constant 23 : i32
      %get3A_156 = arith.index_cast %get3A_155 : i32 to index
      %get3A_157 = arith.index_cast %mul3A_40 : i32 to index
      %get3A_158 = tpu.vector_load %arg4[%get3A_156, %get3A_157] {strides = array<i32>} : memref<32x256xf32, #tpu.memory_space<vmem>>, vector<1x16xf32>,
      %get3A_159 = vector.shape_cast %get3A_158 : vector<1x16xf32> to vector<16xf32>
      %get3A_160 = arith.constant 24 : i32
      %get3A_161 = arith.index_cast %get3A_160 : i32 to index
      %get3A_162 = arith.index_cast %mul3A_40 : i32 to index
      %get3A_163 = tpu.vector_load %arg4[%get3A_161, %get3A_162] {strides = array<i32>} : memref<32x256xf32, #tpu.memory_space<vmem>>, vector<1x16xf32>,
      %get3A_164 = vector.shape_cast %get3A_163 : vector<1x16xf32> to vector<16xf32>
      %get3A_165 = arith.constant 25 : i32
      %get3A_166 = arith.index_cast %get3A_165 : i32 to index
      %get3A_167 = arith.index_cast %mul3A_40 : i32 to index
      %get3A_168 = tpu.vector_load %arg4[%get3A_166, %get3A_167] {strides = array<i32>} : memref<32x256xf32, #tpu.memory_space<vmem>>, vector<1x16xf32>,
      %get3A_169 = vector.shape_cast %get3A_168 : vector<1x16xf32> to vector<16xf32>
      %get3A_170 = arith.constant 26 : i32
      %get3A_171 = arith.index_cast %get3A_170 : i32 to index
      %get3A_172 = arith.index_cast %mul3A_40 : i32 to index
      %get3A_173 = tpu.vector_load %arg4[%get3A_171, %get3A_172] {strides = array<i32>} : memref<32x256xf32, #tpu.memory_space<vmem>>, vector<1x16xf32>,
      %get3A_174 = vector.shape_cast %get3A_173 : vector<1x16xf32> to vector<16xf32>
      %get3A_175 = arith.constant 27 : i32
      %get3A_176 = arith.index_cast %get3A_175 : i32 to index
      %get3A_177 = arith.index_cast %mul3A_40 : i32 to index
      %get3A_178 = tpu.vector_load %arg4[%get3A_176, %get3A_177] {strides = array<i32>} : memref<32x256xf32, #tpu.memory_space<vmem>>, vector<1x16xf32>,
      %get3A_179 = vector.shape_cast %get3A_178 : vector<1x16xf32> to vector<16xf32>
      %get3A_180 = arith.constant 28 : i32
      %get3A_181 = arith.index_cast %get3A_180 : i32 to index
      %get3A_182 = arith.index_cast %mul3A_40 : i32 to index
      %get3A_183 = tpu.vector_load %arg4[%get3A_181, %get3A_182] {strides = array<i32>} : memref<32x256xf32, #tpu.memory_space<vmem>>, vector<1x16xf32>,
      %get3A_184 = vector.shape_cast %get3A_183 : vector<1x16xf32> to vector<16xf32>
      %get3A_185 = arith.constant 29 : i32
      %get3A_186 = arith.index_cast %get3A_185 : i32 to index
      %get3A_187 = arith.index_cast %mul3A_40 : i32 to index
      %get3A_188 = tpu.vector_load %arg4[%get3A_186, %get3A_187] {strides = array<i32>} : memref<32x256xf32, #tpu.memory_space<vmem>>, vector<1x16xf32>,
      %get3A_189 = vector.shape_cast %get3A_188 : vector<1x16xf32> to vector<16xf32>
      %get3A_190 = arith.constant 30 : i32
      %get3A_191 = arith.index_cast %get3A_190 : i32 to index
      %get3A_192 = arith.index_cast %mul3A_40 : i32 to index
      %get3A_193 = tpu.vector_load %arg4[%get3A_191, %get3A_192] {strides = array<i32>} : memref<32x256xf32, #tpu.memory_space<vmem>>, vector<1x16xf32>,
      %get3A_194 = vector.shape_cast %get3A_193 : vector<1x16xf32> to vector<16xf32>
      %get3A_195 = arith.constant 31 : i32
      %get3A_196 = arith.index_cast %get3A_195 : i32 to index
      %get3A_197 = arith.index_cast %mul3A_40 : i32 to index
      %get3A_198 = tpu.vector_load %arg4[%get3A_196, %get3A_197] {strides = array<i32>} : memref<32x256xf32, #tpu.memory_space<vmem>>, vector<1x16xf32>,
      %get3A_199 = vector.shape_cast %get3A_198 : vector<1x16xf32> to vector<16xf32>
      %min3A = arith.minimumf %get3A_44, %get3A_49 : vector<16xf32>
      %min3A_200 = arith.minimumf %get3A_54, %get3A_59 : vector<16xf32>
      %min3A_201 = arith.minimumf %get3A_64, %get3A_69 : vector<16xf32>
      %min3A_202 = arith.minimumf %get3A_74, %get3A_79 : vector<16xf32>
      %min3A_203 = arith.minimumf %get3A_84, %get3A_89 : vector<16xf32>
      %min3A_204 = arith.minimumf %get3A_94, %get3A_99 : vector<16xf32>
      %min3A_205 = arith.minimumf %get3A_104, %get3A_109 : vector<16xf32>
      %min3A_206 = arith.minimumf %get3A_114, %get3A_119 : vector<16xf32>
      %min3A_207 = arith.minimumf %get3A_124, %get3A_129 : vector<16xf32>
      %min3A_208 = arith.minimumf %get3A_134, %get3A_139 : vector<16xf32>
      %min3A_209 = arith.minimumf %get3A_144, %get3A_149 : vector<16xf32>
      %min3A_210 = arith.minimumf %get3A_154, %get3A_159 : vector<16xf32>
      %min3A_211 = arith.minimumf %get3A_164, %get3A_169 : vector<16xf32>
      %min3A_212 = arith.minimumf %get3A_174, %get3A_179 : vector<16xf32>
      %min3A_213 = arith.minimumf %get3A_184, %get3A_189 : vector<16xf32>
      %min3A_214 = arith.minimumf %get3A_194, %get3A_199 : vector<16xf32>
      %min3A_215 = arith.minimumf %min3A, %min3A_200 : vector<16xf32>
      %min3A_216 = arith.minimumf %min3A_201, %min3A_202 : vector<16xf32>
      %min3A_217 = arith.minimumf %min3A_203, %min3A_204 : vector<16xf32>
      %min3A_218 = arith.minimumf %min3A_205, %min3A_206 : vector<16xf32>
      %min3A_219 = arith.minimumf %min3A_207, %min3A_208 : vector<16xf32>
      %min3A_220 = arith.minimumf %min3A_209, %min3A_210 : vector<16xf32>
      %min3A_221 = arith.minimumf %min3A_211, %min3A_212 : vector<16xf32>
      %min3A_222 = arith.minimumf %min3A_213, %min3A_214 : vector<16xf32>
      %min3A_223 = arith.minimumf %min3A_215, %min3A_216 : vector<16xf32>
      %min3A_224 = arith.minimumf %min3A_217, %min3A_218 : vector<16xf32>
      %min3A_225 = arith.minimumf %min3A_219, %min3A_220 : vector<16xf32>
      %min3A_226 = arith.minimumf %min3A_221, %min3A_222 : vector<16xf32>
      %min3A_227 = arith.minimumf %min3A_223, %min3A_224 : vector<16xf32>
      %min3A_228 = arith.minimumf %min3A_225, %min3A_226 : vector<16xf32>
      %min3A_229 = arith.minimumf %min3A_227, %min3A_228 : vector<16xf32>
      %broadcast_in_dim3A = arith.constant 3.200000e+01 : f32
      %broadcast_in_dim3A_230 = vector.broadcast %broadcast_in_dim3A : f32 to vector<16xf32>
      %eq3A_231 = arith.cmpf oeq, %get3A_199, %min3A_229 : vector<16xf32>
      %jit3A_232 = arith.constant 3.100000e+01 : f32
      %broadcast_in_dim3A_233 = vector.broadcast %jit3A_232 : f32 to vector<16xf32>
      %select_n3A_234 = arith.select %eq3A_231, %broadcast_in_dim3A_233, %broadcast_in_dim3A_230 : vector<16xi1>, vector<16xf32>
      %eq3A_235 = arith.cmpf oeq, %get3A_194, %min3A_229 : vector<16xf32>
      %jit3A_236 = arith.constant 3.000000e+01 : f32
      %broadcast_in_dim3A_237 = vector.broadcast %jit3A_236 : f32 to vector<16xf32>
      %select_n3A_238 = arith.select %eq3A_235, %broadcast_in_dim3A_237, %select_n3A_234 : vector<16xi1>, vector<16xf32>
      %eq3A_239 = arith.cmpf oeq, %get3A_189, %min3A_229 : vector<16xf32>
      %jit3A_240 = arith.constant 2.900000e+01 : f32
      %broadcast_in_dim3A_241 = vector.broadcast %jit3A_240 : f32 to vector<16xf32>
      %select_n3A_242 = arith.select %eq3A_239, %broadcast_in_dim3A_241, %select_n3A_238 : vector<16xi1>, vector<16xf32>
      %eq3A_243 = arith.cmpf oeq, %get3A_184, %min3A_229 : vector<16xf32>
      %jit3A_244 = arith.constant 2.800000e+01 : f32
      %broadcast_in_dim3A_245 = vector.broadcast %jit3A_244 : f32 to vector<16xf32>
      %select_n3A_246 = arith.select %eq3A_243, %broadcast_in_dim3A_245, %select_n3A_242 : vector<16xi1>, vector<16xf32>
      %eq3A_247 = arith.cmpf oeq, %get3A_179, %min3A_229 : vector<16xf32>
      %jit3A_248 = arith.constant 2.700000e+01 : f32
      %broadcast_in_dim3A_249 = vector.broadcast %jit3A_248 : f32 to vector<16xf32>
      %select_n3A_250 = arith.select %eq3A_247, %broadcast_in_dim3A_249, %select_n3A_246 : vector<16xi1>, vector<16xf32>
      %eq3A_251 = arith.cmpf oeq, %get3A_174, %min3A_229 : vector<16xf32>
      %jit3A_252 = arith.constant 2.600000e+01 : f32
      %broadcast_in_dim3A_253 = vector.broadcast %jit3A_252 : f32 to vector<16xf32>
      %select_n3A_254 = arith.select %eq3A_251, %broadcast_in_dim3A_253, %select_n3A_250 : vector<16xi1>, vector<16xf32>
      %eq3A_255 = arith.cmpf oeq, %get3A_169, %min3A_229 : vector<16xf32>
      %jit3A_256 = arith.constant 2.500000e+01 : f32
      %broadcast_in_dim3A_257 = vector.broadcast %jit3A_256 : f32 to vector<16xf32>
      %select_n3A_258 = arith.select %eq3A_255, %broadcast_in_dim3A_257, %select_n3A_254 : vector<16xi1>, vector<16xf32>
      %eq3A_259 = arith.cmpf oeq, %get3A_164, %min3A_229 : vector<16xf32>
      %jit3A_260 = arith.constant 2.400000e+01 : f32
      %broadcast_in_dim3A_261 = vector.broadcast %jit3A_260 : f32 to vector<16xf32>
      %select_n3A_262 = arith.select %eq3A_259, %broadcast_in_dim3A_261, %select_n3A_258 : vector<16xi1>, vector<16xf32>
      %eq3A_263 = arith.cmpf oeq, %get3A_159, %min3A_229 : vector<16xf32>
      %jit3A_264 = arith.constant 2.300000e+01 : f32
      %broadcast_in_dim3A_265 = vector.broadcast %jit3A_264 : f32 to vector<16xf32>
      %select_n3A_266 = arith.select %eq3A_263, %broadcast_in_dim3A_265, %select_n3A_262 : vector<16xi1>, vector<16xf32>
      %eq3A_267 = arith.cmpf oeq, %get3A_154, %min3A_229 : vector<16xf32>
      %jit3A_268 = arith.constant 2.200000e+01 : f32
      %broadcast_in_dim3A_269 = vector.broadcast %jit3A_268 : f32 to vector<16xf32>
      %select_n3A_270 = arith.select %eq3A_267, %broadcast_in_dim3A_269, %select_n3A_266 : vector<16xi1>, vector<16xf32>
      %eq3A_271 = arith.cmpf oeq, %get3A_149, %min3A_229 : vector<16xf32>
      %jit3A_272 = arith.constant 2.100000e+01 : f32
      %broadcast_in_dim3A_273 = vector.broadcast %jit3A_272 : f32 to vector<16xf32>
      %select_n3A_274 = arith.select %eq3A_271, %broadcast_in_dim3A_273, %select_n3A_270 : vector<16xi1>, vector<16xf32>
      %eq3A_275 = arith.cmpf oeq, %get3A_144, %min3A_229 : vector<16xf32>
      %jit3A_276 = arith.constant 2.000000e+01 : f32
      %broadcast_in_dim3A_277 = vector.broadcast %jit3A_276 : f32 to vector<16xf32>
      %select_n3A_278 = arith.select %eq3A_275, %broadcast_in_dim3A_277, %select_n3A_274 : vector<16xi1>, vector<16xf32>
      %eq3A_279 = arith.cmpf oeq, %get3A_139, %min3A_229 : vector<16xf32>
      %jit3A_280 = arith.constant 1.900000e+01 : f32
      %broadcast_in_dim3A_281 = vector.broadcast %jit3A_280 : f32 to vector<16xf32>
      %select_n3A_282 = arith.select %eq3A_279, %broadcast_in_dim3A_281, %select_n3A_278 : vector<16xi1>, vector<16xf32>
      %eq3A_283 = arith.cmpf oeq, %get3A_134, %min3A_229 : vector<16xf32>
      %jit3A_284 = arith.constant 1.800000e+01 : f32
      %broadcast_in_dim3A_285 = vector.broadcast %jit3A_284 : f32 to vector<16xf32>
      %select_n3A_286 = arith.select %eq3A_283, %broadcast_in_dim3A_285, %select_n3A_282 : vector<16xi1>, vector<16xf32>
      %eq3A_287 = arith.cmpf oeq, %get3A_129, %min3A_229 : vector<16xf32>
      %jit3A_288 = arith.constant 1.700000e+01 : f32
      %broadcast_in_dim3A_289 = vector.broadcast %jit3A_288 : f32 to vector<16xf32>
      %select_n3A_290 = arith.select %eq3A_287, %broadcast_in_dim3A_289, %select_n3A_286 : vector<16xi1>, vector<16xf32>
      %eq3A_291 = arith.cmpf oeq, %get3A_124, %min3A_229 : vector<16xf32>
      %jit3A_292 = arith.constant 1.600000e+01 : f32
      %broadcast_in_dim3A_293 = vector.broadcast %jit3A_292 : f32 to vector<16xf32>
      %select_n3A_294 = arith.select %eq3A_291, %broadcast_in_dim3A_293, %select_n3A_290 : vector<16xi1>, vector<16xf32>
      %eq3A_295 = arith.cmpf oeq, %get3A_119, %min3A_229 : vector<16xf32>
      %jit3A_296 = arith.constant 1.500000e+01 : f32
      %broadcast_in_dim3A_297 = vector.broadcast %jit3A_296 : f32 to vector<16xf32>
      %select_n3A_298 = arith.select %eq3A_295, %broadcast_in_dim3A_297, %select_n3A_294 : vector<16xi1>, vector<16xf32>
      %eq3A_299 = arith.cmpf oeq, %get3A_114, %min3A_229 : vector<16xf32>
      %jit3A_300 = arith.constant 1.400000e+01 : f32
      %broadcast_in_dim3A_301 = vector.broadcast %jit3A_300 : f32 to vector<16xf32>
      %select_n3A_302 = arith.select %eq3A_299, %broadcast_in_dim3A_301, %select_n3A_298 : vector<16xi1>, vector<16xf32>
      %eq3A_303 = arith.cmpf oeq, %get3A_109, %min3A_229 : vector<16xf32>
      %jit3A_304 = arith.constant 1.300000e+01 : f32
      %broadcast_in_dim3A_305 = vector.broadcast %jit3A_304 : f32 to vector<16xf32>
      %select_n3A_306 = arith.select %eq3A_303, %broadcast_in_dim3A_305, %select_n3A_302 : vector<16xi1>, vector<16xf32>
      %eq3A_307 = arith.cmpf oeq, %get3A_104, %min3A_229 : vector<16xf32>
      %jit3A_308 = arith.constant 1.200000e+01 : f32
      %broadcast_in_dim3A_309 = vector.broadcast %jit3A_308 : f32 to vector<16xf32>
      %select_n3A_310 = arith.select %eq3A_307, %broadcast_in_dim3A_309, %select_n3A_306 : vector<16xi1>, vector<16xf32>
      %eq3A_311 = arith.cmpf oeq, %get3A_99, %min3A_229 : vector<16xf32>
      %jit3A_312 = arith.constant 1.100000e+01 : f32
      %broadcast_in_dim3A_313 = vector.broadcast %jit3A_312 : f32 to vector<16xf32>
      %select_n3A_314 = arith.select %eq3A_311, %broadcast_in_dim3A_313, %select_n3A_310 : vector<16xi1>, vector<16xf32>
      %eq3A_315 = arith.cmpf oeq, %get3A_94, %min3A_229 : vector<16xf32>
      %jit3A_316 = arith.constant 1.000000e+01 : f32
      %broadcast_in_dim3A_317 = vector.broadcast %jit3A_316 : f32 to vector<16xf32>
      %select_n3A_318 = arith.select %eq3A_315, %broadcast_in_dim3A_317, %select_n3A_314 : vector<16xi1>, vector<16xf32>
      %eq3A_319 = arith.cmpf oeq, %get3A_89, %min3A_229 : vector<16xf32>
      %jit3A_320 = arith.constant 9.000000e+00 : f32
      %broadcast_in_dim3A_321 = vector.broadcast %jit3A_320 : f32 to vector<16xf32>
      %select_n3A_322 = arith.select %eq3A_319, %broadcast_in_dim3A_321, %select_n3A_318 : vector<16xi1>, vector<16xf32>
      %eq3A_323 = arith.cmpf oeq, %get3A_84, %min3A_229 : vector<16xf32>
      %jit3A_324 = arith.constant 8.000000e+00 : f32
      %broadcast_in_dim3A_325 = vector.broadcast %jit3A_324 : f32 to vector<16xf32>
      %select_n3A_326 = arith.select %eq3A_323, %broadcast_in_dim3A_325, %select_n3A_322 : vector<16xi1>, vector<16xf32>
      %eq3A_327 = arith.cmpf oeq, %get3A_79, %min3A_229 : vector<16xf32>
      %jit3A_328 = arith.constant 7.000000e+00 : f32
      %broadcast_in_dim3A_329 = vector.broadcast %jit3A_328 : f32 to vector<16xf32>
      %select_n3A_330 = arith.select %eq3A_327, %broadcast_in_dim3A_329, %select_n3A_326 : vector<16xi1>, vector<16xf32>
      %eq3A_331 = arith.cmpf oeq, %get3A_74, %min3A_229 : vector<16xf32>
      %jit3A_332 = arith.constant 6.000000e+00 : f32
      %broadcast_in_dim3A_333 = vector.broadcast %jit3A_332 : f32 to vector<16xf32>
      %select_n3A_334 = arith.select %eq3A_331, %broadcast_in_dim3A_333, %select_n3A_330 : vector<16xi1>, vector<16xf32>
      %eq3A_335 = arith.cmpf oeq, %get3A_69, %min3A_229 : vector<16xf32>
      %jit3A_336 = arith.constant 5.000000e+00 : f32
      %broadcast_in_dim3A_337 = vector.broadcast %jit3A_336 : f32 to vector<16xf32>
      %select_n3A_338 = arith.select %eq3A_335, %broadcast_in_dim3A_337, %select_n3A_334 : vector<16xi1>, vector<16xf32>
      %eq3A_339 = arith.cmpf oeq, %get3A_64, %min3A_229 : vector<16xf32>
      %jit3A_340 = arith.constant 4.000000e+00 : f32
      %broadcast_in_dim3A_341 = vector.broadcast %jit3A_340 : f32 to vector<16xf32>
      %select_n3A_342 = arith.select %eq3A_339, %broadcast_in_dim3A_341, %select_n3A_338 : vector<16xi1>, vector<16xf32>
      %eq3A_343 = arith.cmpf oeq, %get3A_59, %min3A_229 : vector<16xf32>
      %jit3A_344 = arith.constant 3.000000e+00 : f32
      %broadcast_in_dim3A_345 = vector.broadcast %jit3A_344 : f32 to vector<16xf32>
      %select_n3A_346 = arith.select %eq3A_343, %broadcast_in_dim3A_345, %select_n3A_342 : vector<16xi1>, vector<16xf32>
      %eq3A_347 = arith.cmpf oeq, %get3A_54, %min3A_229 : vector<16xf32>
      %jit3A_348 = arith.constant 2.000000e+00 : f32
      %broadcast_in_dim3A_349 = vector.broadcast %jit3A_348 : f32 to vector<16xf32>
      %select_n3A_350 = arith.select %eq3A_347, %broadcast_in_dim3A_349, %select_n3A_346 : vector<16xi1>, vector<16xf32>
      %eq3A_351 = arith.cmpf oeq, %get3A_49, %min3A_229 : vector<16xf32>
      %jit3A_352 = arith.constant 1.000000e+00 : f32
      %broadcast_in_dim3A_353 = vector.broadcast %jit3A_352 : f32 to vector<16xf32>
      %select_n3A_354 = arith.select %eq3A_351, %broadcast_in_dim3A_353, %select_n3A_350 : vector<16xi1>, vector<16xf32>
      %eq3A_355 = arith.cmpf oeq, %get3A_44, %min3A_229 : vector<16xf32>
      %jit3A_356 = arith.constant 0.000000e+00 : f32
      %broadcast_in_dim3A_357 = vector.broadcast %jit3A_356 : f32 to vector<16xf32>
      %select_n3A_358 = arith.select %eq3A_355, %broadcast_in_dim3A_357, %select_n3A_354 : vector<16xi1>, vector<16xf32>
      %eq3A_359 = arith.constant 0.000000e+00 : f32
      %eq3A_360 = vector.broadcast %eq3A_359 : f32 to vector<16xf32>
      %eq3A_361 = arith.cmpf oeq, %select_n3A_358, %eq3A_360 : vector<16xf32>
      %jit3A_362 = arith.constant 0x7F800000 : f32
      %broadcast_in_dim3A_363 = vector.broadcast %jit3A_362 : f32 to vector<16xf32>
      %select_n3A_364 = arith.select %eq3A_361, %broadcast_in_dim3A_363, %get3A_44 : vector<16xi1>, vector<16xf32>
      %eq3A_365 = arith.constant 1.000000e+00 : f32
      %eq3A_366 = vector.broadcast %eq3A_365 : f32 to vector<16xf32>
      %eq3A_367 = arith.cmpf oeq, %select_n3A_358, %eq3A_366 : vector<16xf32>
      %jit3A_368 = arith.constant 0x7F800000 : f32
      %broadcast_in_dim3A_369 = vector.broadcast %jit3A_368 : f32 to vector<16xf32>
      %select_n3A_370 = arith.select %eq3A_367, %broadcast_in_dim3A_369, %get3A_49 : vector<16xi1>, vector<16xf32>
      %eq3A_371 = arith.constant 2.000000e+00 : f32
      %eq3A_372 = vector.broadcast %eq3A_371 : f32 to vector<16xf32>
      %eq3A_373 = arith.cmpf oeq, %select_n3A_358, %eq3A_372 : vector<16xf32>
      %jit3A_374 = arith.constant 0x7F800000 : f32
      %broadcast_in_dim3A_375 = vector.broadcast %jit3A_374 : f32 to vector<16xf32>
      %select_n3A_376 = arith.select %eq3A_373, %broadcast_in_dim3A_375, %get3A_54 : vector<16xi1>, vector<16xf32>
      %eq3A_377 = arith.constant 3.000000e+00 : f32
      %eq3A_378 = vector.broadcast %eq3A_377 : f32 to vector<16xf32>
      %eq3A_379 = arith.cmpf oeq, %select_n3A_358, %eq3A_378 : vector<16xf32>
      %jit3A_380 = arith.constant 0x7F800000 : f32
      %broadcast_in_dim3A_381 = vector.broadcast %jit3A_380 : f32 to vector<16xf32>
      %select_n3A_382 = arith.select %eq3A_379, %broadcast_in_dim3A_381, %get3A_59 : vector<16xi1>, vector<16xf32>
      %eq3A_383 = arith.constant 4.000000e+00 : f32
      %eq3A_384 = vector.broadcast %eq3A_383 : f32 to vector<16xf32>
      %eq3A_385 = arith.cmpf oeq, %select_n3A_358, %eq3A_384 : vector<16xf32>
      %jit3A_386 = arith.constant 0x7F800000 : f32
      %broadcast_in_dim3A_387 = vector.broadcast %jit3A_386 : f32 to vector<16xf32>
      %select_n3A_388 = arith.select %eq3A_385, %broadcast_in_dim3A_387, %get3A_64 : vector<16xi1>, vector<16xf32>
      %eq3A_389 = arith.constant 5.000000e+00 : f32
      %eq3A_390 = vector.broadcast %eq3A_389 : f32 to vector<16xf32>
      %eq3A_391 = arith.cmpf oeq, %select_n3A_358, %eq3A_390 : vector<16xf32>
      %jit3A_392 = arith.constant 0x7F800000 : f32
      %broadcast_in_dim3A_393 = vector.broadcast %jit3A_392 : f32 to vector<16xf32>
      %select_n3A_394 = arith.select %eq3A_391, %broadcast_in_dim3A_393, %get3A_69 : vector<16xi1>, vector<16xf32>
      %eq3A_395 = arith.constant 6.000000e+00 : f32
      %eq3A_396 = vector.broadcast %eq3A_395 : f32 to vector<16xf32>
      %eq3A_397 = arith.cmpf oeq, %select_n3A_358, %eq3A_396 : vector<16xf32>
      %jit3A_398 = arith.constant 0x7F800000 : f32
      %broadcast_in_dim3A_399 = vector.broadcast %jit3A_398 : f32 to vector<16xf32>
      %select_n3A_400 = arith.select %eq3A_397, %broadcast_in_dim3A_399, %get3A_74 : vector<16xi1>, vector<16xf32>
      %eq3A_401 = arith.constant 7.000000e+00 : f32
      %eq3A_402 = vector.broadcast %eq3A_401 : f32 to vector<16xf32>
      %eq3A_403 = arith.cmpf oeq, %select_n3A_358, %eq3A_402 : vector<16xf32>
      %jit3A_404 = arith.constant 0x7F800000 : f32
      %broadcast_in_dim3A_405 = vector.broadcast %jit3A_404 : f32 to vector<16xf32>
      %select_n3A_406 = arith.select %eq3A_403, %broadcast_in_dim3A_405, %get3A_79 : vector<16xi1>, vector<16xf32>
      %eq3A_407 = arith.constant 8.000000e+00 : f32
      %eq3A_408 = vector.broadcast %eq3A_407 : f32 to vector<16xf32>
      %eq3A_409 = arith.cmpf oeq, %select_n3A_358, %eq3A_408 : vector<16xf32>
      %jit3A_410 = arith.constant 0x7F800000 : f32
      %broadcast_in_dim3A_411 = vector.broadcast %jit3A_410 : f32 to vector<16xf32>
      %select_n3A_412 = arith.select %eq3A_409, %broadcast_in_dim3A_411, %get3A_84 : vector<16xi1>, vector<16xf32>
      %eq3A_413 = arith.constant 9.000000e+00 : f32
      %eq3A_414 = vector.broadcast %eq3A_413 : f32 to vector<16xf32>
      %eq3A_415 = arith.cmpf oeq, %select_n3A_358, %eq3A_414 : vector<16xf32>
      %jit3A_416 = arith.constant 0x7F800000 : f32
      %broadcast_in_dim3A_417 = vector.broadcast %jit3A_416 : f32 to vector<16xf32>
      %select_n3A_418 = arith.select %eq3A_415, %broadcast_in_dim3A_417, %get3A_89 : vector<16xi1>, vector<16xf32>
      %eq3A_419 = arith.constant 1.000000e+01 : f32
      %eq3A_420 = vector.broadcast %eq3A_419 : f32 to vector<16xf32>
      %eq3A_421 = arith.cmpf oeq, %select_n3A_358, %eq3A_420 : vector<16xf32>
      %jit3A_422 = arith.constant 0x7F800000 : f32
      %broadcast_in_dim3A_423 = vector.broadcast %jit3A_422 : f32 to vector<16xf32>
      %select_n3A_424 = arith.select %eq3A_421, %broadcast_in_dim3A_423, %get3A_94 : vector<16xi1>, vector<16xf32>
      %eq3A_425 = arith.constant 1.100000e+01 : f32
      %eq3A_426 = vector.broadcast %eq3A_425 : f32 to vector<16xf32>
      %eq3A_427 = arith.cmpf oeq, %select_n3A_358, %eq3A_426 : vector<16xf32>
      %jit3A_428 = arith.constant 0x7F800000 : f32
      %broadcast_in_dim3A_429 = vector.broadcast %jit3A_428 : f32 to vector<16xf32>
      %select_n3A_430 = arith.select %eq3A_427, %broadcast_in_dim3A_429, %get3A_99 : vector<16xi1>, vector<16xf32>
      %eq3A_431 = arith.constant 1.200000e+01 : f32
      %eq3A_432 = vector.broadcast %eq3A_431 : f32 to vector<16xf32>
      %eq3A_433 = arith.cmpf oeq, %select_n3A_358, %eq3A_432 : vector<16xf32>
      %jit3A_434 = arith.constant 0x7F800000 : f32
      %broadcast_in_dim3A_435 = vector.broadcast %jit3A_434 : f32 to vector<16xf32>
      %select_n3A_436 = arith.select %eq3A_433, %broadcast_in_dim3A_435, %get3A_104 : vector<16xi1>, vector<16xf32>
      %eq3A_437 = arith.constant 1.300000e+01 : f32
      %eq3A_438 = vector.broadcast %eq3A_437 : f32 to vector<16xf32>
      %eq3A_439 = arith.cmpf oeq, %select_n3A_358, %eq3A_438 : vector<16xf32>
      %jit3A_440 = arith.constant 0x7F800000 : f32
      %broadcast_in_dim3A_441 = vector.broadcast %jit3A_440 : f32 to vector<16xf32>
      %select_n3A_442 = arith.select %eq3A_439, %broadcast_in_dim3A_441, %get3A_109 : vector<16xi1>, vector<16xf32>
      %eq3A_443 = arith.constant 1.400000e+01 : f32
      %eq3A_444 = vector.broadcast %eq3A_443 : f32 to vector<16xf32>
      %eq3A_445 = arith.cmpf oeq, %select_n3A_358, %eq3A_444 : vector<16xf32>
      %jit3A_446 = arith.constant 0x7F800000 : f32
      %broadcast_in_dim3A_447 = vector.broadcast %jit3A_446 : f32 to vector<16xf32>
      %select_n3A_448 = arith.select %eq3A_445, %broadcast_in_dim3A_447, %get3A_114 : vector<16xi1>, vector<16xf32>
      %eq3A_449 = arith.constant 1.500000e+01 : f32
      %eq3A_450 = vector.broadcast %eq3A_449 : f32 to vector<16xf32>
      %eq3A_451 = arith.cmpf oeq, %select_n3A_358, %eq3A_450 : vector<16xf32>
      %jit3A_452 = arith.constant 0x7F800000 : f32
      %broadcast_in_dim3A_453 = vector.broadcast %jit3A_452 : f32 to vector<16xf32>
      %select_n3A_454 = arith.select %eq3A_451, %broadcast_in_dim3A_453, %get3A_119 : vector<16xi1>, vector<16xf32>
      %eq3A_455 = arith.constant 1.600000e+01 : f32
      %eq3A_456 = vector.broadcast %eq3A_455 : f32 to vector<16xf32>
      %eq3A_457 = arith.cmpf oeq, %select_n3A_358, %eq3A_456 : vector<16xf32>
      %jit3A_458 = arith.constant 0x7F800000 : f32
      %broadcast_in_dim3A_459 = vector.broadcast %jit3A_458 : f32 to vector<16xf32>
      %select_n3A_460 = arith.select %eq3A_457, %broadcast_in_dim3A_459, %get3A_124 : vector<16xi1>, vector<16xf32>
      %eq3A_461 = arith.constant 1.700000e+01 : f32
      %eq3A_462 = vector.broadcast %eq3A_461 : f32 to vector<16xf32>
      %eq3A_463 = arith.cmpf oeq, %select_n3A_358, %eq3A_462 : vector<16xf32>
      %jit3A_464 = arith.constant 0x7F800000 : f32
      %broadcast_in_dim3A_465 = vector.broadcast %jit3A_464 : f32 to vector<16xf32>
      %select_n3A_466 = arith.select %eq3A_463, %broadcast_in_dim3A_465, %get3A_129 : vector<16xi1>, vector<16xf32>
      %eq3A_467 = arith.constant 1.800000e+01 : f32
      %eq3A_468 = vector.broadcast %eq3A_467 : f32 to vector<16xf32>
      %eq3A_469 = arith.cmpf oeq, %select_n3A_358, %eq3A_468 : vector<16xf32>
      %jit3A_470 = arith.constant 0x7F800000 : f32
      %broadcast_in_dim3A_471 = vector.broadcast %jit3A_470 : f32 to vector<16xf32>
      %select_n3A_472 = arith.select %eq3A_469, %broadcast_in_dim3A_471, %get3A_134 : vector<16xi1>, vector<16xf32>
      %eq3A_473 = arith.constant 1.900000e+01 : f32
      %eq3A_474 = vector.broadcast %eq3A_473 : f32 to vector<16xf32>
      %eq3A_475 = arith.cmpf oeq, %select_n3A_358, %eq3A_474 : vector<16xf32>
      %jit3A_476 = arith.constant 0x7F800000 : f32
      %broadcast_in_dim3A_477 = vector.broadcast %jit3A_476 : f32 to vector<16xf32>
      %select_n3A_478 = arith.select %eq3A_475, %broadcast_in_dim3A_477, %get3A_139 : vector<16xi1>, vector<16xf32>
      %eq3A_479 = arith.constant 2.000000e+01 : f32
      %eq3A_480 = vector.broadcast %eq3A_479 : f32 to vector<16xf32>
      %eq3A_481 = arith.cmpf oeq, %select_n3A_358, %eq3A_480 : vector<16xf32>
      %jit3A_482 = arith.constant 0x7F800000 : f32
      %broadcast_in_dim3A_483 = vector.broadcast %jit3A_482 : f32 to vector<16xf32>
      %select_n3A_484 = arith.select %eq3A_481, %broadcast_in_dim3A_483, %get3A_144 : vector<16xi1>, vector<16xf32>
      %eq3A_485 = arith.constant 2.100000e+01 : f32
      %eq3A_486 = vector.broadcast %eq3A_485 : f32 to vector<16xf32>
      %eq3A_487 = arith.cmpf oeq, %select_n3A_358, %eq3A_486 : vector<16xf32>
      %jit3A_488 = arith.constant 0x7F800000 : f32
      %broadcast_in_dim3A_489 = vector.broadcast %jit3A_488 : f32 to vector<16xf32>
      %select_n3A_490 = arith.select %eq3A_487, %broadcast_in_dim3A_489, %get3A_149 : vector<16xi1>, vector<16xf32>
      %eq3A_491 = arith.constant 2.200000e+01 : f32
      %eq3A_492 = vector.broadcast %eq3A_491 : f32 to vector<16xf32>
      %eq3A_493 = arith.cmpf oeq, %select_n3A_358, %eq3A_492 : vector<16xf32>
      %jit3A_494 = arith.constant 0x7F800000 : f32
      %broadcast_in_dim3A_495 = vector.broadcast %jit3A_494 : f32 to vector<16xf32>
      %select_n3A_496 = arith.select %eq3A_493, %broadcast_in_dim3A_495, %get3A_154 : vector<16xi1>, vector<16xf32>
      %eq3A_497 = arith.constant 2.300000e+01 : f32
      %eq3A_498 = vector.broadcast %eq3A_497 : f32 to vector<16xf32>
      %eq3A_499 = arith.cmpf oeq, %select_n3A_358, %eq3A_498 : vector<16xf32>
      %jit3A_500 = arith.constant 0x7F800000 : f32
      %broadcast_in_dim3A_501 = vector.broadcast %jit3A_500 : f32 to vector<16xf32>
      %select_n3A_502 = arith.select %eq3A_499, %broadcast_in_dim3A_501, %get3A_159 : vector<16xi1>, vector<16xf32>
      %eq3A_503 = arith.constant 2.400000e+01 : f32
      %eq3A_504 = vector.broadcast %eq3A_503 : f32 to vector<16xf32>
      %eq3A_505 = arith.cmpf oeq, %select_n3A_358, %eq3A_504 : vector<16xf32>
      %jit3A_506 = arith.constant 0x7F800000 : f32
      %broadcast_in_dim3A_507 = vector.broadcast %jit3A_506 : f32 to vector<16xf32>
      %select_n3A_508 = arith.select %eq3A_505, %broadcast_in_dim3A_507, %get3A_164 : vector<16xi1>, vector<16xf32>
      %eq3A_509 = arith.constant 2.500000e+01 : f32
      %eq3A_510 = vector.broadcast %eq3A_509 : f32 to vector<16xf32>
      %eq3A_511 = arith.cmpf oeq, %select_n3A_358, %eq3A_510 : vector<16xf32>
      %jit3A_512 = arith.constant 0x7F800000 : f32
      %broadcast_in_dim3A_513 = vector.broadcast %jit3A_512 : f32 to vector<16xf32>
      %select_n3A_514 = arith.select %eq3A_511, %broadcast_in_dim3A_513, %get3A_169 : vector<16xi1>, vector<16xf32>
      %eq3A_515 = arith.constant 2.600000e+01 : f32
      %eq3A_516 = vector.broadcast %eq3A_515 : f32 to vector<16xf32>
      %eq3A_517 = arith.cmpf oeq, %select_n3A_358, %eq3A_516 : vector<16xf32>
      %jit3A_518 = arith.constant 0x7F800000 : f32
      %broadcast_in_dim3A_519 = vector.broadcast %jit3A_518 : f32 to vector<16xf32>
      %select_n3A_520 = arith.select %eq3A_517, %broadcast_in_dim3A_519, %get3A_174 : vector<16xi1>, vector<16xf32>
      %eq3A_521 = arith.constant 2.700000e+01 : f32
      %eq3A_522 = vector.broadcast %eq3A_521 : f32 to vector<16xf32>
      %eq3A_523 = arith.cmpf oeq, %select_n3A_358, %eq3A_522 : vector<16xf32>
      %jit3A_524 = arith.constant 0x7F800000 : f32
      %broadcast_in_dim3A_525 = vector.broadcast %jit3A_524 : f32 to vector<16xf32>
      %select_n3A_526 = arith.select %eq3A_523, %broadcast_in_dim3A_525, %get3A_179 : vector<16xi1>, vector<16xf32>
      %eq3A_527 = arith.constant 2.800000e+01 : f32
      %eq3A_528 = vector.broadcast %eq3A_527 : f32 to vector<16xf32>
      %eq3A_529 = arith.cmpf oeq, %select_n3A_358, %eq3A_528 : vector<16xf32>
      %jit3A_530 = arith.constant 0x7F800000 : f32
      %broadcast_in_dim3A_531 = vector.broadcast %jit3A_530 : f32 to vector<16xf32>
      %select_n3A_532 = arith.select %eq3A_529, %broadcast_in_dim3A_531, %get3A_184 : vector<16xi1>, vector<16xf32>
      %eq3A_533 = arith.constant 2.900000e+01 : f32
      %eq3A_534 = vector.broadcast %eq3A_533 : f32 to vector<16xf32>
      %eq3A_535 = arith.cmpf oeq, %select_n3A_358, %eq3A_534 : vector<16xf32>
      %jit3A_536 = arith.constant 0x7F800000 : f32
      %broadcast_in_dim3A_537 = vector.broadcast %jit3A_536 : f32 to vector<16xf32>
      %select_n3A_538 = arith.select %eq3A_535, %broadcast_in_dim3A_537, %get3A_189 : vector<16xi1>, vector<16xf32>
      %eq3A_539 = arith.constant 3.000000e+01 : f32
      %eq3A_540 = vector.broadcast %eq3A_539 : f32 to vector<16xf32>
      %eq3A_541 = arith.cmpf oeq, %select_n3A_358, %eq3A_540 : vector<16xf32>
      %jit3A_542 = arith.constant 0x7F800000 : f32
      %broadcast_in_dim3A_543 = vector.broadcast %jit3A_542 : f32 to vector<16xf32>
      %select_n3A_544 = arith.select %eq3A_541, %broadcast_in_dim3A_543, %get3A_194 : vector<16xi1>, vector<16xf32>
      %eq3A_545 = arith.constant 3.100000e+01 : f32
      %eq3A_546 = vector.broadcast %eq3A_545 : f32 to vector<16xf32>
      %eq3A_547 = arith.cmpf oeq, %select_n3A_358, %eq3A_546 : vector<16xf32>
      %jit3A_548 = arith.constant 0x7F800000 : f32
      %broadcast_in_dim3A_549 = vector.broadcast %jit3A_548 : f32 to vector<16xf32>
      %select_n3A_550 = arith.select %eq3A_547, %broadcast_in_dim3A_549, %get3A_199 : vector<16xi1>, vector<16xf32>
      %swap3A = arith.constant 0 : i32
      %swap3A_551 = arith.index_cast %swap3A : i32 to index
      %swap3A_552 = arith.index_cast %mul3A_40 : i32 to index
      %swap3A_553 = tpu.vector_load %arg5[%swap3A_551, %swap3A_552] {strides = array<i32>} : memref<5x256xf32, #tpu.memory_space<vmem>>, vector<1x16xf32>,
      %swap3A_554 = vector.shape_cast %swap3A_553 : vector<1x16xf32> to vector<16xf32>
      %swap3A_555 = vector.shape_cast %select_n3A_358 : vector<16xf32> to vector<1x16xf32>
      tpu.vector_store %arg5[%swap3A_551, %swap3A_552], %swap3A_555 {strides = array<i32>} : memref<5x256xf32, #tpu.memory_space<vmem>>, vector<1x16xf32>,
      %min3A_556 = arith.minimumf %select_n3A_364, %select_n3A_370 : vector<16xf32>
      %min3A_557 = arith.minimumf %select_n3A_376, %select_n3A_382 : vector<16xf32>
      %min3A_558 = arith.minimumf %select_n3A_388, %select_n3A_394 : vector<16xf32>
      %min3A_559 = arith.minimumf %select_n3A_400, %select_n3A_406 : vector<16xf32>
      %min3A_560 = arith.minimumf %select_n3A_412, %select_n3A_418 : vector<16xf32>
      %min3A_561 = arith.minimumf %select_n3A_424, %select_n3A_430 : vector<16xf32>
      %min3A_562 = arith.minimumf %select_n3A_436, %select_n3A_442 : vector<16xf32>
      %min3A_563 = arith.minimumf %select_n3A_448, %select_n3A_454 : vector<16xf32>
      %min3A_564 = arith.minimumf %select_n3A_460, %select_n3A_466 : vector<16xf32>
      %min3A_565 = arith.minimumf %select_n3A_472, %select_n3A_478 : vector<16xf32>
      %min3A_566 = arith.minimumf %select_n3A_484, %select_n3A_490 : vector<16xf32>
      %min3A_567 = arith.minimumf %select_n3A_496, %select_n3A_502 : vector<16xf32>
      %min3A_568 = arith.minimumf %select_n3A_508, %select_n3A_514 : vector<16xf32>
      %min3A_569 = arith.minimumf %select_n3A_520, %select_n3A_526 : vector<16xf32>
      %min3A_570 = arith.minimumf %select_n3A_532, %select_n3A_538 : vector<16xf32>
      %min3A_571 = arith.minimumf %select_n3A_544, %select_n3A_550 : vector<16xf32>
      %min3A_572 = arith.minimumf %min3A_556, %min3A_557 : vector<16xf32>
      %min3A_573 = arith.minimumf %min3A_558, %min3A_559 : vector<16xf32>
      %min3A_574 = arith.minimumf %min3A_560, %min3A_561 : vector<16xf32>
      %min3A_575 = arith.minimumf %min3A_562, %min3A_563 : vector<16xf32>
      %min3A_576 = arith.minimumf %min3A_564, %min3A_565 : vector<16xf32>
      %min3A_577 = arith.minimumf %min3A_566, %min3A_567 : vector<16xf32>
      %min3A_578 = arith.minimumf %min3A_568, %min3A_569 : vector<16xf32>
      %min3A_579 = arith.minimumf %min3A_570, %min3A_571 : vector<16xf32>
      %min3A_580 = arith.minimumf %min3A_572, %min3A_573 : vector<16xf32>
      %min3A_581 = arith.minimumf %min3A_574, %min3A_575 : vector<16xf32>
      %min3A_582 = arith.minimumf %min3A_576, %min3A_577 : vector<16xf32>
      %min3A_583 = arith.minimumf %min3A_578, %min3A_579 : vector<16xf32>
      %min3A_584 = arith.minimumf %min3A_580, %min3A_581 : vector<16xf32>
      %min3A_585 = arith.minimumf %min3A_582, %min3A_583 : vector<16xf32>
      %min3A_586 = arith.minimumf %min3A_584, %min3A_585 : vector<16xf32>
      %broadcast_in_dim3A_587 = arith.constant 3.200000e+01 : f32
      %broadcast_in_dim3A_588 = vector.broadcast %broadcast_in_dim3A_587 : f32 to vector<16xf32>
      %eq3A_589 = arith.cmpf oeq, %select_n3A_550, %min3A_586 : vector<16xf32>
      %jit3A_590 = arith.constant 3.100000e+01 : f32
      %broadcast_in_dim3A_591 = vector.broadcast %jit3A_590 : f32 to vector<16xf32>
      %select_n3A_592 = arith.select %eq3A_589, %broadcast_in_dim3A_591, %broadcast_in_dim3A_588 : vector<16xi1>, vector<16xf32>
      %eq3A_593 = arith.cmpf oeq, %select_n3A_544, %min3A_586 : vector<16xf32>
      %jit3A_594 = arith.constant 3.000000e+01 : f32
      %broadcast_in_dim3A_595 = vector.broadcast %jit3A_594 : f32 to vector<16xf32>
      %select_n3A_596 = arith.select %eq3A_593, %broadcast_in_dim3A_595, %select_n3A_592 : vector<16xi1>, vector<16xf32>
      %eq3A_597 = arith.cmpf oeq, %select_n3A_538, %min3A_586 : vector<16xf32>
      %jit3A_598 = arith.constant 2.900000e+01 : f32
      %broadcast_in_dim3A_599 = vector.broadcast %jit3A_598 : f32 to vector<16xf32>
      %select_n3A_600 = arith.select %eq3A_597, %broadcast_in_dim3A_599, %select_n3A_596 : vector<16xi1>, vector<16xf32>
      %eq3A_601 = arith.cmpf oeq, %select_n3A_532, %min3A_586 : vector<16xf32>
      %jit3A_602 = arith.constant 2.800000e+01 : f32
      %broadcast_in_dim3A_603 = vector.broadcast %jit3A_602 : f32 to vector<16xf32>
      %select_n3A_604 = arith.select %eq3A_601, %broadcast_in_dim3A_603, %select_n3A_600 : vector<16xi1>, vector<16xf32>
      %eq3A_605 = arith.cmpf oeq, %select_n3A_526, %min3A_586 : vector<16xf32>
      %jit3A_606 = arith.constant 2.700000e+01 : f32
      %broadcast_in_dim3A_607 = vector.broadcast %jit3A_606 : f32 to vector<16xf32>
      %select_n3A_608 = arith.select %eq3A_605, %broadcast_in_dim3A_607, %select_n3A_604 : vector<16xi1>, vector<16xf32>
      %eq3A_609 = arith.cmpf oeq, %select_n3A_520, %min3A_586 : vector<16xf32>
      %jit3A_610 = arith.constant 2.600000e+01 : f32
      %broadcast_in_dim3A_611 = vector.broadcast %jit3A_610 : f32 to vector<16xf32>
      %select_n3A_612 = arith.select %eq3A_609, %broadcast_in_dim3A_611, %select_n3A_608 : vector<16xi1>, vector<16xf32>
      %eq3A_613 = arith.cmpf oeq, %select_n3A_514, %min3A_586 : vector<16xf32>
      %jit3A_614 = arith.constant 2.500000e+01 : f32
      %broadcast_in_dim3A_615 = vector.broadcast %jit3A_614 : f32 to vector<16xf32>
      %select_n3A_616 = arith.select %eq3A_613, %broadcast_in_dim3A_615, %select_n3A_612 : vector<16xi1>, vector<16xf32>
      %eq3A_617 = arith.cmpf oeq, %select_n3A_508, %min3A_586 : vector<16xf32>
      %jit3A_618 = arith.constant 2.400000e+01 : f32
      %broadcast_in_dim3A_619 = vector.broadcast %jit3A_618 : f32 to vector<16xf32>
      %select_n3A_620 = arith.select %eq3A_617, %broadcast_in_dim3A_619, %select_n3A_616 : vector<16xi1>, vector<16xf32>
      %eq3A_621 = arith.cmpf oeq, %select_n3A_502, %min3A_586 : vector<16xf32>
      %jit3A_622 = arith.constant 2.300000e+01 : f32
      %broadcast_in_dim3A_623 = vector.broadcast %jit3A_622 : f32 to vector<16xf32>
      %select_n3A_624 = arith.select %eq3A_621, %broadcast_in_dim3A_623, %select_n3A_620 : vector<16xi1>, vector<16xf32>
      %eq3A_625 = arith.cmpf oeq, %select_n3A_496, %min3A_586 : vector<16xf32>
      %jit3A_626 = arith.constant 2.200000e+01 : f32
      %broadcast_in_dim3A_627 = vector.broadcast %jit3A_626 : f32 to vector<16xf32>
      %select_n3A_628 = arith.select %eq3A_625, %broadcast_in_dim3A_627, %select_n3A_624 : vector<16xi1>, vector<16xf32>
      %eq3A_629 = arith.cmpf oeq, %select_n3A_490, %min3A_586 : vector<16xf32>
      %jit3A_630 = arith.constant 2.100000e+01 : f32
      %broadcast_in_dim3A_631 = vector.broadcast %jit3A_630 : f32 to vector<16xf32>
      %select_n3A_632 = arith.select %eq3A_629, %broadcast_in_dim3A_631, %select_n3A_628 : vector<16xi1>, vector<16xf32>
      %eq3A_633 = arith.cmpf oeq, %select_n3A_484, %min3A_586 : vector<16xf32>
      %jit3A_634 = arith.constant 2.000000e+01 : f32
      %broadcast_in_dim3A_635 = vector.broadcast %jit3A_634 : f32 to vector<16xf32>
      %select_n3A_636 = arith.select %eq3A_633, %broadcast_in_dim3A_635, %select_n3A_632 : vector<16xi1>, vector<16xf32>
      %eq3A_637 = arith.cmpf oeq, %select_n3A_478, %min3A_586 : vector<16xf32>
      %jit3A_638 = arith.constant 1.900000e+01 : f32
      %broadcast_in_dim3A_639 = vector.broadcast %jit3A_638 : f32 to vector<16xf32>
      %select_n3A_640 = arith.select %eq3A_637, %broadcast_in_dim3A_639, %select_n3A_636 : vector<16xi1>, vector<16xf32>
      %eq3A_641 = arith.cmpf oeq, %select_n3A_472, %min3A_586 : vector<16xf32>
      %jit3A_642 = arith.constant 1.800000e+01 : f32
      %broadcast_in_dim3A_643 = vector.broadcast %jit3A_642 : f32 to vector<16xf32>
      %select_n3A_644 = arith.select %eq3A_641, %broadcast_in_dim3A_643, %select_n3A_640 : vector<16xi1>, vector<16xf32>
      %eq3A_645 = arith.cmpf oeq, %select_n3A_466, %min3A_586 : vector<16xf32>
      %jit3A_646 = arith.constant 1.700000e+01 : f32
      %broadcast_in_dim3A_647 = vector.broadcast %jit3A_646 : f32 to vector<16xf32>
      %select_n3A_648 = arith.select %eq3A_645, %broadcast_in_dim3A_647, %select_n3A_644 : vector<16xi1>, vector<16xf32>
      %eq3A_649 = arith.cmpf oeq, %select_n3A_460, %min3A_586 : vector<16xf32>
      %jit3A_650 = arith.constant 1.600000e+01 : f32
      %broadcast_in_dim3A_651 = vector.broadcast %jit3A_650 : f32 to vector<16xf32>
      %select_n3A_652 = arith.select %eq3A_649, %broadcast_in_dim3A_651, %select_n3A_648 : vector<16xi1>, vector<16xf32>
      %eq3A_653 = arith.cmpf oeq, %select_n3A_454, %min3A_586 : vector<16xf32>
      %jit3A_654 = arith.constant 1.500000e+01 : f32
      %broadcast_in_dim3A_655 = vector.broadcast %jit3A_654 : f32 to vector<16xf32>
      %select_n3A_656 = arith.select %eq3A_653, %broadcast_in_dim3A_655, %select_n3A_652 : vector<16xi1>, vector<16xf32>
      %eq3A_657 = arith.cmpf oeq, %select_n3A_448, %min3A_586 : vector<16xf32>
      %jit3A_658 = arith.constant 1.400000e+01 : f32
      %broadcast_in_dim3A_659 = vector.broadcast %jit3A_658 : f32 to vector<16xf32>
      %select_n3A_660 = arith.select %eq3A_657, %broadcast_in_dim3A_659, %select_n3A_656 : vector<16xi1>, vector<16xf32>
      %eq3A_661 = arith.cmpf oeq, %select_n3A_442, %min3A_586 : vector<16xf32>
      %jit3A_662 = arith.constant 1.300000e+01 : f32
      %broadcast_in_dim3A_663 = vector.broadcast %jit3A_662 : f32 to vector<16xf32>
      %select_n3A_664 = arith.select %eq3A_661, %broadcast_in_dim3A_663, %select_n3A_660 : vector<16xi1>, vector<16xf32>
      %eq3A_665 = arith.cmpf oeq, %select_n3A_436, %min3A_586 : vector<16xf32>
      %jit3A_666 = arith.constant 1.200000e+01 : f32
      %broadcast_in_dim3A_667 = vector.broadcast %jit3A_666 : f32 to vector<16xf32>
      %select_n3A_668 = arith.select %eq3A_665, %broadcast_in_dim3A_667, %select_n3A_664 : vector<16xi1>, vector<16xf32>
      %eq3A_669 = arith.cmpf oeq, %select_n3A_430, %min3A_586 : vector<16xf32>
      %jit3A_670 = arith.constant 1.100000e+01 : f32
      %broadcast_in_dim3A_671 = vector.broadcast %jit3A_670 : f32 to vector<16xf32>
      %select_n3A_672 = arith.select %eq3A_669, %broadcast_in_dim3A_671, %select_n3A_668 : vector<16xi1>, vector<16xf32>
      %eq3A_673 = arith.cmpf oeq, %select_n3A_424, %min3A_586 : vector<16xf32>
      %jit3A_674 = arith.constant 1.000000e+01 : f32
      %broadcast_in_dim3A_675 = vector.broadcast %jit3A_674 : f32 to vector<16xf32>
      %select_n3A_676 = arith.select %eq3A_673, %broadcast_in_dim3A_675, %select_n3A_672 : vector<16xi1>, vector<16xf32>
      %eq3A_677 = arith.cmpf oeq, %select_n3A_418, %min3A_586 : vector<16xf32>
      %jit3A_678 = arith.constant 9.000000e+00 : f32
      %broadcast_in_dim3A_679 = vector.broadcast %jit3A_678 : f32 to vector<16xf32>
      %select_n3A_680 = arith.select %eq3A_677, %broadcast_in_dim3A_679, %select_n3A_676 : vector<16xi1>, vector<16xf32>
      %eq3A_681 = arith.cmpf oeq, %select_n3A_412, %min3A_586 : vector<16xf32>
      %jit3A_682 = arith.constant 8.000000e+00 : f32
      %broadcast_in_dim3A_683 = vector.broadcast %jit3A_682 : f32 to vector<16xf32>
      %select_n3A_684 = arith.select %eq3A_681, %broadcast_in_dim3A_683, %select_n3A_680 : vector<16xi1>, vector<16xf32>
      %eq3A_685 = arith.cmpf oeq, %select_n3A_406, %min3A_586 : vector<16xf32>
      %jit3A_686 = arith.constant 7.000000e+00 : f32
      %broadcast_in_dim3A_687 = vector.broadcast %jit3A_686 : f32 to vector<16xf32>
      %select_n3A_688 = arith.select %eq3A_685, %broadcast_in_dim3A_687, %select_n3A_684 : vector<16xi1>, vector<16xf32>
      %eq3A_689 = arith.cmpf oeq, %select_n3A_400, %min3A_586 : vector<16xf32>
      %jit3A_690 = arith.constant 6.000000e+00 : f32
      %broadcast_in_dim3A_691 = vector.broadcast %jit3A_690 : f32 to vector<16xf32>
      %select_n3A_692 = arith.select %eq3A_689, %broadcast_in_dim3A_691, %select_n3A_688 : vector<16xi1>, vector<16xf32>
      %eq3A_693 = arith.cmpf oeq, %select_n3A_394, %min3A_586 : vector<16xf32>
      %jit3A_694 = arith.constant 5.000000e+00 : f32
      %broadcast_in_dim3A_695 = vector.broadcast %jit3A_694 : f32 to vector<16xf32>
      %select_n3A_696 = arith.select %eq3A_693, %broadcast_in_dim3A_695, %select_n3A_692 : vector<16xi1>, vector<16xf32>
      %eq3A_697 = arith.cmpf oeq, %select_n3A_388, %min3A_586 : vector<16xf32>
      %jit3A_698 = arith.constant 4.000000e+00 : f32
      %broadcast_in_dim3A_699 = vector.broadcast %jit3A_698 : f32 to vector<16xf32>
      %select_n3A_700 = arith.select %eq3A_697, %broadcast_in_dim3A_699, %select_n3A_696 : vector<16xi1>, vector<16xf32>
      %eq3A_701 = arith.cmpf oeq, %select_n3A_382, %min3A_586 : vector<16xf32>
      %jit3A_702 = arith.constant 3.000000e+00 : f32
      %broadcast_in_dim3A_703 = vector.broadcast %jit3A_702 : f32 to vector<16xf32>
      %select_n3A_704 = arith.select %eq3A_701, %broadcast_in_dim3A_703, %select_n3A_700 : vector<16xi1>, vector<16xf32>
      %eq3A_705 = arith.cmpf oeq, %select_n3A_376, %min3A_586 : vector<16xf32>
      %jit3A_706 = arith.constant 2.000000e+00 : f32
      %broadcast_in_dim3A_707 = vector.broadcast %jit3A_706 : f32 to vector<16xf32>
      %select_n3A_708 = arith.select %eq3A_705, %broadcast_in_dim3A_707, %select_n3A_704 : vector<16xi1>, vector<16xf32>
      %eq3A_709 = arith.cmpf oeq, %select_n3A_370, %min3A_586 : vector<16xf32>
      %jit3A_710 = arith.constant 1.000000e+00 : f32
      %broadcast_in_dim3A_711 = vector.broadcast %jit3A_710 : f32 to vector<16xf32>
      %select_n3A_712 = arith.select %eq3A_709, %broadcast_in_dim3A_711, %select_n3A_708 : vector<16xi1>, vector<16xf32>
      %eq3A_713 = arith.cmpf oeq, %select_n3A_364, %min3A_586 : vector<16xf32>
      %jit3A_714 = arith.constant 0.000000e+00 : f32
      %broadcast_in_dim3A_715 = vector.broadcast %jit3A_714 : f32 to vector<16xf32>
      %select_n3A_716 = arith.select %eq3A_713, %broadcast_in_dim3A_715, %select_n3A_712 : vector<16xi1>, vector<16xf32>
      %eq3A_717 = arith.constant 0.000000e+00 : f32
      %eq3A_718 = vector.broadcast %eq3A_717 : f32 to vector<16xf32>
      %eq3A_719 = arith.cmpf oeq, %select_n3A_716, %eq3A_718 : vector<16xf32>
      %jit3A_720 = arith.constant 0x7F800000 : f32
      %broadcast_in_dim3A_721 = vector.broadcast %jit3A_720 : f32 to vector<16xf32>
      %select_n3A_722 = arith.select %eq3A_719, %broadcast_in_dim3A_721, %select_n3A_364 : vector<16xi1>, vector<16xf32>
      %eq3A_723 = arith.constant 1.000000e+00 : f32
      %eq3A_724 = vector.broadcast %eq3A_723 : f32 to vector<16xf32>
      %eq3A_725 = arith.cmpf oeq, %select_n3A_716, %eq3A_724 : vector<16xf32>
      %jit3A_726 = arith.constant 0x7F800000 : f32
      %broadcast_in_dim3A_727 = vector.broadcast %jit3A_726 : f32 to vector<16xf32>
      %select_n3A_728 = arith.select %eq3A_725, %broadcast_in_dim3A_727, %select_n3A_370 : vector<16xi1>, vector<16xf32>
      %eq3A_729 = arith.constant 2.000000e+00 : f32
      %eq3A_730 = vector.broadcast %eq3A_729 : f32 to vector<16xf32>
      %eq3A_731 = arith.cmpf oeq, %select_n3A_716, %eq3A_730 : vector<16xf32>
      %jit3A_732 = arith.constant 0x7F800000 : f32
      %broadcast_in_dim3A_733 = vector.broadcast %jit3A_732 : f32 to vector<16xf32>
      %select_n3A_734 = arith.select %eq3A_731, %broadcast_in_dim3A_733, %select_n3A_376 : vector<16xi1>, vector<16xf32>
      %eq3A_735 = arith.constant 3.000000e+00 : f32
      %eq3A_736 = vector.broadcast %eq3A_735 : f32 to vector<16xf32>
      %eq3A_737 = arith.cmpf oeq, %select_n3A_716, %eq3A_736 : vector<16xf32>
      %jit3A_738 = arith.constant 0x7F800000 : f32
      %broadcast_in_dim3A_739 = vector.broadcast %jit3A_738 : f32 to vector<16xf32>
      %select_n3A_740 = arith.select %eq3A_737, %broadcast_in_dim3A_739, %select_n3A_382 : vector<16xi1>, vector<16xf32>
      %eq3A_741 = arith.constant 4.000000e+00 : f32
      %eq3A_742 = vector.broadcast %eq3A_741 : f32 to vector<16xf32>
      %eq3A_743 = arith.cmpf oeq, %select_n3A_716, %eq3A_742 : vector<16xf32>
      %jit3A_744 = arith.constant 0x7F800000 : f32
      %broadcast_in_dim3A_745 = vector.broadcast %jit3A_744 : f32 to vector<16xf32>
      %select_n3A_746 = arith.select %eq3A_743, %broadcast_in_dim3A_745, %select_n3A_388 : vector<16xi1>, vector<16xf32>
      %eq3A_747 = arith.constant 5.000000e+00 : f32
      %eq3A_748 = vector.broadcast %eq3A_747 : f32 to vector<16xf32>
      %eq3A_749 = arith.cmpf oeq, %select_n3A_716, %eq3A_748 : vector<16xf32>
      %jit3A_750 = arith.constant 0x7F800000 : f32
      %broadcast_in_dim3A_751 = vector.broadcast %jit3A_750 : f32 to vector<16xf32>
      %select_n3A_752 = arith.select %eq3A_749, %broadcast_in_dim3A_751, %select_n3A_394 : vector<16xi1>, vector<16xf32>
      %eq3A_753 = arith.constant 6.000000e+00 : f32
      %eq3A_754 = vector.broadcast %eq3A_753 : f32 to vector<16xf32>
      %eq3A_755 = arith.cmpf oeq, %select_n3A_716, %eq3A_754 : vector<16xf32>
      %jit3A_756 = arith.constant 0x7F800000 : f32
      %broadcast_in_dim3A_757 = vector.broadcast %jit3A_756 : f32 to vector<16xf32>
      %select_n3A_758 = arith.select %eq3A_755, %broadcast_in_dim3A_757, %select_n3A_400 : vector<16xi1>, vector<16xf32>
      %eq3A_759 = arith.constant 7.000000e+00 : f32
      %eq3A_760 = vector.broadcast %eq3A_759 : f32 to vector<16xf32>
      %eq3A_761 = arith.cmpf oeq, %select_n3A_716, %eq3A_760 : vector<16xf32>
      %jit3A_762 = arith.constant 0x7F800000 : f32
      %broadcast_in_dim3A_763 = vector.broadcast %jit3A_762 : f32 to vector<16xf32>
      %select_n3A_764 = arith.select %eq3A_761, %broadcast_in_dim3A_763, %select_n3A_406 : vector<16xi1>, vector<16xf32>
      %eq3A_765 = arith.constant 8.000000e+00 : f32
      %eq3A_766 = vector.broadcast %eq3A_765 : f32 to vector<16xf32>
      %eq3A_767 = arith.cmpf oeq, %select_n3A_716, %eq3A_766 : vector<16xf32>
      %jit3A_768 = arith.constant 0x7F800000 : f32
      %broadcast_in_dim3A_769 = vector.broadcast %jit3A_768 : f32 to vector<16xf32>
      %select_n3A_770 = arith.select %eq3A_767, %broadcast_in_dim3A_769, %select_n3A_412 : vector<16xi1>, vector<16xf32>
      %eq3A_771 = arith.constant 9.000000e+00 : f32
      %eq3A_772 = vector.broadcast %eq3A_771 : f32 to vector<16xf32>
      %eq3A_773 = arith.cmpf oeq, %select_n3A_716, %eq3A_772 : vector<16xf32>
      %jit3A_774 = arith.constant 0x7F800000 : f32
      %broadcast_in_dim3A_775 = vector.broadcast %jit3A_774 : f32 to vector<16xf32>
      %select_n3A_776 = arith.select %eq3A_773, %broadcast_in_dim3A_775, %select_n3A_418 : vector<16xi1>, vector<16xf32>
      %eq3A_777 = arith.constant 1.000000e+01 : f32
      %eq3A_778 = vector.broadcast %eq3A_777 : f32 to vector<16xf32>
      %eq3A_779 = arith.cmpf oeq, %select_n3A_716, %eq3A_778 : vector<16xf32>
      %jit3A_780 = arith.constant 0x7F800000 : f32
      %broadcast_in_dim3A_781 = vector.broadcast %jit3A_780 : f32 to vector<16xf32>
      %select_n3A_782 = arith.select %eq3A_779, %broadcast_in_dim3A_781, %select_n3A_424 : vector<16xi1>, vector<16xf32>
      %eq3A_783 = arith.constant 1.100000e+01 : f32
      %eq3A_784 = vector.broadcast %eq3A_783 : f32 to vector<16xf32>
      %eq3A_785 = arith.cmpf oeq, %select_n3A_716, %eq3A_784 : vector<16xf32>
      %jit3A_786 = arith.constant 0x7F800000 : f32
      %broadcast_in_dim3A_787 = vector.broadcast %jit3A_786 : f32 to vector<16xf32>
      %select_n3A_788 = arith.select %eq3A_785, %broadcast_in_dim3A_787, %select_n3A_430 : vector<16xi1>, vector<16xf32>
      %eq3A_789 = arith.constant 1.200000e+01 : f32
      %eq3A_790 = vector.broadcast %eq3A_789 : f32 to vector<16xf32>
      %eq3A_791 = arith.cmpf oeq, %select_n3A_716, %eq3A_790 : vector<16xf32>
      %jit3A_792 = arith.constant 0x7F800000 : f32
      %broadcast_in_dim3A_793 = vector.broadcast %jit3A_792 : f32 to vector<16xf32>
      %select_n3A_794 = arith.select %eq3A_791, %broadcast_in_dim3A_793, %select_n3A_436 : vector<16xi1>, vector<16xf32>
      %eq3A_795 = arith.constant 1.300000e+01 : f32
      %eq3A_796 = vector.broadcast %eq3A_795 : f32 to vector<16xf32>
      %eq3A_797 = arith.cmpf oeq, %select_n3A_716, %eq3A_796 : vector<16xf32>
      %jit3A_798 = arith.constant 0x7F800000 : f32
      %broadcast_in_dim3A_799 = vector.broadcast %jit3A_798 : f32 to vector<16xf32>
      %select_n3A_800 = arith.select %eq3A_797, %broadcast_in_dim3A_799, %select_n3A_442 : vector<16xi1>, vector<16xf32>
      %eq3A_801 = arith.constant 1.400000e+01 : f32
      %eq3A_802 = vector.broadcast %eq3A_801 : f32 to vector<16xf32>
      %eq3A_803 = arith.cmpf oeq, %select_n3A_716, %eq3A_802 : vector<16xf32>
      %jit3A_804 = arith.constant 0x7F800000 : f32
      %broadcast_in_dim3A_805 = vector.broadcast %jit3A_804 : f32 to vector<16xf32>
      %select_n3A_806 = arith.select %eq3A_803, %broadcast_in_dim3A_805, %select_n3A_448 : vector<16xi1>, vector<16xf32>
      %eq3A_807 = arith.constant 1.500000e+01 : f32
      %eq3A_808 = vector.broadcast %eq3A_807 : f32 to vector<16xf32>
      %eq3A_809 = arith.cmpf oeq, %select_n3A_716, %eq3A_808 : vector<16xf32>
      %jit3A_810 = arith.constant 0x7F800000 : f32
      %broadcast_in_dim3A_811 = vector.broadcast %jit3A_810 : f32 to vector<16xf32>
      %select_n3A_812 = arith.select %eq3A_809, %broadcast_in_dim3A_811, %select_n3A_454 : vector<16xi1>, vector<16xf32>
      %eq3A_813 = arith.constant 1.600000e+01 : f32
      %eq3A_814 = vector.broadcast %eq3A_813 : f32 to vector<16xf32>
      %eq3A_815 = arith.cmpf oeq, %select_n3A_716, %eq3A_814 : vector<16xf32>
      %jit3A_816 = arith.constant 0x7F800000 : f32
      %broadcast_in_dim3A_817 = vector.broadcast %jit3A_816 : f32 to vector<16xf32>
      %select_n3A_818 = arith.select %eq3A_815, %broadcast_in_dim3A_817, %select_n3A_460 : vector<16xi1>, vector<16xf32>
      %eq3A_819 = arith.constant 1.700000e+01 : f32
      %eq3A_820 = vector.broadcast %eq3A_819 : f32 to vector<16xf32>
      %eq3A_821 = arith.cmpf oeq, %select_n3A_716, %eq3A_820 : vector<16xf32>
      %jit3A_822 = arith.constant 0x7F800000 : f32
      %broadcast_in_dim3A_823 = vector.broadcast %jit3A_822 : f32 to vector<16xf32>
      %select_n3A_824 = arith.select %eq3A_821, %broadcast_in_dim3A_823, %select_n3A_466 : vector<16xi1>, vector<16xf32>
      %eq3A_825 = arith.constant 1.800000e+01 : f32
      %eq3A_826 = vector.broadcast %eq3A_825 : f32 to vector<16xf32>
      %eq3A_827 = arith.cmpf oeq, %select_n3A_716, %eq3A_826 : vector<16xf32>
      %jit3A_828 = arith.constant 0x7F800000 : f32
      %broadcast_in_dim3A_829 = vector.broadcast %jit3A_828 : f32 to vector<16xf32>
      %select_n3A_830 = arith.select %eq3A_827, %broadcast_in_dim3A_829, %select_n3A_472 : vector<16xi1>, vector<16xf32>
      %eq3A_831 = arith.constant 1.900000e+01 : f32
      %eq3A_832 = vector.broadcast %eq3A_831 : f32 to vector<16xf32>
      %eq3A_833 = arith.cmpf oeq, %select_n3A_716, %eq3A_832 : vector<16xf32>
      %jit3A_834 = arith.constant 0x7F800000 : f32
      %broadcast_in_dim3A_835 = vector.broadcast %jit3A_834 : f32 to vector<16xf32>
      %select_n3A_836 = arith.select %eq3A_833, %broadcast_in_dim3A_835, %select_n3A_478 : vector<16xi1>, vector<16xf32>
      %eq3A_837 = arith.constant 2.000000e+01 : f32
      %eq3A_838 = vector.broadcast %eq3A_837 : f32 to vector<16xf32>
      %eq3A_839 = arith.cmpf oeq, %select_n3A_716, %eq3A_838 : vector<16xf32>
      %jit3A_840 = arith.constant 0x7F800000 : f32
      %broadcast_in_dim3A_841 = vector.broadcast %jit3A_840 : f32 to vector<16xf32>
      %select_n3A_842 = arith.select %eq3A_839, %broadcast_in_dim3A_841, %select_n3A_484 : vector<16xi1>, vector<16xf32>
      %eq3A_843 = arith.constant 2.100000e+01 : f32
      %eq3A_844 = vector.broadcast %eq3A_843 : f32 to vector<16xf32>
      %eq3A_845 = arith.cmpf oeq, %select_n3A_716, %eq3A_844 : vector<16xf32>
      %jit3A_846 = arith.constant 0x7F800000 : f32
      %broadcast_in_dim3A_847 = vector.broadcast %jit3A_846 : f32 to vector<16xf32>
      %select_n3A_848 = arith.select %eq3A_845, %broadcast_in_dim3A_847, %select_n3A_490 : vector<16xi1>, vector<16xf32>
      %eq3A_849 = arith.constant 2.200000e+01 : f32
      %eq3A_850 = vector.broadcast %eq3A_849 : f32 to vector<16xf32>
      %eq3A_851 = arith.cmpf oeq, %select_n3A_716, %eq3A_850 : vector<16xf32>
      %jit3A_852 = arith.constant 0x7F800000 : f32
      %broadcast_in_dim3A_853 = vector.broadcast %jit3A_852 : f32 to vector<16xf32>
      %select_n3A_854 = arith.select %eq3A_851, %broadcast_in_dim3A_853, %select_n3A_496 : vector<16xi1>, vector<16xf32>
      %eq3A_855 = arith.constant 2.300000e+01 : f32
      %eq3A_856 = vector.broadcast %eq3A_855 : f32 to vector<16xf32>
      %eq3A_857 = arith.cmpf oeq, %select_n3A_716, %eq3A_856 : vector<16xf32>
      %jit3A_858 = arith.constant 0x7F800000 : f32
      %broadcast_in_dim3A_859 = vector.broadcast %jit3A_858 : f32 to vector<16xf32>
      %select_n3A_860 = arith.select %eq3A_857, %broadcast_in_dim3A_859, %select_n3A_502 : vector<16xi1>, vector<16xf32>
      %eq3A_861 = arith.constant 2.400000e+01 : f32
      %eq3A_862 = vector.broadcast %eq3A_861 : f32 to vector<16xf32>
      %eq3A_863 = arith.cmpf oeq, %select_n3A_716, %eq3A_862 : vector<16xf32>
      %jit3A_864 = arith.constant 0x7F800000 : f32
      %broadcast_in_dim3A_865 = vector.broadcast %jit3A_864 : f32 to vector<16xf32>
      %select_n3A_866 = arith.select %eq3A_863, %broadcast_in_dim3A_865, %select_n3A_508 : vector<16xi1>, vector<16xf32>
      %eq3A_867 = arith.constant 2.500000e+01 : f32
      %eq3A_868 = vector.broadcast %eq3A_867 : f32 to vector<16xf32>
      %eq3A_869 = arith.cmpf oeq, %select_n3A_716, %eq3A_868 : vector<16xf32>
      %jit3A_870 = arith.constant 0x7F800000 : f32
      %broadcast_in_dim3A_871 = vector.broadcast %jit3A_870 : f32 to vector<16xf32>
      %select_n3A_872 = arith.select %eq3A_869, %broadcast_in_dim3A_871, %select_n3A_514 : vector<16xi1>, vector<16xf32>
      %eq3A_873 = arith.constant 2.600000e+01 : f32
      %eq3A_874 = vector.broadcast %eq3A_873 : f32 to vector<16xf32>
      %eq3A_875 = arith.cmpf oeq, %select_n3A_716, %eq3A_874 : vector<16xf32>
      %jit3A_876 = arith.constant 0x7F800000 : f32
      %broadcast_in_dim3A_877 = vector.broadcast %jit3A_876 : f32 to vector<16xf32>
      %select_n3A_878 = arith.select %eq3A_875, %broadcast_in_dim3A_877, %select_n3A_520 : vector<16xi1>, vector<16xf32>
      %eq3A_879 = arith.constant 2.700000e+01 : f32
      %eq3A_880 = vector.broadcast %eq3A_879 : f32 to vector<16xf32>
      %eq3A_881 = arith.cmpf oeq, %select_n3A_716, %eq3A_880 : vector<16xf32>
      %jit3A_882 = arith.constant 0x7F800000 : f32
      %broadcast_in_dim3A_883 = vector.broadcast %jit3A_882 : f32 to vector<16xf32>
      %select_n3A_884 = arith.select %eq3A_881, %broadcast_in_dim3A_883, %select_n3A_526 : vector<16xi1>, vector<16xf32>
      %eq3A_885 = arith.constant 2.800000e+01 : f32
      %eq3A_886 = vector.broadcast %eq3A_885 : f32 to vector<16xf32>
      %eq3A_887 = arith.cmpf oeq, %select_n3A_716, %eq3A_886 : vector<16xf32>
      %jit3A_888 = arith.constant 0x7F800000 : f32
      %broadcast_in_dim3A_889 = vector.broadcast %jit3A_888 : f32 to vector<16xf32>
      %select_n3A_890 = arith.select %eq3A_887, %broadcast_in_dim3A_889, %select_n3A_532 : vector<16xi1>, vector<16xf32>
      %eq3A_891 = arith.constant 2.900000e+01 : f32
      %eq3A_892 = vector.broadcast %eq3A_891 : f32 to vector<16xf32>
      %eq3A_893 = arith.cmpf oeq, %select_n3A_716, %eq3A_892 : vector<16xf32>
      %jit3A_894 = arith.constant 0x7F800000 : f32
      %broadcast_in_dim3A_895 = vector.broadcast %jit3A_894 : f32 to vector<16xf32>
      %select_n3A_896 = arith.select %eq3A_893, %broadcast_in_dim3A_895, %select_n3A_538 : vector<16xi1>, vector<16xf32>
      %eq3A_897 = arith.constant 3.000000e+01 : f32
      %eq3A_898 = vector.broadcast %eq3A_897 : f32 to vector<16xf32>
      %eq3A_899 = arith.cmpf oeq, %select_n3A_716, %eq3A_898 : vector<16xf32>
      %jit3A_900 = arith.constant 0x7F800000 : f32
      %broadcast_in_dim3A_901 = vector.broadcast %jit3A_900 : f32 to vector<16xf32>
      %select_n3A_902 = arith.select %eq3A_899, %broadcast_in_dim3A_901, %select_n3A_544 : vector<16xi1>, vector<16xf32>
      %eq3A_903 = arith.constant 3.100000e+01 : f32
      %eq3A_904 = vector.broadcast %eq3A_903 : f32 to vector<16xf32>
      %eq3A_905 = arith.cmpf oeq, %select_n3A_716, %eq3A_904 : vector<16xf32>
      %jit3A_906 = arith.constant 0x7F800000 : f32
      %broadcast_in_dim3A_907 = vector.broadcast %jit3A_906 : f32 to vector<16xf32>
      %select_n3A_908 = arith.select %eq3A_905, %broadcast_in_dim3A_907, %select_n3A_550 : vector<16xi1>, vector<16xf32>
      %swap3A_909 = arith.constant 1 : i32
      %swap3A_910 = arith.index_cast %swap3A_909 : i32 to index
      %swap3A_911 = arith.index_cast %mul3A_40 : i32 to index
      %swap3A_912 = tpu.vector_load %arg5[%swap3A_910, %swap3A_911] {strides = array<i32>} : memref<5x256xf32, #tpu.memory_space<vmem>>, vector<1x16xf32>,
      %swap3A_913 = vector.shape_cast %swap3A_912 : vector<1x16xf32> to vector<16xf32>
      %swap3A_914 = vector.shape_cast %select_n3A_716 : vector<16xf32> to vector<1x16xf32>
      tpu.vector_store %arg5[%swap3A_910, %swap3A_911], %swap3A_914 {strides = array<i32>} : memref<5x256xf32, #tpu.memory_space<vmem>>, vector<1x16xf32>,
      %min3A_915 = arith.minimumf %select_n3A_722, %select_n3A_728 : vector<16xf32>
      %min3A_916 = arith.minimumf %select_n3A_734, %select_n3A_740 : vector<16xf32>
      %min3A_917 = arith.minimumf %select_n3A_746, %select_n3A_752 : vector<16xf32>
      %min3A_918 = arith.minimumf %select_n3A_758, %select_n3A_764 : vector<16xf32>
      %min3A_919 = arith.minimumf %select_n3A_770, %select_n3A_776 : vector<16xf32>
      %min3A_920 = arith.minimumf %select_n3A_782, %select_n3A_788 : vector<16xf32>
      %min3A_921 = arith.minimumf %select_n3A_794, %select_n3A_800 : vector<16xf32>
      %min3A_922 = arith.minimumf %select_n3A_806, %select_n3A_812 : vector<16xf32>
      %min3A_923 = arith.minimumf %select_n3A_818, %select_n3A_824 : vector<16xf32>
      %min3A_924 = arith.minimumf %select_n3A_830, %select_n3A_836 : vector<16xf32>
      %min3A_925 = arith.minimumf %select_n3A_842, %select_n3A_848 : vector<16xf32>
      %min3A_926 = arith.minimumf %select_n3A_854, %select_n3A_860 : vector<16xf32>
      %min3A_927 = arith.minimumf %select_n3A_866, %select_n3A_872 : vector<16xf32>
      %min3A_928 = arith.minimumf %select_n3A_878, %select_n3A_884 : vector<16xf32>
      %min3A_929 = arith.minimumf %select_n3A_890, %select_n3A_896 : vector<16xf32>
      %min3A_930 = arith.minimumf %select_n3A_902, %select_n3A_908 : vector<16xf32>
      %min3A_931 = arith.minimumf %min3A_915, %min3A_916 : vector<16xf32>
      %min3A_932 = arith.minimumf %min3A_917, %min3A_918 : vector<16xf32>
      %min3A_933 = arith.minimumf %min3A_919, %min3A_920 : vector<16xf32>
      %min3A_934 = arith.minimumf %min3A_921, %min3A_922 : vector<16xf32>
      %min3A_935 = arith.minimumf %min3A_923, %min3A_924 : vector<16xf32>
      %min3A_936 = arith.minimumf %min3A_925, %min3A_926 : vector<16xf32>
      %min3A_937 = arith.minimumf %min3A_927, %min3A_928 : vector<16xf32>
      %min3A_938 = arith.minimumf %min3A_929, %min3A_930 : vector<16xf32>
      %min3A_939 = arith.minimumf %min3A_931, %min3A_932 : vector<16xf32>
      %min3A_940 = arith.minimumf %min3A_933, %min3A_934 : vector<16xf32>
      %min3A_941 = arith.minimumf %min3A_935, %min3A_936 : vector<16xf32>
      %min3A_942 = arith.minimumf %min3A_937, %min3A_938 : vector<16xf32>
      %min3A_943 = arith.minimumf %min3A_939, %min3A_940 : vector<16xf32>
      %min3A_944 = arith.minimumf %min3A_941, %min3A_942 : vector<16xf32>
      %min3A_945 = arith.minimumf %min3A_943, %min3A_944 : vector<16xf32>
      %broadcast_in_dim3A_946 = arith.constant 3.200000e+01 : f32
      %broadcast_in_dim3A_947 = vector.broadcast %broadcast_in_dim3A_946 : f32 to vector<16xf32>
      %eq3A_948 = arith.cmpf oeq, %select_n3A_908, %min3A_945 : vector<16xf32>
      %jit3A_949 = arith.constant 3.100000e+01 : f32
      %broadcast_in_dim3A_950 = vector.broadcast %jit3A_949 : f32 to vector<16xf32>
      %select_n3A_951 = arith.select %eq3A_948, %broadcast_in_dim3A_950, %broadcast_in_dim3A_947 : vector<16xi1>, vector<16xf32>
      %eq3A_952 = arith.cmpf oeq, %select_n3A_902, %min3A_945 : vector<16xf32>
      %jit3A_953 = arith.constant 3.000000e+01 : f32
      %broadcast_in_dim3A_954 = vector.broadcast %jit3A_953 : f32 to vector<16xf32>
      %select_n3A_955 = arith.select %eq3A_952, %broadcast_in_dim3A_954, %select_n3A_951 : vector<16xi1>, vector<16xf32>
      %eq3A_956 = arith.cmpf oeq, %select_n3A_896, %min3A_945 : vector<16xf32>
      %jit3A_957 = arith.constant 2.900000e+01 : f32
      %broadcast_in_dim3A_958 = vector.broadcast %jit3A_957 : f32 to vector<16xf32>
      %select_n3A_959 = arith.select %eq3A_956, %broadcast_in_dim3A_958, %select_n3A_955 : vector<16xi1>, vector<16xf32>
      %eq3A_960 = arith.cmpf oeq, %select_n3A_890, %min3A_945 : vector<16xf32>
      %jit3A_961 = arith.constant 2.800000e+01 : f32
      %broadcast_in_dim3A_962 = vector.broadcast %jit3A_961 : f32 to vector<16xf32>
      %select_n3A_963 = arith.select %eq3A_960, %broadcast_in_dim3A_962, %select_n3A_959 : vector<16xi1>, vector<16xf32>
      %eq3A_964 = arith.cmpf oeq, %select_n3A_884, %min3A_945 : vector<16xf32>
      %jit3A_965 = arith.constant 2.700000e+01 : f32
      %broadcast_in_dim3A_966 = vector.broadcast %jit3A_965 : f32 to vector<16xf32>
      %select_n3A_967 = arith.select %eq3A_964, %broadcast_in_dim3A_966, %select_n3A_963 : vector<16xi1>, vector<16xf32>
      %eq3A_968 = arith.cmpf oeq, %select_n3A_878, %min3A_945 : vector<16xf32>
      %jit3A_969 = arith.constant 2.600000e+01 : f32
      %broadcast_in_dim3A_970 = vector.broadcast %jit3A_969 : f32 to vector<16xf32>
      %select_n3A_971 = arith.select %eq3A_968, %broadcast_in_dim3A_970, %select_n3A_967 : vector<16xi1>, vector<16xf32>
      %eq3A_972 = arith.cmpf oeq, %select_n3A_872, %min3A_945 : vector<16xf32>
      %jit3A_973 = arith.constant 2.500000e+01 : f32
      %broadcast_in_dim3A_974 = vector.broadcast %jit3A_973 : f32 to vector<16xf32>
      %select_n3A_975 = arith.select %eq3A_972, %broadcast_in_dim3A_974, %select_n3A_971 : vector<16xi1>, vector<16xf32>
      %eq3A_976 = arith.cmpf oeq, %select_n3A_866, %min3A_945 : vector<16xf32>
      %jit3A_977 = arith.constant 2.400000e+01 : f32
      %broadcast_in_dim3A_978 = vector.broadcast %jit3A_977 : f32 to vector<16xf32>
      %select_n3A_979 = arith.select %eq3A_976, %broadcast_in_dim3A_978, %select_n3A_975 : vector<16xi1>, vector<16xf32>
      %eq3A_980 = arith.cmpf oeq, %select_n3A_860, %min3A_945 : vector<16xf32>
      %jit3A_981 = arith.constant 2.300000e+01 : f32
      %broadcast_in_dim3A_982 = vector.broadcast %jit3A_981 : f32 to vector<16xf32>
      %select_n3A_983 = arith.select %eq3A_980, %broadcast_in_dim3A_982, %select_n3A_979 : vector<16xi1>, vector<16xf32>
      %eq3A_984 = arith.cmpf oeq, %select_n3A_854, %min3A_945 : vector<16xf32>
      %jit3A_985 = arith.constant 2.200000e+01 : f32
      %broadcast_in_dim3A_986 = vector.broadcast %jit3A_985 : f32 to vector<16xf32>
      %select_n3A_987 = arith.select %eq3A_984, %broadcast_in_dim3A_986, %select_n3A_983 : vector<16xi1>, vector<16xf32>
      %eq3A_988 = arith.cmpf oeq, %select_n3A_848, %min3A_945 : vector<16xf32>
      %jit3A_989 = arith.constant 2.100000e+01 : f32
      %broadcast_in_dim3A_990 = vector.broadcast %jit3A_989 : f32 to vector<16xf32>
      %select_n3A_991 = arith.select %eq3A_988, %broadcast_in_dim3A_990, %select_n3A_987 : vector<16xi1>, vector<16xf32>
      %eq3A_992 = arith.cmpf oeq, %select_n3A_842, %min3A_945 : vector<16xf32>
      %jit3A_993 = arith.constant 2.000000e+01 : f32
      %broadcast_in_dim3A_994 = vector.broadcast %jit3A_993 : f32 to vector<16xf32>
      %select_n3A_995 = arith.select %eq3A_992, %broadcast_in_dim3A_994, %select_n3A_991 : vector<16xi1>, vector<16xf32>
      %eq3A_996 = arith.cmpf oeq, %select_n3A_836, %min3A_945 : vector<16xf32>
      %jit3A_997 = arith.constant 1.900000e+01 : f32
      %broadcast_in_dim3A_998 = vector.broadcast %jit3A_997 : f32 to vector<16xf32>
      %select_n3A_999 = arith.select %eq3A_996, %broadcast_in_dim3A_998, %select_n3A_995 : vector<16xi1>, vector<16xf32>
      %eq3A_1000 = arith.cmpf oeq, %select_n3A_830, %min3A_945 : vector<16xf32>
      %jit3A_1001 = arith.constant 1.800000e+01 : f32
      %broadcast_in_dim3A_1002 = vector.broadcast %jit3A_1001 : f32 to vector<16xf32>
      %select_n3A_1003 = arith.select %eq3A_1000, %broadcast_in_dim3A_1002, %select_n3A_999 : vector<16xi1>, vector<16xf32>
      %eq3A_1004 = arith.cmpf oeq, %select_n3A_824, %min3A_945 : vector<16xf32>
      %jit3A_1005 = arith.constant 1.700000e+01 : f32
      %broadcast_in_dim3A_1006 = vector.broadcast %jit3A_1005 : f32 to vector<16xf32>
      %select_n3A_1007 = arith.select %eq3A_1004, %broadcast_in_dim3A_1006, %select_n3A_1003 : vector<16xi1>, vector<16xf32>
      %eq3A_1008 = arith.cmpf oeq, %select_n3A_818, %min3A_945 : vector<16xf32>
      %jit3A_1009 = arith.constant 1.600000e+01 : f32
      %broadcast_in_dim3A_1010 = vector.broadcast %jit3A_1009 : f32 to vector<16xf32>
      %select_n3A_1011 = arith.select %eq3A_1008, %broadcast_in_dim3A_1010, %select_n3A_1007 : vector<16xi1>, vector<16xf32>
      %eq3A_1012 = arith.cmpf oeq, %select_n3A_812, %min3A_945 : vector<16xf32>
      %jit3A_1013 = arith.constant 1.500000e+01 : f32
      %broadcast_in_dim3A_1014 = vector.broadcast %jit3A_1013 : f32 to vector<16xf32>
      %select_n3A_1015 = arith.select %eq3A_1012, %broadcast_in_dim3A_1014, %select_n3A_1011 : vector<16xi1>, vector<16xf32>
      %eq3A_1016 = arith.cmpf oeq, %select_n3A_806, %min3A_945 : vector<16xf32>
      %jit3A_1017 = arith.constant 1.400000e+01 : f32
      %broadcast_in_dim3A_1018 = vector.broadcast %jit3A_1017 : f32 to vector<16xf32>
      %select_n3A_1019 = arith.select %eq3A_1016, %broadcast_in_dim3A_1018, %select_n3A_1015 : vector<16xi1>, vector<16xf32>
      %eq3A_1020 = arith.cmpf oeq, %select_n3A_800, %min3A_945 : vector<16xf32>
      %jit3A_1021 = arith.constant 1.300000e+01 : f32
      %broadcast_in_dim3A_1022 = vector.broadcast %jit3A_1021 : f32 to vector<16xf32>
      %select_n3A_1023 = arith.select %eq3A_1020, %broadcast_in_dim3A_1022, %select_n3A_1019 : vector<16xi1>, vector<16xf32>
      %eq3A_1024 = arith.cmpf oeq, %select_n3A_794, %min3A_945 : vector<16xf32>
      %jit3A_1025 = arith.constant 1.200000e+01 : f32
      %broadcast_in_dim3A_1026 = vector.broadcast %jit3A_1025 : f32 to vector<16xf32>
      %select_n3A_1027 = arith.select %eq3A_1024, %broadcast_in_dim3A_1026, %select_n3A_1023 : vector<16xi1>, vector<16xf32>
      %eq3A_1028 = arith.cmpf oeq, %select_n3A_788, %min3A_945 : vector<16xf32>
      %jit3A_1029 = arith.constant 1.100000e+01 : f32
      %broadcast_in_dim3A_1030 = vector.broadcast %jit3A_1029 : f32 to vector<16xf32>
      %select_n3A_1031 = arith.select %eq3A_1028, %broadcast_in_dim3A_1030, %select_n3A_1027 : vector<16xi1>, vector<16xf32>
      %eq3A_1032 = arith.cmpf oeq, %select_n3A_782, %min3A_945 : vector<16xf32>
      %jit3A_1033 = arith.constant 1.000000e+01 : f32
      %broadcast_in_dim3A_1034 = vector.broadcast %jit3A_1033 : f32 to vector<16xf32>
      %select_n3A_1035 = arith.select %eq3A_1032, %broadcast_in_dim3A_1034, %select_n3A_1031 : vector<16xi1>, vector<16xf32>
      %eq3A_1036 = arith.cmpf oeq, %select_n3A_776, %min3A_945 : vector<16xf32>
      %jit3A_1037 = arith.constant 9.000000e+00 : f32
      %broadcast_in_dim3A_1038 = vector.broadcast %jit3A_1037 : f32 to vector<16xf32>
      %select_n3A_1039 = arith.select %eq3A_1036, %broadcast_in_dim3A_1038, %select_n3A_1035 : vector<16xi1>, vector<16xf32>
      %eq3A_1040 = arith.cmpf oeq, %select_n3A_770, %min3A_945 : vector<16xf32>
      %jit3A_1041 = arith.constant 8.000000e+00 : f32
      %broadcast_in_dim3A_1042 = vector.broadcast %jit3A_1041 : f32 to vector<16xf32>
      %select_n3A_1043 = arith.select %eq3A_1040, %broadcast_in_dim3A_1042, %select_n3A_1039 : vector<16xi1>, vector<16xf32>
      %eq3A_1044 = arith.cmpf oeq, %select_n3A_764, %min3A_945 : vector<16xf32>
      %jit3A_1045 = arith.constant 7.000000e+00 : f32
      %broadcast_in_dim3A_1046 = vector.broadcast %jit3A_1045 : f32 to vector<16xf32>
      %select_n3A_1047 = arith.select %eq3A_1044, %broadcast_in_dim3A_1046, %select_n3A_1043 : vector<16xi1>, vector<16xf32>
      %eq3A_1048 = arith.cmpf oeq, %select_n3A_758, %min3A_945 : vector<16xf32>
      %jit3A_1049 = arith.constant 6.000000e+00 : f32
      %broadcast_in_dim3A_1050 = vector.broadcast %jit3A_1049 : f32 to vector<16xf32>
      %select_n3A_1051 = arith.select %eq3A_1048, %broadcast_in_dim3A_1050, %select_n3A_1047 : vector<16xi1>, vector<16xf32>
      %eq3A_1052 = arith.cmpf oeq, %select_n3A_752, %min3A_945 : vector<16xf32>
      %jit3A_1053 = arith.constant 5.000000e+00 : f32
      %broadcast_in_dim3A_1054 = vector.broadcast %jit3A_1053 : f32 to vector<16xf32>
      %select_n3A_1055 = arith.select %eq3A_1052, %broadcast_in_dim3A_1054, %select_n3A_1051 : vector<16xi1>, vector<16xf32>
      %eq3A_1056 = arith.cmpf oeq, %select_n3A_746, %min3A_945 : vector<16xf32>
      %jit3A_1057 = arith.constant 4.000000e+00 : f32
      %broadcast_in_dim3A_1058 = vector.broadcast %jit3A_1057 : f32 to vector<16xf32>
      %select_n3A_1059 = arith.select %eq3A_1056, %broadcast_in_dim3A_1058, %select_n3A_1055 : vector<16xi1>, vector<16xf32>
      %eq3A_1060 = arith.cmpf oeq, %select_n3A_740, %min3A_945 : vector<16xf32>
      %jit3A_1061 = arith.constant 3.000000e+00 : f32
      %broadcast_in_dim3A_1062 = vector.broadcast %jit3A_1061 : f32 to vector<16xf32>
      %select_n3A_1063 = arith.select %eq3A_1060, %broadcast_in_dim3A_1062, %select_n3A_1059 : vector<16xi1>, vector<16xf32>
      %eq3A_1064 = arith.cmpf oeq, %select_n3A_734, %min3A_945 : vector<16xf32>
      %jit3A_1065 = arith.constant 2.000000e+00 : f32
      %broadcast_in_dim3A_1066 = vector.broadcast %jit3A_1065 : f32 to vector<16xf32>
      %select_n3A_1067 = arith.select %eq3A_1064, %broadcast_in_dim3A_1066, %select_n3A_1063 : vector<16xi1>, vector<16xf32>
      %eq3A_1068 = arith.cmpf oeq, %select_n3A_728, %min3A_945 : vector<16xf32>
      %jit3A_1069 = arith.constant 1.000000e+00 : f32
      %broadcast_in_dim3A_1070 = vector.broadcast %jit3A_1069 : f32 to vector<16xf32>
      %select_n3A_1071 = arith.select %eq3A_1068, %broadcast_in_dim3A_1070, %select_n3A_1067 : vector<16xi1>, vector<16xf32>
      %eq3A_1072 = arith.cmpf oeq, %select_n3A_722, %min3A_945 : vector<16xf32>
      %jit3A_1073 = arith.constant 0.000000e+00 : f32
      %broadcast_in_dim3A_1074 = vector.broadcast %jit3A_1073 : f32 to vector<16xf32>
      %select_n3A_1075 = arith.select %eq3A_1072, %broadcast_in_dim3A_1074, %select_n3A_1071 : vector<16xi1>, vector<16xf32>
      %eq3A_1076 = arith.constant 0.000000e+00 : f32
      %eq3A_1077 = vector.broadcast %eq3A_1076 : f32 to vector<16xf32>
      %eq3A_1078 = arith.cmpf oeq, %select_n3A_1075, %eq3A_1077 : vector<16xf32>
      %jit3A_1079 = arith.constant 0x7F800000 : f32
      %broadcast_in_dim3A_1080 = vector.broadcast %jit3A_1079 : f32 to vector<16xf32>
      %select_n3A_1081 = arith.select %eq3A_1078, %broadcast_in_dim3A_1080, %select_n3A_722 : vector<16xi1>, vector<16xf32>
      %eq3A_1082 = arith.constant 1.000000e+00 : f32
      %eq3A_1083 = vector.broadcast %eq3A_1082 : f32 to vector<16xf32>
      %eq3A_1084 = arith.cmpf oeq, %select_n3A_1075, %eq3A_1083 : vector<16xf32>
      %jit3A_1085 = arith.constant 0x7F800000 : f32
      %broadcast_in_dim3A_1086 = vector.broadcast %jit3A_1085 : f32 to vector<16xf32>
      %select_n3A_1087 = arith.select %eq3A_1084, %broadcast_in_dim3A_1086, %select_n3A_728 : vector<16xi1>, vector<16xf32>
      %eq3A_1088 = arith.constant 2.000000e+00 : f32
      %eq3A_1089 = vector.broadcast %eq3A_1088 : f32 to vector<16xf32>
      %eq3A_1090 = arith.cmpf oeq, %select_n3A_1075, %eq3A_1089 : vector<16xf32>
      %jit3A_1091 = arith.constant 0x7F800000 : f32
      %broadcast_in_dim3A_1092 = vector.broadcast %jit3A_1091 : f32 to vector<16xf32>
      %select_n3A_1093 = arith.select %eq3A_1090, %broadcast_in_dim3A_1092, %select_n3A_734 : vector<16xi1>, vector<16xf32>
      %eq3A_1094 = arith.constant 3.000000e+00 : f32
      %eq3A_1095 = vector.broadcast %eq3A_1094 : f32 to vector<16xf32>
      %eq3A_1096 = arith.cmpf oeq, %select_n3A_1075, %eq3A_1095 : vector<16xf32>
      %jit3A_1097 = arith.constant 0x7F800000 : f32
      %broadcast_in_dim3A_1098 = vector.broadcast %jit3A_1097 : f32 to vector<16xf32>
      %select_n3A_1099 = arith.select %eq3A_1096, %broadcast_in_dim3A_1098, %select_n3A_740 : vector<16xi1>, vector<16xf32>
      %eq3A_1100 = arith.constant 4.000000e+00 : f32
      %eq3A_1101 = vector.broadcast %eq3A_1100 : f32 to vector<16xf32>
      %eq3A_1102 = arith.cmpf oeq, %select_n3A_1075, %eq3A_1101 : vector<16xf32>
      %jit3A_1103 = arith.constant 0x7F800000 : f32
      %broadcast_in_dim3A_1104 = vector.broadcast %jit3A_1103 : f32 to vector<16xf32>
      %select_n3A_1105 = arith.select %eq3A_1102, %broadcast_in_dim3A_1104, %select_n3A_746 : vector<16xi1>, vector<16xf32>
      %eq3A_1106 = arith.constant 5.000000e+00 : f32
      %eq3A_1107 = vector.broadcast %eq3A_1106 : f32 to vector<16xf32>
      %eq3A_1108 = arith.cmpf oeq, %select_n3A_1075, %eq3A_1107 : vector<16xf32>
      %jit3A_1109 = arith.constant 0x7F800000 : f32
      %broadcast_in_dim3A_1110 = vector.broadcast %jit3A_1109 : f32 to vector<16xf32>
      %select_n3A_1111 = arith.select %eq3A_1108, %broadcast_in_dim3A_1110, %select_n3A_752 : vector<16xi1>, vector<16xf32>
      %eq3A_1112 = arith.constant 6.000000e+00 : f32
      %eq3A_1113 = vector.broadcast %eq3A_1112 : f32 to vector<16xf32>
      %eq3A_1114 = arith.cmpf oeq, %select_n3A_1075, %eq3A_1113 : vector<16xf32>
      %jit3A_1115 = arith.constant 0x7F800000 : f32
      %broadcast_in_dim3A_1116 = vector.broadcast %jit3A_1115 : f32 to vector<16xf32>
      %select_n3A_1117 = arith.select %eq3A_1114, %broadcast_in_dim3A_1116, %select_n3A_758 : vector<16xi1>, vector<16xf32>
      %eq3A_1118 = arith.constant 7.000000e+00 : f32
      %eq3A_1119 = vector.broadcast %eq3A_1118 : f32 to vector<16xf32>
      %eq3A_1120 = arith.cmpf oeq, %select_n3A_1075, %eq3A_1119 : vector<16xf32>
      %jit3A_1121 = arith.constant 0x7F800000 : f32
      %broadcast_in_dim3A_1122 = vector.broadcast %jit3A_1121 : f32 to vector<16xf32>
      %select_n3A_1123 = arith.select %eq3A_1120, %broadcast_in_dim3A_1122, %select_n3A_764 : vector<16xi1>, vector<16xf32>
      %eq3A_1124 = arith.constant 8.000000e+00 : f32
      %eq3A_1125 = vector.broadcast %eq3A_1124 : f32 to vector<16xf32>
      %eq3A_1126 = arith.cmpf oeq, %select_n3A_1075, %eq3A_1125 : vector<16xf32>
      %jit3A_1127 = arith.constant 0x7F800000 : f32
      %broadcast_in_dim3A_1128 = vector.broadcast %jit3A_1127 : f32 to vector<16xf32>
      %select_n3A_1129 = arith.select %eq3A_1126, %broadcast_in_dim3A_1128, %select_n3A_770 : vector<16xi1>, vector<16xf32>
      %eq3A_1130 = arith.constant 9.000000e+00 : f32
      %eq3A_1131 = vector.broadcast %eq3A_1130 : f32 to vector<16xf32>
      %eq3A_1132 = arith.cmpf oeq, %select_n3A_1075, %eq3A_1131 : vector<16xf32>
      %jit3A_1133 = arith.constant 0x7F800000 : f32
      %broadcast_in_dim3A_1134 = vector.broadcast %jit3A_1133 : f32 to vector<16xf32>
      %select_n3A_1135 = arith.select %eq3A_1132, %broadcast_in_dim3A_1134, %select_n3A_776 : vector<16xi1>, vector<16xf32>
      %eq3A_1136 = arith.constant 1.000000e+01 : f32
      %eq3A_1137 = vector.broadcast %eq3A_1136 : f32 to vector<16xf32>
      %eq3A_1138 = arith.cmpf oeq, %select_n3A_1075, %eq3A_1137 : vector<16xf32>
      %jit3A_1139 = arith.constant 0x7F800000 : f32
      %broadcast_in_dim3A_1140 = vector.broadcast %jit3A_1139 : f32 to vector<16xf32>
      %select_n3A_1141 = arith.select %eq3A_1138, %broadcast_in_dim3A_1140, %select_n3A_782 : vector<16xi1>, vector<16xf32>
      %eq3A_1142 = arith.constant 1.100000e+01 : f32
      %eq3A_1143 = vector.broadcast %eq3A_1142 : f32 to vector<16xf32>
      %eq3A_1144 = arith.cmpf oeq, %select_n3A_1075, %eq3A_1143 : vector<16xf32>
      %jit3A_1145 = arith.constant 0x7F800000 : f32
      %broadcast_in_dim3A_1146 = vector.broadcast %jit3A_1145 : f32 to vector<16xf32>
      %select_n3A_1147 = arith.select %eq3A_1144, %broadcast_in_dim3A_1146, %select_n3A_788 : vector<16xi1>, vector<16xf32>
      %eq3A_1148 = arith.constant 1.200000e+01 : f32
      %eq3A_1149 = vector.broadcast %eq3A_1148 : f32 to vector<16xf32>
      %eq3A_1150 = arith.cmpf oeq, %select_n3A_1075, %eq3A_1149 : vector<16xf32>
      %jit3A_1151 = arith.constant 0x7F800000 : f32
      %broadcast_in_dim3A_1152 = vector.broadcast %jit3A_1151 : f32 to vector<16xf32>
      %select_n3A_1153 = arith.select %eq3A_1150, %broadcast_in_dim3A_1152, %select_n3A_794 : vector<16xi1>, vector<16xf32>
      %eq3A_1154 = arith.constant 1.300000e+01 : f32
      %eq3A_1155 = vector.broadcast %eq3A_1154 : f32 to vector<16xf32>
      %eq3A_1156 = arith.cmpf oeq, %select_n3A_1075, %eq3A_1155 : vector<16xf32>
      %jit3A_1157 = arith.constant 0x7F800000 : f32
      %broadcast_in_dim3A_1158 = vector.broadcast %jit3A_1157 : f32 to vector<16xf32>
      %select_n3A_1159 = arith.select %eq3A_1156, %broadcast_in_dim3A_1158, %select_n3A_800 : vector<16xi1>, vector<16xf32>
      %eq3A_1160 = arith.constant 1.400000e+01 : f32
      %eq3A_1161 = vector.broadcast %eq3A_1160 : f32 to vector<16xf32>
      %eq3A_1162 = arith.cmpf oeq, %select_n3A_1075, %eq3A_1161 : vector<16xf32>
      %jit3A_1163 = arith.constant 0x7F800000 : f32
      %broadcast_in_dim3A_1164 = vector.broadcast %jit3A_1163 : f32 to vector<16xf32>
      %select_n3A_1165 = arith.select %eq3A_1162, %broadcast_in_dim3A_1164, %select_n3A_806 : vector<16xi1>, vector<16xf32>
      %eq3A_1166 = arith.constant 1.500000e+01 : f32
      %eq3A_1167 = vector.broadcast %eq3A_1166 : f32 to vector<16xf32>
      %eq3A_1168 = arith.cmpf oeq, %select_n3A_1075, %eq3A_1167 : vector<16xf32>
      %jit3A_1169 = arith.constant 0x7F800000 : f32
      %broadcast_in_dim3A_1170 = vector.broadcast %jit3A_1169 : f32 to vector<16xf32>
      %select_n3A_1171 = arith.select %eq3A_1168, %broadcast_in_dim3A_1170, %select_n3A_812 : vector<16xi1>, vector<16xf32>
      %eq3A_1172 = arith.constant 1.600000e+01 : f32
      %eq3A_1173 = vector.broadcast %eq3A_1172 : f32 to vector<16xf32>
      %eq3A_1174 = arith.cmpf oeq, %select_n3A_1075, %eq3A_1173 : vector<16xf32>
      %jit3A_1175 = arith.constant 0x7F800000 : f32
      %broadcast_in_dim3A_1176 = vector.broadcast %jit3A_1175 : f32 to vector<16xf32>
      %select_n3A_1177 = arith.select %eq3A_1174, %broadcast_in_dim3A_1176, %select_n3A_818 : vector<16xi1>, vector<16xf32>
      %eq3A_1178 = arith.constant 1.700000e+01 : f32
      %eq3A_1179 = vector.broadcast %eq3A_1178 : f32 to vector<16xf32>
      %eq3A_1180 = arith.cmpf oeq, %select_n3A_1075, %eq3A_1179 : vector<16xf32>
      %jit3A_1181 = arith.constant 0x7F800000 : f32
      %broadcast_in_dim3A_1182 = vector.broadcast %jit3A_1181 : f32 to vector<16xf32>
      %select_n3A_1183 = arith.select %eq3A_1180, %broadcast_in_dim3A_1182, %select_n3A_824 : vector<16xi1>, vector<16xf32>
      %eq3A_1184 = arith.constant 1.800000e+01 : f32
      %eq3A_1185 = vector.broadcast %eq3A_1184 : f32 to vector<16xf32>
      %eq3A_1186 = arith.cmpf oeq, %select_n3A_1075, %eq3A_1185 : vector<16xf32>
      %jit3A_1187 = arith.constant 0x7F800000 : f32
      %broadcast_in_dim3A_1188 = vector.broadcast %jit3A_1187 : f32 to vector<16xf32>
      %select_n3A_1189 = arith.select %eq3A_1186, %broadcast_in_dim3A_1188, %select_n3A_830 : vector<16xi1>, vector<16xf32>
      %eq3A_1190 = arith.constant 1.900000e+01 : f32
      %eq3A_1191 = vector.broadcast %eq3A_1190 : f32 to vector<16xf32>
      %eq3A_1192 = arith.cmpf oeq, %select_n3A_1075, %eq3A_1191 : vector<16xf32>
      %jit3A_1193 = arith.constant 0x7F800000 : f32
      %broadcast_in_dim3A_1194 = vector.broadcast %jit3A_1193 : f32 to vector<16xf32>
      %select_n3A_1195 = arith.select %eq3A_1192, %broadcast_in_dim3A_1194, %select_n3A_836 : vector<16xi1>, vector<16xf32>
      %eq3A_1196 = arith.constant 2.000000e+01 : f32
      %eq3A_1197 = vector.broadcast %eq3A_1196 : f32 to vector<16xf32>
      %eq3A_1198 = arith.cmpf oeq, %select_n3A_1075, %eq3A_1197 : vector<16xf32>
      %jit3A_1199 = arith.constant 0x7F800000 : f32
      %broadcast_in_dim3A_1200 = vector.broadcast %jit3A_1199 : f32 to vector<16xf32>
      %select_n3A_1201 = arith.select %eq3A_1198, %broadcast_in_dim3A_1200, %select_n3A_842 : vector<16xi1>, vector<16xf32>
      %eq3A_1202 = arith.constant 2.100000e+01 : f32
      %eq3A_1203 = vector.broadcast %eq3A_1202 : f32 to vector<16xf32>
      %eq3A_1204 = arith.cmpf oeq, %select_n3A_1075, %eq3A_1203 : vector<16xf32>
      %jit3A_1205 = arith.constant 0x7F800000 : f32
      %broadcast_in_dim3A_1206 = vector.broadcast %jit3A_1205 : f32 to vector<16xf32>
      %select_n3A_1207 = arith.select %eq3A_1204, %broadcast_in_dim3A_1206, %select_n3A_848 : vector<16xi1>, vector<16xf32>
      %eq3A_1208 = arith.constant 2.200000e+01 : f32
      %eq3A_1209 = vector.broadcast %eq3A_1208 : f32 to vector<16xf32>
      %eq3A_1210 = arith.cmpf oeq, %select_n3A_1075, %eq3A_1209 : vector<16xf32>
      %jit3A_1211 = arith.constant 0x7F800000 : f32
      %broadcast_in_dim3A_1212 = vector.broadcast %jit3A_1211 : f32 to vector<16xf32>
      %select_n3A_1213 = arith.select %eq3A_1210, %broadcast_in_dim3A_1212, %select_n3A_854 : vector<16xi1>, vector<16xf32>
      %eq3A_1214 = arith.constant 2.300000e+01 : f32
      %eq3A_1215 = vector.broadcast %eq3A_1214 : f32 to vector<16xf32>
      %eq3A_1216 = arith.cmpf oeq, %select_n3A_1075, %eq3A_1215 : vector<16xf32>
      %jit3A_1217 = arith.constant 0x7F800000 : f32
      %broadcast_in_dim3A_1218 = vector.broadcast %jit3A_1217 : f32 to vector<16xf32>
      %select_n3A_1219 = arith.select %eq3A_1216, %broadcast_in_dim3A_1218, %select_n3A_860 : vector<16xi1>, vector<16xf32>
      %eq3A_1220 = arith.constant 2.400000e+01 : f32
      %eq3A_1221 = vector.broadcast %eq3A_1220 : f32 to vector<16xf32>
      %eq3A_1222 = arith.cmpf oeq, %select_n3A_1075, %eq3A_1221 : vector<16xf32>
      %jit3A_1223 = arith.constant 0x7F800000 : f32
      %broadcast_in_dim3A_1224 = vector.broadcast %jit3A_1223 : f32 to vector<16xf32>
      %select_n3A_1225 = arith.select %eq3A_1222, %broadcast_in_dim3A_1224, %select_n3A_866 : vector<16xi1>, vector<16xf32>
      %eq3A_1226 = arith.constant 2.500000e+01 : f32
      %eq3A_1227 = vector.broadcast %eq3A_1226 : f32 to vector<16xf32>
      %eq3A_1228 = arith.cmpf oeq, %select_n3A_1075, %eq3A_1227 : vector<16xf32>
      %jit3A_1229 = arith.constant 0x7F800000 : f32
      %broadcast_in_dim3A_1230 = vector.broadcast %jit3A_1229 : f32 to vector<16xf32>
      %select_n3A_1231 = arith.select %eq3A_1228, %broadcast_in_dim3A_1230, %select_n3A_872 : vector<16xi1>, vector<16xf32>
      %eq3A_1232 = arith.constant 2.600000e+01 : f32
      %eq3A_1233 = vector.broadcast %eq3A_1232 : f32 to vector<16xf32>
      %eq3A_1234 = arith.cmpf oeq, %select_n3A_1075, %eq3A_1233 : vector<16xf32>
      %jit3A_1235 = arith.constant 0x7F800000 : f32
      %broadcast_in_dim3A_1236 = vector.broadcast %jit3A_1235 : f32 to vector<16xf32>
      %select_n3A_1237 = arith.select %eq3A_1234, %broadcast_in_dim3A_1236, %select_n3A_878 : vector<16xi1>, vector<16xf32>
      %eq3A_1238 = arith.constant 2.700000e+01 : f32
      %eq3A_1239 = vector.broadcast %eq3A_1238 : f32 to vector<16xf32>
      %eq3A_1240 = arith.cmpf oeq, %select_n3A_1075, %eq3A_1239 : vector<16xf32>
      %jit3A_1241 = arith.constant 0x7F800000 : f32
      %broadcast_in_dim3A_1242 = vector.broadcast %jit3A_1241 : f32 to vector<16xf32>
      %select_n3A_1243 = arith.select %eq3A_1240, %broadcast_in_dim3A_1242, %select_n3A_884 : vector<16xi1>, vector<16xf32>
      %eq3A_1244 = arith.constant 2.800000e+01 : f32
      %eq3A_1245 = vector.broadcast %eq3A_1244 : f32 to vector<16xf32>
      %eq3A_1246 = arith.cmpf oeq, %select_n3A_1075, %eq3A_1245 : vector<16xf32>
      %jit3A_1247 = arith.constant 0x7F800000 : f32
      %broadcast_in_dim3A_1248 = vector.broadcast %jit3A_1247 : f32 to vector<16xf32>
      %select_n3A_1249 = arith.select %eq3A_1246, %broadcast_in_dim3A_1248, %select_n3A_890 : vector<16xi1>, vector<16xf32>
      %eq3A_1250 = arith.constant 2.900000e+01 : f32
      %eq3A_1251 = vector.broadcast %eq3A_1250 : f32 to vector<16xf32>
      %eq3A_1252 = arith.cmpf oeq, %select_n3A_1075, %eq3A_1251 : vector<16xf32>
      %jit3A_1253 = arith.constant 0x7F800000 : f32
      %broadcast_in_dim3A_1254 = vector.broadcast %jit3A_1253 : f32 to vector<16xf32>
      %select_n3A_1255 = arith.select %eq3A_1252, %broadcast_in_dim3A_1254, %select_n3A_896 : vector<16xi1>, vector<16xf32>
      %eq3A_1256 = arith.constant 3.000000e+01 : f32
      %eq3A_1257 = vector.broadcast %eq3A_1256 : f32 to vector<16xf32>
      %eq3A_1258 = arith.cmpf oeq, %select_n3A_1075, %eq3A_1257 : vector<16xf32>
      %jit3A_1259 = arith.constant 0x7F800000 : f32
      %broadcast_in_dim3A_1260 = vector.broadcast %jit3A_1259 : f32 to vector<16xf32>
      %select_n3A_1261 = arith.select %eq3A_1258, %broadcast_in_dim3A_1260, %select_n3A_902 : vector<16xi1>, vector<16xf32>
      %eq3A_1262 = arith.constant 3.100000e+01 : f32
      %eq3A_1263 = vector.broadcast %eq3A_1262 : f32 to vector<16xf32>
      %eq3A_1264 = arith.cmpf oeq, %select_n3A_1075, %eq3A_1263 : vector<16xf32>
      %jit3A_1265 = arith.constant 0x7F800000 : f32
      %broadcast_in_dim3A_1266 = vector.broadcast %jit3A_1265 : f32 to vector<16xf32>
      %select_n3A_1267 = arith.select %eq3A_1264, %broadcast_in_dim3A_1266, %select_n3A_908 : vector<16xi1>, vector<16xf32>
      %swap3A_1268 = arith.constant 2 : i32
      %swap3A_1269 = arith.index_cast %swap3A_1268 : i32 to index
      %swap3A_1270 = arith.index_cast %mul3A_40 : i32 to index
      %swap3A_1271 = tpu.vector_load %arg5[%swap3A_1269, %swap3A_1270] {strides = array<i32>} : memref<5x256xf32, #tpu.memory_space<vmem>>, vector<1x16xf32>,
      %swap3A_1272 = vector.shape_cast %swap3A_1271 : vector<1x16xf32> to vector<16xf32>
      %swap3A_1273 = vector.shape_cast %select_n3A_1075 : vector<16xf32> to vector<1x16xf32>
      tpu.vector_store %arg5[%swap3A_1269, %swap3A_1270], %swap3A_1273 {strides = array<i32>} : memref<5x256xf32, #tpu.memory_space<vmem>>, vector<1x16xf32>,
      %min3A_1274 = arith.minimumf %select_n3A_1081, %select_n3A_1087 : vector<16xf32>
      %min3A_1275 = arith.minimumf %select_n3A_1093, %select_n3A_1099 : vector<16xf32>
      %min3A_1276 = arith.minimumf %select_n3A_1105, %select_n3A_1111 : vector<16xf32>
      %min3A_1277 = arith.minimumf %select_n3A_1117, %select_n3A_1123 : vector<16xf32>
      %min3A_1278 = arith.minimumf %select_n3A_1129, %select_n3A_1135 : vector<16xf32>
      %min3A_1279 = arith.minimumf %select_n3A_1141, %select_n3A_1147 : vector<16xf32>
      %min3A_1280 = arith.minimumf %select_n3A_1153, %select_n3A_1159 : vector<16xf32>
      %min3A_1281 = arith.minimumf %select_n3A_1165, %select_n3A_1171 : vector<16xf32>
      %min3A_1282 = arith.minimumf %select_n3A_1177, %select_n3A_1183 : vector<16xf32>
      %min3A_1283 = arith.minimumf %select_n3A_1189, %select_n3A_1195 : vector<16xf32>
      %min3A_1284 = arith.minimumf %select_n3A_1201, %select_n3A_1207 : vector<16xf32>
      %min3A_1285 = arith.minimumf %select_n3A_1213, %select_n3A_1219 : vector<16xf32>
      %min3A_1286 = arith.minimumf %select_n3A_1225, %select_n3A_1231 : vector<16xf32>
      %min3A_1287 = arith.minimumf %select_n3A_1237, %select_n3A_1243 : vector<16xf32>
      %min3A_1288 = arith.minimumf %select_n3A_1249, %select_n3A_1255 : vector<16xf32>
      %min3A_1289 = arith.minimumf %select_n3A_1261, %select_n3A_1267 : vector<16xf32>
      %min3A_1290 = arith.minimumf %min3A_1274, %min3A_1275 : vector<16xf32>
      %min3A_1291 = arith.minimumf %min3A_1276, %min3A_1277 : vector<16xf32>
      %min3A_1292 = arith.minimumf %min3A_1278, %min3A_1279 : vector<16xf32>
      %min3A_1293 = arith.minimumf %min3A_1280, %min3A_1281 : vector<16xf32>
      %min3A_1294 = arith.minimumf %min3A_1282, %min3A_1283 : vector<16xf32>
      %min3A_1295 = arith.minimumf %min3A_1284, %min3A_1285 : vector<16xf32>
      %min3A_1296 = arith.minimumf %min3A_1286, %min3A_1287 : vector<16xf32>
      %min3A_1297 = arith.minimumf %min3A_1288, %min3A_1289 : vector<16xf32>
      %min3A_1298 = arith.minimumf %min3A_1290, %min3A_1291 : vector<16xf32>
      %min3A_1299 = arith.minimumf %min3A_1292, %min3A_1293 : vector<16xf32>
      %min3A_1300 = arith.minimumf %min3A_1294, %min3A_1295 : vector<16xf32>
      %min3A_1301 = arith.minimumf %min3A_1296, %min3A_1297 : vector<16xf32>
      %min3A_1302 = arith.minimumf %min3A_1298, %min3A_1299 : vector<16xf32>
      %min3A_1303 = arith.minimumf %min3A_1300, %min3A_1301 : vector<16xf32>
      %min3A_1304 = arith.minimumf %min3A_1302, %min3A_1303 : vector<16xf32>
      %broadcast_in_dim3A_1305 = arith.constant 3.200000e+01 : f32
      %broadcast_in_dim3A_1306 = vector.broadcast %broadcast_in_dim3A_1305 : f32 to vector<16xf32>
      %eq3A_1307 = arith.cmpf oeq, %select_n3A_1267, %min3A_1304 : vector<16xf32>
      %jit3A_1308 = arith.constant 3.100000e+01 : f32
      %broadcast_in_dim3A_1309 = vector.broadcast %jit3A_1308 : f32 to vector<16xf32>
      %select_n3A_1310 = arith.select %eq3A_1307, %broadcast_in_dim3A_1309, %broadcast_in_dim3A_1306 : vector<16xi1>, vector<16xf32>
      %eq3A_1311 = arith.cmpf oeq, %select_n3A_1261, %min3A_1304 : vector<16xf32>
      %jit3A_1312 = arith.constant 3.000000e+01 : f32
      %broadcast_in_dim3A_1313 = vector.broadcast %jit3A_1312 : f32 to vector<16xf32>
      %select_n3A_1314 = arith.select %eq3A_1311, %broadcast_in_dim3A_1313, %select_n3A_1310 : vector<16xi1>, vector<16xf32>
      %eq3A_1315 = arith.cmpf oeq, %select_n3A_1255, %min3A_1304 : vector<16xf32>
      %jit3A_1316 = arith.constant 2.900000e+01 : f32
      %broadcast_in_dim3A_1317 = vector.broadcast %jit3A_1316 : f32 to vector<16xf32>
      %select_n3A_1318 = arith.select %eq3A_1315, %broadcast_in_dim3A_1317, %select_n3A_1314 : vector<16xi1>, vector<16xf32>
      %eq3A_1319 = arith.cmpf oeq, %select_n3A_1249, %min3A_1304 : vector<16xf32>
      %jit3A_1320 = arith.constant 2.800000e+01 : f32
      %broadcast_in_dim3A_1321 = vector.broadcast %jit3A_1320 : f32 to vector<16xf32>
      %select_n3A_1322 = arith.select %eq3A_1319, %broadcast_in_dim3A_1321, %select_n3A_1318 : vector<16xi1>, vector<16xf32>
      %eq3A_1323 = arith.cmpf oeq, %select_n3A_1243, %min3A_1304 : vector<16xf32>
      %jit3A_1324 = arith.constant 2.700000e+01 : f32
      %broadcast_in_dim3A_1325 = vector.broadcast %jit3A_1324 : f32 to vector<16xf32>
      %select_n3A_1326 = arith.select %eq3A_1323, %broadcast_in_dim3A_1325, %select_n3A_1322 : vector<16xi1>, vector<16xf32>
      %eq3A_1327 = arith.cmpf oeq, %select_n3A_1237, %min3A_1304 : vector<16xf32>
      %jit3A_1328 = arith.constant 2.600000e+01 : f32
      %broadcast_in_dim3A_1329 = vector.broadcast %jit3A_1328 : f32 to vector<16xf32>
      %select_n3A_1330 = arith.select %eq3A_1327, %broadcast_in_dim3A_1329, %select_n3A_1326 : vector<16xi1>, vector<16xf32>
      %eq3A_1331 = arith.cmpf oeq, %select_n3A_1231, %min3A_1304 : vector<16xf32>
      %jit3A_1332 = arith.constant 2.500000e+01 : f32
      %broadcast_in_dim3A_1333 = vector.broadcast %jit3A_1332 : f32 to vector<16xf32>
      %select_n3A_1334 = arith.select %eq3A_1331, %broadcast_in_dim3A_1333, %select_n3A_1330 : vector<16xi1>, vector<16xf32>
      %eq3A_1335 = arith.cmpf oeq, %select_n3A_1225, %min3A_1304 : vector<16xf32>
      %jit3A_1336 = arith.constant 2.400000e+01 : f32
      %broadcast_in_dim3A_1337 = vector.broadcast %jit3A_1336 : f32 to vector<16xf32>
      %select_n3A_1338 = arith.select %eq3A_1335, %broadcast_in_dim3A_1337, %select_n3A_1334 : vector<16xi1>, vector<16xf32>
      %eq3A_1339 = arith.cmpf oeq, %select_n3A_1219, %min3A_1304 : vector<16xf32>
      %jit3A_1340 = arith.constant 2.300000e+01 : f32
      %broadcast_in_dim3A_1341 = vector.broadcast %jit3A_1340 : f32 to vector<16xf32>
      %select_n3A_1342 = arith.select %eq3A_1339, %broadcast_in_dim3A_1341, %select_n3A_1338 : vector<16xi1>, vector<16xf32>
      %eq3A_1343 = arith.cmpf oeq, %select_n3A_1213, %min3A_1304 : vector<16xf32>
      %jit3A_1344 = arith.constant 2.200000e+01 : f32
      %broadcast_in_dim3A_1345 = vector.broadcast %jit3A_1344 : f32 to vector<16xf32>
      %select_n3A_1346 = arith.select %eq3A_1343, %broadcast_in_dim3A_1345, %select_n3A_1342 : vector<16xi1>, vector<16xf32>
      %eq3A_1347 = arith.cmpf oeq, %select_n3A_1207, %min3A_1304 : vector<16xf32>
      %jit3A_1348 = arith.constant 2.100000e+01 : f32
      %broadcast_in_dim3A_1349 = vector.broadcast %jit3A_1348 : f32 to vector<16xf32>
      %select_n3A_1350 = arith.select %eq3A_1347, %broadcast_in_dim3A_1349, %select_n3A_1346 : vector<16xi1>, vector<16xf32>
      %eq3A_1351 = arith.cmpf oeq, %select_n3A_1201, %min3A_1304 : vector<16xf32>
      %jit3A_1352 = arith.constant 2.000000e+01 : f32
      %broadcast_in_dim3A_1353 = vector.broadcast %jit3A_1352 : f32 to vector<16xf32>
      %select_n3A_1354 = arith.select %eq3A_1351, %broadcast_in_dim3A_1353, %select_n3A_1350 : vector<16xi1>, vector<16xf32>
      %eq3A_1355 = arith.cmpf oeq, %select_n3A_1195, %min3A_1304 : vector<16xf32>
      %jit3A_1356 = arith.constant 1.900000e+01 : f32
      %broadcast_in_dim3A_1357 = vector.broadcast %jit3A_1356 : f32 to vector<16xf32>
      %select_n3A_1358 = arith.select %eq3A_1355, %broadcast_in_dim3A_1357, %select_n3A_1354 : vector<16xi1>, vector<16xf32>
      %eq3A_1359 = arith.cmpf oeq, %select_n3A_1189, %min3A_1304 : vector<16xf32>
      %jit3A_1360 = arith.constant 1.800000e+01 : f32
      %broadcast_in_dim3A_1361 = vector.broadcast %jit3A_1360 : f32 to vector<16xf32>
      %select_n3A_1362 = arith.select %eq3A_1359, %broadcast_in_dim3A_1361, %select_n3A_1358 : vector<16xi1>, vector<16xf32>
      %eq3A_1363 = arith.cmpf oeq, %select_n3A_1183, %min3A_1304 : vector<16xf32>
      %jit3A_1364 = arith.constant 1.700000e+01 : f32
      %broadcast_in_dim3A_1365 = vector.broadcast %jit3A_1364 : f32 to vector<16xf32>
      %select_n3A_1366 = arith.select %eq3A_1363, %broadcast_in_dim3A_1365, %select_n3A_1362 : vector<16xi1>, vector<16xf32>
      %eq3A_1367 = arith.cmpf oeq, %select_n3A_1177, %min3A_1304 : vector<16xf32>
      %jit3A_1368 = arith.constant 1.600000e+01 : f32
      %broadcast_in_dim3A_1369 = vector.broadcast %jit3A_1368 : f32 to vector<16xf32>
      %select_n3A_1370 = arith.select %eq3A_1367, %broadcast_in_dim3A_1369, %select_n3A_1366 : vector<16xi1>, vector<16xf32>
      %eq3A_1371 = arith.cmpf oeq, %select_n3A_1171, %min3A_1304 : vector<16xf32>
      %jit3A_1372 = arith.constant 1.500000e+01 : f32
      %broadcast_in_dim3A_1373 = vector.broadcast %jit3A_1372 : f32 to vector<16xf32>
      %select_n3A_1374 = arith.select %eq3A_1371, %broadcast_in_dim3A_1373, %select_n3A_1370 : vector<16xi1>, vector<16xf32>
      %eq3A_1375 = arith.cmpf oeq, %select_n3A_1165, %min3A_1304 : vector<16xf32>
      %jit3A_1376 = arith.constant 1.400000e+01 : f32
      %broadcast_in_dim3A_1377 = vector.broadcast %jit3A_1376 : f32 to vector<16xf32>
      %select_n3A_1378 = arith.select %eq3A_1375, %broadcast_in_dim3A_1377, %select_n3A_1374 : vector<16xi1>, vector<16xf32>
      %eq3A_1379 = arith.cmpf oeq, %select_n3A_1159, %min3A_1304 : vector<16xf32>
      %jit3A_1380 = arith.constant 1.300000e+01 : f32
      %broadcast_in_dim3A_1381 = vector.broadcast %jit3A_1380 : f32 to vector<16xf32>
      %select_n3A_1382 = arith.select %eq3A_1379, %broadcast_in_dim3A_1381, %select_n3A_1378 : vector<16xi1>, vector<16xf32>
      %eq3A_1383 = arith.cmpf oeq, %select_n3A_1153, %min3A_1304 : vector<16xf32>
      %jit3A_1384 = arith.constant 1.200000e+01 : f32
      %broadcast_in_dim3A_1385 = vector.broadcast %jit3A_1384 : f32 to vector<16xf32>
      %select_n3A_1386 = arith.select %eq3A_1383, %broadcast_in_dim3A_1385, %select_n3A_1382 : vector<16xi1>, vector<16xf32>
      %eq3A_1387 = arith.cmpf oeq, %select_n3A_1147, %min3A_1304 : vector<16xf32>
      %jit3A_1388 = arith.constant 1.100000e+01 : f32
      %broadcast_in_dim3A_1389 = vector.broadcast %jit3A_1388 : f32 to vector<16xf32>
      %select_n3A_1390 = arith.select %eq3A_1387, %broadcast_in_dim3A_1389, %select_n3A_1386 : vector<16xi1>, vector<16xf32>
      %eq3A_1391 = arith.cmpf oeq, %select_n3A_1141, %min3A_1304 : vector<16xf32>
      %jit3A_1392 = arith.constant 1.000000e+01 : f32
      %broadcast_in_dim3A_1393 = vector.broadcast %jit3A_1392 : f32 to vector<16xf32>
      %select_n3A_1394 = arith.select %eq3A_1391, %broadcast_in_dim3A_1393, %select_n3A_1390 : vector<16xi1>, vector<16xf32>
      %eq3A_1395 = arith.cmpf oeq, %select_n3A_1135, %min3A_1304 : vector<16xf32>
      %jit3A_1396 = arith.constant 9.000000e+00 : f32
      %broadcast_in_dim3A_1397 = vector.broadcast %jit3A_1396 : f32 to vector<16xf32>
      %select_n3A_1398 = arith.select %eq3A_1395, %broadcast_in_dim3A_1397, %select_n3A_1394 : vector<16xi1>, vector<16xf32>
      %eq3A_1399 = arith.cmpf oeq, %select_n3A_1129, %min3A_1304 : vector<16xf32>
      %jit3A_1400 = arith.constant 8.000000e+00 : f32
      %broadcast_in_dim3A_1401 = vector.broadcast %jit3A_1400 : f32 to vector<16xf32>
      %select_n3A_1402 = arith.select %eq3A_1399, %broadcast_in_dim3A_1401, %select_n3A_1398 : vector<16xi1>, vector<16xf32>
      %eq3A_1403 = arith.cmpf oeq, %select_n3A_1123, %min3A_1304 : vector<16xf32>
      %jit3A_1404 = arith.constant 7.000000e+00 : f32
      %broadcast_in_dim3A_1405 = vector.broadcast %jit3A_1404 : f32 to vector<16xf32>
      %select_n3A_1406 = arith.select %eq3A_1403, %broadcast_in_dim3A_1405, %select_n3A_1402 : vector<16xi1>, vector<16xf32>
      %eq3A_1407 = arith.cmpf oeq, %select_n3A_1117, %min3A_1304 : vector<16xf32>
      %jit3A_1408 = arith.constant 6.000000e+00 : f32
      %broadcast_in_dim3A_1409 = vector.broadcast %jit3A_1408 : f32 to vector<16xf32>
      %select_n3A_1410 = arith.select %eq3A_1407, %broadcast_in_dim3A_1409, %select_n3A_1406 : vector<16xi1>, vector<16xf32>
      %eq3A_1411 = arith.cmpf oeq, %select_n3A_1111, %min3A_1304 : vector<16xf32>
      %jit3A_1412 = arith.constant 5.000000e+00 : f32
      %broadcast_in_dim3A_1413 = vector.broadcast %jit3A_1412 : f32 to vector<16xf32>
      %select_n3A_1414 = arith.select %eq3A_1411, %broadcast_in_dim3A_1413, %select_n3A_1410 : vector<16xi1>, vector<16xf32>
      %eq3A_1415 = arith.cmpf oeq, %select_n3A_1105, %min3A_1304 : vector<16xf32>
      %jit3A_1416 = arith.constant 4.000000e+00 : f32
      %broadcast_in_dim3A_1417 = vector.broadcast %jit3A_1416 : f32 to vector<16xf32>
      %select_n3A_1418 = arith.select %eq3A_1415, %broadcast_in_dim3A_1417, %select_n3A_1414 : vector<16xi1>, vector<16xf32>
      %eq3A_1419 = arith.cmpf oeq, %select_n3A_1099, %min3A_1304 : vector<16xf32>
      %jit3A_1420 = arith.constant 3.000000e+00 : f32
      %broadcast_in_dim3A_1421 = vector.broadcast %jit3A_1420 : f32 to vector<16xf32>
      %select_n3A_1422 = arith.select %eq3A_1419, %broadcast_in_dim3A_1421, %select_n3A_1418 : vector<16xi1>, vector<16xf32>
      %eq3A_1423 = arith.cmpf oeq, %select_n3A_1093, %min3A_1304 : vector<16xf32>
      %jit3A_1424 = arith.constant 2.000000e+00 : f32
      %broadcast_in_dim3A_1425 = vector.broadcast %jit3A_1424 : f32 to vector<16xf32>
      %select_n3A_1426 = arith.select %eq3A_1423, %broadcast_in_dim3A_1425, %select_n3A_1422 : vector<16xi1>, vector<16xf32>
      %eq3A_1427 = arith.cmpf oeq, %select_n3A_1087, %min3A_1304 : vector<16xf32>
      %jit3A_1428 = arith.constant 1.000000e+00 : f32
      %broadcast_in_dim3A_1429 = vector.broadcast %jit3A_1428 : f32 to vector<16xf32>
      %select_n3A_1430 = arith.select %eq3A_1427, %broadcast_in_dim3A_1429, %select_n3A_1426 : vector<16xi1>, vector<16xf32>
      %eq3A_1431 = arith.cmpf oeq, %select_n3A_1081, %min3A_1304 : vector<16xf32>
      %jit3A_1432 = arith.constant 0.000000e+00 : f32
      %broadcast_in_dim3A_1433 = vector.broadcast %jit3A_1432 : f32 to vector<16xf32>
      %select_n3A_1434 = arith.select %eq3A_1431, %broadcast_in_dim3A_1433, %select_n3A_1430 : vector<16xi1>, vector<16xf32>
      %eq3A_1435 = arith.constant 0.000000e+00 : f32
      %eq3A_1436 = vector.broadcast %eq3A_1435 : f32 to vector<16xf32>
      %eq3A_1437 = arith.cmpf oeq, %select_n3A_1434, %eq3A_1436 : vector<16xf32>
      %jit3A_1438 = arith.constant 0x7F800000 : f32
      %broadcast_in_dim3A_1439 = vector.broadcast %jit3A_1438 : f32 to vector<16xf32>
      %select_n3A_1440 = arith.select %eq3A_1437, %broadcast_in_dim3A_1439, %select_n3A_1081 : vector<16xi1>, vector<16xf32>
      %eq3A_1441 = arith.constant 1.000000e+00 : f32
      %eq3A_1442 = vector.broadcast %eq3A_1441 : f32 to vector<16xf32>
      %eq3A_1443 = arith.cmpf oeq, %select_n3A_1434, %eq3A_1442 : vector<16xf32>
      %jit3A_1444 = arith.constant 0x7F800000 : f32
      %broadcast_in_dim3A_1445 = vector.broadcast %jit3A_1444 : f32 to vector<16xf32>
      %select_n3A_1446 = arith.select %eq3A_1443, %broadcast_in_dim3A_1445, %select_n3A_1087 : vector<16xi1>, vector<16xf32>
      %eq3A_1447 = arith.constant 2.000000e+00 : f32
      %eq3A_1448 = vector.broadcast %eq3A_1447 : f32 to vector<16xf32>
      %eq3A_1449 = arith.cmpf oeq, %select_n3A_1434, %eq3A_1448 : vector<16xf32>
      %jit3A_1450 = arith.constant 0x7F800000 : f32
      %broadcast_in_dim3A_1451 = vector.broadcast %jit3A_1450 : f32 to vector<16xf32>
      %select_n3A_1452 = arith.select %eq3A_1449, %broadcast_in_dim3A_1451, %select_n3A_1093 : vector<16xi1>, vector<16xf32>
      %eq3A_1453 = arith.constant 3.000000e+00 : f32
      %eq3A_1454 = vector.broadcast %eq3A_1453 : f32 to vector<16xf32>
      %eq3A_1455 = arith.cmpf oeq, %select_n3A_1434, %eq3A_1454 : vector<16xf32>
      %jit3A_1456 = arith.constant 0x7F800000 : f32
      %broadcast_in_dim3A_1457 = vector.broadcast %jit3A_1456 : f32 to vector<16xf32>
      %select_n3A_1458 = arith.select %eq3A_1455, %broadcast_in_dim3A_1457, %select_n3A_1099 : vector<16xi1>, vector<16xf32>
      %eq3A_1459 = arith.constant 4.000000e+00 : f32
      %eq3A_1460 = vector.broadcast %eq3A_1459 : f32 to vector<16xf32>
      %eq3A_1461 = arith.cmpf oeq, %select_n3A_1434, %eq3A_1460 : vector<16xf32>
      %jit3A_1462 = arith.constant 0x7F800000 : f32
      %broadcast_in_dim3A_1463 = vector.broadcast %jit3A_1462 : f32 to vector<16xf32>
      %select_n3A_1464 = arith.select %eq3A_1461, %broadcast_in_dim3A_1463, %select_n3A_1105 : vector<16xi1>, vector<16xf32>
      %eq3A_1465 = arith.constant 5.000000e+00 : f32
      %eq3A_1466 = vector.broadcast %eq3A_1465 : f32 to vector<16xf32>
      %eq3A_1467 = arith.cmpf oeq, %select_n3A_1434, %eq3A_1466 : vector<16xf32>
      %jit3A_1468 = arith.constant 0x7F800000 : f32
      %broadcast_in_dim3A_1469 = vector.broadcast %jit3A_1468 : f32 to vector<16xf32>
      %select_n3A_1470 = arith.select %eq3A_1467, %broadcast_in_dim3A_1469, %select_n3A_1111 : vector<16xi1>, vector<16xf32>
      %eq3A_1471 = arith.constant 6.000000e+00 : f32
      %eq3A_1472 = vector.broadcast %eq3A_1471 : f32 to vector<16xf32>
      %eq3A_1473 = arith.cmpf oeq, %select_n3A_1434, %eq3A_1472 : vector<16xf32>
      %jit3A_1474 = arith.constant 0x7F800000 : f32
      %broadcast_in_dim3A_1475 = vector.broadcast %jit3A_1474 : f32 to vector<16xf32>
      %select_n3A_1476 = arith.select %eq3A_1473, %broadcast_in_dim3A_1475, %select_n3A_1117 : vector<16xi1>, vector<16xf32>
      %eq3A_1477 = arith.constant 7.000000e+00 : f32
      %eq3A_1478 = vector.broadcast %eq3A_1477 : f32 to vector<16xf32>
      %eq3A_1479 = arith.cmpf oeq, %select_n3A_1434, %eq3A_1478 : vector<16xf32>
      %jit3A_1480 = arith.constant 0x7F800000 : f32
      %broadcast_in_dim3A_1481 = vector.broadcast %jit3A_1480 : f32 to vector<16xf32>
      %select_n3A_1482 = arith.select %eq3A_1479, %broadcast_in_dim3A_1481, %select_n3A_1123 : vector<16xi1>, vector<16xf32>
      %eq3A_1483 = arith.constant 8.000000e+00 : f32
      %eq3A_1484 = vector.broadcast %eq3A_1483 : f32 to vector<16xf32>
      %eq3A_1485 = arith.cmpf oeq, %select_n3A_1434, %eq3A_1484 : vector<16xf32>
      %jit3A_1486 = arith.constant 0x7F800000 : f32
      %broadcast_in_dim3A_1487 = vector.broadcast %jit3A_1486 : f32 to vector<16xf32>
      %select_n3A_1488 = arith.select %eq3A_1485, %broadcast_in_dim3A_1487, %select_n3A_1129 : vector<16xi1>, vector<16xf32>
      %eq3A_1489 = arith.constant 9.000000e+00 : f32
      %eq3A_1490 = vector.broadcast %eq3A_1489 : f32 to vector<16xf32>
      %eq3A_1491 = arith.cmpf oeq, %select_n3A_1434, %eq3A_1490 : vector<16xf32>
      %jit3A_1492 = arith.constant 0x7F800000 : f32
      %broadcast_in_dim3A_1493 = vector.broadcast %jit3A_1492 : f32 to vector<16xf32>
      %select_n3A_1494 = arith.select %eq3A_1491, %broadcast_in_dim3A_1493, %select_n3A_1135 : vector<16xi1>, vector<16xf32>
      %eq3A_1495 = arith.constant 1.000000e+01 : f32
      %eq3A_1496 = vector.broadcast %eq3A_1495 : f32 to vector<16xf32>
      %eq3A_1497 = arith.cmpf oeq, %select_n3A_1434, %eq3A_1496 : vector<16xf32>
      %jit3A_1498 = arith.constant 0x7F800000 : f32
      %broadcast_in_dim3A_1499 = vector.broadcast %jit3A_1498 : f32 to vector<16xf32>
      %select_n3A_1500 = arith.select %eq3A_1497, %broadcast_in_dim3A_1499, %select_n3A_1141 : vector<16xi1>, vector<16xf32>
      %eq3A_1501 = arith.constant 1.100000e+01 : f32
      %eq3A_1502 = vector.broadcast %eq3A_1501 : f32 to vector<16xf32>
      %eq3A_1503 = arith.cmpf oeq, %select_n3A_1434, %eq3A_1502 : vector<16xf32>
      %jit3A_1504 = arith.constant 0x7F800000 : f32
      %broadcast_in_dim3A_1505 = vector.broadcast %jit3A_1504 : f32 to vector<16xf32>
      %select_n3A_1506 = arith.select %eq3A_1503, %broadcast_in_dim3A_1505, %select_n3A_1147 : vector<16xi1>, vector<16xf32>
      %eq3A_1507 = arith.constant 1.200000e+01 : f32
      %eq3A_1508 = vector.broadcast %eq3A_1507 : f32 to vector<16xf32>
      %eq3A_1509 = arith.cmpf oeq, %select_n3A_1434, %eq3A_1508 : vector<16xf32>
      %jit3A_1510 = arith.constant 0x7F800000 : f32
      %broadcast_in_dim3A_1511 = vector.broadcast %jit3A_1510 : f32 to vector<16xf32>
      %select_n3A_1512 = arith.select %eq3A_1509, %broadcast_in_dim3A_1511, %select_n3A_1153 : vector<16xi1>, vector<16xf32>
      %eq3A_1513 = arith.constant 1.300000e+01 : f32
      %eq3A_1514 = vector.broadcast %eq3A_1513 : f32 to vector<16xf32>
      %eq3A_1515 = arith.cmpf oeq, %select_n3A_1434, %eq3A_1514 : vector<16xf32>
      %jit3A_1516 = arith.constant 0x7F800000 : f32
      %broadcast_in_dim3A_1517 = vector.broadcast %jit3A_1516 : f32 to vector<16xf32>
      %select_n3A_1518 = arith.select %eq3A_1515, %broadcast_in_dim3A_1517, %select_n3A_1159 : vector<16xi1>, vector<16xf32>
      %eq3A_1519 = arith.constant 1.400000e+01 : f32
      %eq3A_1520 = vector.broadcast %eq3A_1519 : f32 to vector<16xf32>
      %eq3A_1521 = arith.cmpf oeq, %select_n3A_1434, %eq3A_1520 : vector<16xf32>
      %jit3A_1522 = arith.constant 0x7F800000 : f32
      %broadcast_in_dim3A_1523 = vector.broadcast %jit3A_1522 : f32 to vector<16xf32>
      %select_n3A_1524 = arith.select %eq3A_1521, %broadcast_in_dim3A_1523, %select_n3A_1165 : vector<16xi1>, vector<16xf32>
      %eq3A_1525 = arith.constant 1.500000e+01 : f32
      %eq3A_1526 = vector.broadcast %eq3A_1525 : f32 to vector<16xf32>
      %eq3A_1527 = arith.cmpf oeq, %select_n3A_1434, %eq3A_1526 : vector<16xf32>
      %jit3A_1528 = arith.constant 0x7F800000 : f32
      %broadcast_in_dim3A_1529 = vector.broadcast %jit3A_1528 : f32 to vector<16xf32>
      %select_n3A_1530 = arith.select %eq3A_1527, %broadcast_in_dim3A_1529, %select_n3A_1171 : vector<16xi1>, vector<16xf32>
      %eq3A_1531 = arith.constant 1.600000e+01 : f32
      %eq3A_1532 = vector.broadcast %eq3A_1531 : f32 to vector<16xf32>
      %eq3A_1533 = arith.cmpf oeq, %select_n3A_1434, %eq3A_1532 : vector<16xf32>
      %jit3A_1534 = arith.constant 0x7F800000 : f32
      %broadcast_in_dim3A_1535 = vector.broadcast %jit3A_1534 : f32 to vector<16xf32>
      %select_n3A_1536 = arith.select %eq3A_1533, %broadcast_in_dim3A_1535, %select_n3A_1177 : vector<16xi1>, vector<16xf32>
      %eq3A_1537 = arith.constant 1.700000e+01 : f32
      %eq3A_1538 = vector.broadcast %eq3A_1537 : f32 to vector<16xf32>
      %eq3A_1539 = arith.cmpf oeq, %select_n3A_1434, %eq3A_1538 : vector<16xf32>
      %jit3A_1540 = arith.constant 0x7F800000 : f32
      %broadcast_in_dim3A_1541 = vector.broadcast %jit3A_1540 : f32 to vector<16xf32>
      %select_n3A_1542 = arith.select %eq3A_1539, %broadcast_in_dim3A_1541, %select_n3A_1183 : vector<16xi1>, vector<16xf32>
      %eq3A_1543 = arith.constant 1.800000e+01 : f32
      %eq3A_1544 = vector.broadcast %eq3A_1543 : f32 to vector<16xf32>
      %eq3A_1545 = arith.cmpf oeq, %select_n3A_1434, %eq3A_1544 : vector<16xf32>
      %jit3A_1546 = arith.constant 0x7F800000 : f32
      %broadcast_in_dim3A_1547 = vector.broadcast %jit3A_1546 : f32 to vector<16xf32>
      %select_n3A_1548 = arith.select %eq3A_1545, %broadcast_in_dim3A_1547, %select_n3A_1189 : vector<16xi1>, vector<16xf32>
      %eq3A_1549 = arith.constant 1.900000e+01 : f32
      %eq3A_1550 = vector.broadcast %eq3A_1549 : f32 to vector<16xf32>
      %eq3A_1551 = arith.cmpf oeq, %select_n3A_1434, %eq3A_1550 : vector<16xf32>
      %jit3A_1552 = arith.constant 0x7F800000 : f32
      %broadcast_in_dim3A_1553 = vector.broadcast %jit3A_1552 : f32 to vector<16xf32>
      %select_n3A_1554 = arith.select %eq3A_1551, %broadcast_in_dim3A_1553, %select_n3A_1195 : vector<16xi1>, vector<16xf32>
      %eq3A_1555 = arith.constant 2.000000e+01 : f32
      %eq3A_1556 = vector.broadcast %eq3A_1555 : f32 to vector<16xf32>
      %eq3A_1557 = arith.cmpf oeq, %select_n3A_1434, %eq3A_1556 : vector<16xf32>
      %jit3A_1558 = arith.constant 0x7F800000 : f32
      %broadcast_in_dim3A_1559 = vector.broadcast %jit3A_1558 : f32 to vector<16xf32>
      %select_n3A_1560 = arith.select %eq3A_1557, %broadcast_in_dim3A_1559, %select_n3A_1201 : vector<16xi1>, vector<16xf32>
      %eq3A_1561 = arith.constant 2.100000e+01 : f32
      %eq3A_1562 = vector.broadcast %eq3A_1561 : f32 to vector<16xf32>
      %eq3A_1563 = arith.cmpf oeq, %select_n3A_1434, %eq3A_1562 : vector<16xf32>
      %jit3A_1564 = arith.constant 0x7F800000 : f32
      %broadcast_in_dim3A_1565 = vector.broadcast %jit3A_1564 : f32 to vector<16xf32>
      %select_n3A_1566 = arith.select %eq3A_1563, %broadcast_in_dim3A_1565, %select_n3A_1207 : vector<16xi1>, vector<16xf32>
      %eq3A_1567 = arith.constant 2.200000e+01 : f32
      %eq3A_1568 = vector.broadcast %eq3A_1567 : f32 to vector<16xf32>
      %eq3A_1569 = arith.cmpf oeq, %select_n3A_1434, %eq3A_1568 : vector<16xf32>
      %jit3A_1570 = arith.constant 0x7F800000 : f32
      %broadcast_in_dim3A_1571 = vector.broadcast %jit3A_1570 : f32 to vector<16xf32>
      %select_n3A_1572 = arith.select %eq3A_1569, %broadcast_in_dim3A_1571, %select_n3A_1213 : vector<16xi1>, vector<16xf32>
      %eq3A_1573 = arith.constant 2.300000e+01 : f32
      %eq3A_1574 = vector.broadcast %eq3A_1573 : f32 to vector<16xf32>
      %eq3A_1575 = arith.cmpf oeq, %select_n3A_1434, %eq3A_1574 : vector<16xf32>
      %jit3A_1576 = arith.constant 0x7F800000 : f32
      %broadcast_in_dim3A_1577 = vector.broadcast %jit3A_1576 : f32 to vector<16xf32>
      %select_n3A_1578 = arith.select %eq3A_1575, %broadcast_in_dim3A_1577, %select_n3A_1219 : vector<16xi1>, vector<16xf32>
      %eq3A_1579 = arith.constant 2.400000e+01 : f32
      %eq3A_1580 = vector.broadcast %eq3A_1579 : f32 to vector<16xf32>
      %eq3A_1581 = arith.cmpf oeq, %select_n3A_1434, %eq3A_1580 : vector<16xf32>
      %jit3A_1582 = arith.constant 0x7F800000 : f32
      %broadcast_in_dim3A_1583 = vector.broadcast %jit3A_1582 : f32 to vector<16xf32>
      %select_n3A_1584 = arith.select %eq3A_1581, %broadcast_in_dim3A_1583, %select_n3A_1225 : vector<16xi1>, vector<16xf32>
      %eq3A_1585 = arith.constant 2.500000e+01 : f32
      %eq3A_1586 = vector.broadcast %eq3A_1585 : f32 to vector<16xf32>
      %eq3A_1587 = arith.cmpf oeq, %select_n3A_1434, %eq3A_1586 : vector<16xf32>
      %jit3A_1588 = arith.constant 0x7F800000 : f32
      %broadcast_in_dim3A_1589 = vector.broadcast %jit3A_1588 : f32 to vector<16xf32>
      %select_n3A_1590 = arith.select %eq3A_1587, %broadcast_in_dim3A_1589, %select_n3A_1231 : vector<16xi1>, vector<16xf32>
      %eq3A_1591 = arith.constant 2.600000e+01 : f32
      %eq3A_1592 = vector.broadcast %eq3A_1591 : f32 to vector<16xf32>
      %eq3A_1593 = arith.cmpf oeq, %select_n3A_1434, %eq3A_1592 : vector<16xf32>
      %jit3A_1594 = arith.constant 0x7F800000 : f32
      %broadcast_in_dim3A_1595 = vector.broadcast %jit3A_1594 : f32 to vector<16xf32>
      %select_n3A_1596 = arith.select %eq3A_1593, %broadcast_in_dim3A_1595, %select_n3A_1237 : vector<16xi1>, vector<16xf32>
      %eq3A_1597 = arith.constant 2.700000e+01 : f32
      %eq3A_1598 = vector.broadcast %eq3A_1597 : f32 to vector<16xf32>
      %eq3A_1599 = arith.cmpf oeq, %select_n3A_1434, %eq3A_1598 : vector<16xf32>
      %jit3A_1600 = arith.constant 0x7F800000 : f32
      %broadcast_in_dim3A_1601 = vector.broadcast %jit3A_1600 : f32 to vector<16xf32>
      %select_n3A_1602 = arith.select %eq3A_1599, %broadcast_in_dim3A_1601, %select_n3A_1243 : vector<16xi1>, vector<16xf32>
      %eq3A_1603 = arith.constant 2.800000e+01 : f32
      %eq3A_1604 = vector.broadcast %eq3A_1603 : f32 to vector<16xf32>
      %eq3A_1605 = arith.cmpf oeq, %select_n3A_1434, %eq3A_1604 : vector<16xf32>
      %jit3A_1606 = arith.constant 0x7F800000 : f32
      %broadcast_in_dim3A_1607 = vector.broadcast %jit3A_1606 : f32 to vector<16xf32>
      %select_n3A_1608 = arith.select %eq3A_1605, %broadcast_in_dim3A_1607, %select_n3A_1249 : vector<16xi1>, vector<16xf32>
      %eq3A_1609 = arith.constant 2.900000e+01 : f32
      %eq3A_1610 = vector.broadcast %eq3A_1609 : f32 to vector<16xf32>
      %eq3A_1611 = arith.cmpf oeq, %select_n3A_1434, %eq3A_1610 : vector<16xf32>
      %jit3A_1612 = arith.constant 0x7F800000 : f32
      %broadcast_in_dim3A_1613 = vector.broadcast %jit3A_1612 : f32 to vector<16xf32>
      %select_n3A_1614 = arith.select %eq3A_1611, %broadcast_in_dim3A_1613, %select_n3A_1255 : vector<16xi1>, vector<16xf32>
      %eq3A_1615 = arith.constant 3.000000e+01 : f32
      %eq3A_1616 = vector.broadcast %eq3A_1615 : f32 to vector<16xf32>
      %eq3A_1617 = arith.cmpf oeq, %select_n3A_1434, %eq3A_1616 : vector<16xf32>
      %jit3A_1618 = arith.constant 0x7F800000 : f32
      %broadcast_in_dim3A_1619 = vector.broadcast %jit3A_1618 : f32 to vector<16xf32>
      %select_n3A_1620 = arith.select %eq3A_1617, %broadcast_in_dim3A_1619, %select_n3A_1261 : vector<16xi1>, vector<16xf32>
      %eq3A_1621 = arith.constant 3.100000e+01 : f32
      %eq3A_1622 = vector.broadcast %eq3A_1621 : f32 to vector<16xf32>
      %eq3A_1623 = arith.cmpf oeq, %select_n3A_1434, %eq3A_1622 : vector<16xf32>
      %jit3A_1624 = arith.constant 0x7F800000 : f32
      %broadcast_in_dim3A_1625 = vector.broadcast %jit3A_1624 : f32 to vector<16xf32>
      %select_n3A_1626 = arith.select %eq3A_1623, %broadcast_in_dim3A_1625, %select_n3A_1267 : vector<16xi1>, vector<16xf32>
      %swap3A_1627 = arith.constant 3 : i32
      %swap3A_1628 = arith.index_cast %swap3A_1627 : i32 to index
      %swap3A_1629 = arith.index_cast %mul3A_40 : i32 to index
      %swap3A_1630 = tpu.vector_load %arg5[%swap3A_1628, %swap3A_1629] {strides = array<i32>} : memref<5x256xf32, #tpu.memory_space<vmem>>, vector<1x16xf32>,
      %swap3A_1631 = vector.shape_cast %swap3A_1630 : vector<1x16xf32> to vector<16xf32>
      %swap3A_1632 = vector.shape_cast %select_n3A_1434 : vector<16xf32> to vector<1x16xf32>
      tpu.vector_store %arg5[%swap3A_1628, %swap3A_1629], %swap3A_1632 {strides = array<i32>} : memref<5x256xf32, #tpu.memory_space<vmem>>, vector<1x16xf32>,
      %min3A_1633 = arith.minimumf %select_n3A_1440, %select_n3A_1446 : vector<16xf32>
      %min3A_1634 = arith.minimumf %select_n3A_1452, %select_n3A_1458 : vector<16xf32>
      %min3A_1635 = arith.minimumf %select_n3A_1464, %select_n3A_1470 : vector<16xf32>
      %min3A_1636 = arith.minimumf %select_n3A_1476, %select_n3A_1482 : vector<16xf32>
      %min3A_1637 = arith.minimumf %select_n3A_1488, %select_n3A_1494 : vector<16xf32>
      %min3A_1638 = arith.minimumf %select_n3A_1500, %select_n3A_1506 : vector<16xf32>
      %min3A_1639 = arith.minimumf %select_n3A_1512, %select_n3A_1518 : vector<16xf32>
      %min3A_1640 = arith.minimumf %select_n3A_1524, %select_n3A_1530 : vector<16xf32>
      %min3A_1641 = arith.minimumf %select_n3A_1536, %select_n3A_1542 : vector<16xf32>
      %min3A_1642 = arith.minimumf %select_n3A_1548, %select_n3A_1554 : vector<16xf32>
      %min3A_1643 = arith.minimumf %select_n3A_1560, %select_n3A_1566 : vector<16xf32>
      %min3A_1644 = arith.minimumf %select_n3A_1572, %select_n3A_1578 : vector<16xf32>
      %min3A_1645 = arith.minimumf %select_n3A_1584, %select_n3A_1590 : vector<16xf32>
      %min3A_1646 = arith.minimumf %select_n3A_1596, %select_n3A_1602 : vector<16xf32>
      %min3A_1647 = arith.minimumf %select_n3A_1608, %select_n3A_1614 : vector<16xf32>
      %min3A_1648 = arith.minimumf %select_n3A_1620, %select_n3A_1626 : vector<16xf32>
      %min3A_1649 = arith.minimumf %min3A_1633, %min3A_1634 : vector<16xf32>
      %min3A_1650 = arith.minimumf %min3A_1635, %min3A_1636 : vector<16xf32>
      %min3A_1651 = arith.minimumf %min3A_1637, %min3A_1638 : vector<16xf32>
      %min3A_1652 = arith.minimumf %min3A_1639, %min3A_1640 : vector<16xf32>
      %min3A_1653 = arith.minimumf %min3A_1641, %min3A_1642 : vector<16xf32>
      %min3A_1654 = arith.minimumf %min3A_1643, %min3A_1644 : vector<16xf32>
      %min3A_1655 = arith.minimumf %min3A_1645, %min3A_1646 : vector<16xf32>
      %min3A_1656 = arith.minimumf %min3A_1647, %min3A_1648 : vector<16xf32>
      %min3A_1657 = arith.minimumf %min3A_1649, %min3A_1650 : vector<16xf32>
      %min3A_1658 = arith.minimumf %min3A_1651, %min3A_1652 : vector<16xf32>
      %min3A_1659 = arith.minimumf %min3A_1653, %min3A_1654 : vector<16xf32>
      %min3A_1660 = arith.minimumf %min3A_1655, %min3A_1656 : vector<16xf32>
      %min3A_1661 = arith.minimumf %min3A_1657, %min3A_1658 : vector<16xf32>
      %min3A_1662 = arith.minimumf %min3A_1659, %min3A_1660 : vector<16xf32>
      %min3A_1663 = arith.minimumf %min3A_1661, %min3A_1662 : vector<16xf32>
      %broadcast_in_dim3A_1664 = arith.constant 3.200000e+01 : f32
      %broadcast_in_dim3A_1665 = vector.broadcast %broadcast_in_dim3A_1664 : f32 to vector<16xf32>
      %eq3A_1666 = arith.cmpf oeq, %select_n3A_1626, %min3A_1663 : vector<16xf32>
      %jit3A_1667 = arith.constant 3.100000e+01 : f32
      %broadcast_in_dim3A_1668 = vector.broadcast %jit3A_1667 : f32 to vector<16xf32>
      %select_n3A_1669 = arith.select %eq3A_1666, %broadcast_in_dim3A_1668, %broadcast_in_dim3A_1665 : vector<16xi1>, vector<16xf32>
      %eq3A_1670 = arith.cmpf oeq, %select_n3A_1620, %min3A_1663 : vector<16xf32>
      %jit3A_1671 = arith.constant 3.000000e+01 : f32
      %broadcast_in_dim3A_1672 = vector.broadcast %jit3A_1671 : f32 to vector<16xf32>
      %select_n3A_1673 = arith.select %eq3A_1670, %broadcast_in_dim3A_1672, %select_n3A_1669 : vector<16xi1>, vector<16xf32>
      %eq3A_1674 = arith.cmpf oeq, %select_n3A_1614, %min3A_1663 : vector<16xf32>
      %jit3A_1675 = arith.constant 2.900000e+01 : f32
      %broadcast_in_dim3A_1676 = vector.broadcast %jit3A_1675 : f32 to vector<16xf32>
      %select_n3A_1677 = arith.select %eq3A_1674, %broadcast_in_dim3A_1676, %select_n3A_1673 : vector<16xi1>, vector<16xf32>
      %eq3A_1678 = arith.cmpf oeq, %select_n3A_1608, %min3A_1663 : vector<16xf32>
      %jit3A_1679 = arith.constant 2.800000e+01 : f32
      %broadcast_in_dim3A_1680 = vector.broadcast %jit3A_1679 : f32 to vector<16xf32>
      %select_n3A_1681 = arith.select %eq3A_1678, %broadcast_in_dim3A_1680, %select_n3A_1677 : vector<16xi1>, vector<16xf32>
      %eq3A_1682 = arith.cmpf oeq, %select_n3A_1602, %min3A_1663 : vector<16xf32>
      %jit3A_1683 = arith.constant 2.700000e+01 : f32
      %broadcast_in_dim3A_1684 = vector.broadcast %jit3A_1683 : f32 to vector<16xf32>
      %select_n3A_1685 = arith.select %eq3A_1682, %broadcast_in_dim3A_1684, %select_n3A_1681 : vector<16xi1>, vector<16xf32>
      %eq3A_1686 = arith.cmpf oeq, %select_n3A_1596, %min3A_1663 : vector<16xf32>
      %jit3A_1687 = arith.constant 2.600000e+01 : f32
      %broadcast_in_dim3A_1688 = vector.broadcast %jit3A_1687 : f32 to vector<16xf32>
      %select_n3A_1689 = arith.select %eq3A_1686, %broadcast_in_dim3A_1688, %select_n3A_1685 : vector<16xi1>, vector<16xf32>
      %eq3A_1690 = arith.cmpf oeq, %select_n3A_1590, %min3A_1663 : vector<16xf32>
      %jit3A_1691 = arith.constant 2.500000e+01 : f32
      %broadcast_in_dim3A_1692 = vector.broadcast %jit3A_1691 : f32 to vector<16xf32>
      %select_n3A_1693 = arith.select %eq3A_1690, %broadcast_in_dim3A_1692, %select_n3A_1689 : vector<16xi1>, vector<16xf32>
      %eq3A_1694 = arith.cmpf oeq, %select_n3A_1584, %min3A_1663 : vector<16xf32>
      %jit3A_1695 = arith.constant 2.400000e+01 : f32
      %broadcast_in_dim3A_1696 = vector.broadcast %jit3A_1695 : f32 to vector<16xf32>
      %select_n3A_1697 = arith.select %eq3A_1694, %broadcast_in_dim3A_1696, %select_n3A_1693 : vector<16xi1>, vector<16xf32>
      %eq3A_1698 = arith.cmpf oeq, %select_n3A_1578, %min3A_1663 : vector<16xf32>
      %jit3A_1699 = arith.constant 2.300000e+01 : f32
      %broadcast_in_dim3A_1700 = vector.broadcast %jit3A_1699 : f32 to vector<16xf32>
      %select_n3A_1701 = arith.select %eq3A_1698, %broadcast_in_dim3A_1700, %select_n3A_1697 : vector<16xi1>, vector<16xf32>
      %eq3A_1702 = arith.cmpf oeq, %select_n3A_1572, %min3A_1663 : vector<16xf32>
      %jit3A_1703 = arith.constant 2.200000e+01 : f32
      %broadcast_in_dim3A_1704 = vector.broadcast %jit3A_1703 : f32 to vector<16xf32>
      %select_n3A_1705 = arith.select %eq3A_1702, %broadcast_in_dim3A_1704, %select_n3A_1701 : vector<16xi1>, vector<16xf32>
      %eq3A_1706 = arith.cmpf oeq, %select_n3A_1566, %min3A_1663 : vector<16xf32>
      %jit3A_1707 = arith.constant 2.100000e+01 : f32
      %broadcast_in_dim3A_1708 = vector.broadcast %jit3A_1707 : f32 to vector<16xf32>
      %select_n3A_1709 = arith.select %eq3A_1706, %broadcast_in_dim3A_1708, %select_n3A_1705 : vector<16xi1>, vector<16xf32>
      %eq3A_1710 = arith.cmpf oeq, %select_n3A_1560, %min3A_1663 : vector<16xf32>
      %jit3A_1711 = arith.constant 2.000000e+01 : f32
      %broadcast_in_dim3A_1712 = vector.broadcast %jit3A_1711 : f32 to vector<16xf32>
      %select_n3A_1713 = arith.select %eq3A_1710, %broadcast_in_dim3A_1712, %select_n3A_1709 : vector<16xi1>, vector<16xf32>
      %eq3A_1714 = arith.cmpf oeq, %select_n3A_1554, %min3A_1663 : vector<16xf32>
      %jit3A_1715 = arith.constant 1.900000e+01 : f32
      %broadcast_in_dim3A_1716 = vector.broadcast %jit3A_1715 : f32 to vector<16xf32>
      %select_n3A_1717 = arith.select %eq3A_1714, %broadcast_in_dim3A_1716, %select_n3A_1713 : vector<16xi1>, vector<16xf32>
      %eq3A_1718 = arith.cmpf oeq, %select_n3A_1548, %min3A_1663 : vector<16xf32>
      %jit3A_1719 = arith.constant 1.800000e+01 : f32
      %broadcast_in_dim3A_1720 = vector.broadcast %jit3A_1719 : f32 to vector<16xf32>
      %select_n3A_1721 = arith.select %eq3A_1718, %broadcast_in_dim3A_1720, %select_n3A_1717 : vector<16xi1>, vector<16xf32>
      %eq3A_1722 = arith.cmpf oeq, %select_n3A_1542, %min3A_1663 : vector<16xf32>
      %jit3A_1723 = arith.constant 1.700000e+01 : f32
      %broadcast_in_dim3A_1724 = vector.broadcast %jit3A_1723 : f32 to vector<16xf32>
      %select_n3A_1725 = arith.select %eq3A_1722, %broadcast_in_dim3A_1724, %select_n3A_1721 : vector<16xi1>, vector<16xf32>
      %eq3A_1726 = arith.cmpf oeq, %select_n3A_1536, %min3A_1663 : vector<16xf32>
      %jit3A_1727 = arith.constant 1.600000e+01 : f32
      %broadcast_in_dim3A_1728 = vector.broadcast %jit3A_1727 : f32 to vector<16xf32>
      %select_n3A_1729 = arith.select %eq3A_1726, %broadcast_in_dim3A_1728, %select_n3A_1725 : vector<16xi1>, vector<16xf32>
      %eq3A_1730 = arith.cmpf oeq, %select_n3A_1530, %min3A_1663 : vector<16xf32>
      %jit3A_1731 = arith.constant 1.500000e+01 : f32
      %broadcast_in_dim3A_1732 = vector.broadcast %jit3A_1731 : f32 to vector<16xf32>
      %select_n3A_1733 = arith.select %eq3A_1730, %broadcast_in_dim3A_1732, %select_n3A_1729 : vector<16xi1>, vector<16xf32>
      %eq3A_1734 = arith.cmpf oeq, %select_n3A_1524, %min3A_1663 : vector<16xf32>
      %jit3A_1735 = arith.constant 1.400000e+01 : f32
      %broadcast_in_dim3A_1736 = vector.broadcast %jit3A_1735 : f32 to vector<16xf32>
      %select_n3A_1737 = arith.select %eq3A_1734, %broadcast_in_dim3A_1736, %select_n3A_1733 : vector<16xi1>, vector<16xf32>
      %eq3A_1738 = arith.cmpf oeq, %select_n3A_1518, %min3A_1663 : vector<16xf32>
      %jit3A_1739 = arith.constant 1.300000e+01 : f32
      %broadcast_in_dim3A_1740 = vector.broadcast %jit3A_1739 : f32 to vector<16xf32>
      %select_n3A_1741 = arith.select %eq3A_1738, %broadcast_in_dim3A_1740, %select_n3A_1737 : vector<16xi1>, vector<16xf32>
      %eq3A_1742 = arith.cmpf oeq, %select_n3A_1512, %min3A_1663 : vector<16xf32>
      %jit3A_1743 = arith.constant 1.200000e+01 : f32
      %broadcast_in_dim3A_1744 = vector.broadcast %jit3A_1743 : f32 to vector<16xf32>
      %select_n3A_1745 = arith.select %eq3A_1742, %broadcast_in_dim3A_1744, %select_n3A_1741 : vector<16xi1>, vector<16xf32>
      %eq3A_1746 = arith.cmpf oeq, %select_n3A_1506, %min3A_1663 : vector<16xf32>
      %jit3A_1747 = arith.constant 1.100000e+01 : f32
      %broadcast_in_dim3A_1748 = vector.broadcast %jit3A_1747 : f32 to vector<16xf32>
      %select_n3A_1749 = arith.select %eq3A_1746, %broadcast_in_dim3A_1748, %select_n3A_1745 : vector<16xi1>, vector<16xf32>
      %eq3A_1750 = arith.cmpf oeq, %select_n3A_1500, %min3A_1663 : vector<16xf32>
      %jit3A_1751 = arith.constant 1.000000e+01 : f32
      %broadcast_in_dim3A_1752 = vector.broadcast %jit3A_1751 : f32 to vector<16xf32>
      %select_n3A_1753 = arith.select %eq3A_1750, %broadcast_in_dim3A_1752, %select_n3A_1749 : vector<16xi1>, vector<16xf32>
      %eq3A_1754 = arith.cmpf oeq, %select_n3A_1494, %min3A_1663 : vector<16xf32>
      %jit3A_1755 = arith.constant 9.000000e+00 : f32
      %broadcast_in_dim3A_1756 = vector.broadcast %jit3A_1755 : f32 to vector<16xf32>
      %select_n3A_1757 = arith.select %eq3A_1754, %broadcast_in_dim3A_1756, %select_n3A_1753 : vector<16xi1>, vector<16xf32>
      %eq3A_1758 = arith.cmpf oeq, %select_n3A_1488, %min3A_1663 : vector<16xf32>
      %jit3A_1759 = arith.constant 8.000000e+00 : f32
      %broadcast_in_dim3A_1760 = vector.broadcast %jit3A_1759 : f32 to vector<16xf32>
      %select_n3A_1761 = arith.select %eq3A_1758, %broadcast_in_dim3A_1760, %select_n3A_1757 : vector<16xi1>, vector<16xf32>
      %eq3A_1762 = arith.cmpf oeq, %select_n3A_1482, %min3A_1663 : vector<16xf32>
      %jit3A_1763 = arith.constant 7.000000e+00 : f32
      %broadcast_in_dim3A_1764 = vector.broadcast %jit3A_1763 : f32 to vector<16xf32>
      %select_n3A_1765 = arith.select %eq3A_1762, %broadcast_in_dim3A_1764, %select_n3A_1761 : vector<16xi1>, vector<16xf32>
      %eq3A_1766 = arith.cmpf oeq, %select_n3A_1476, %min3A_1663 : vector<16xf32>
      %jit3A_1767 = arith.constant 6.000000e+00 : f32
      %broadcast_in_dim3A_1768 = vector.broadcast %jit3A_1767 : f32 to vector<16xf32>
      %select_n3A_1769 = arith.select %eq3A_1766, %broadcast_in_dim3A_1768, %select_n3A_1765 : vector<16xi1>, vector<16xf32>
      %eq3A_1770 = arith.cmpf oeq, %select_n3A_1470, %min3A_1663 : vector<16xf32>
      %jit3A_1771 = arith.constant 5.000000e+00 : f32
      %broadcast_in_dim3A_1772 = vector.broadcast %jit3A_1771 : f32 to vector<16xf32>
      %select_n3A_1773 = arith.select %eq3A_1770, %broadcast_in_dim3A_1772, %select_n3A_1769 : vector<16xi1>, vector<16xf32>
      %eq3A_1774 = arith.cmpf oeq, %select_n3A_1464, %min3A_1663 : vector<16xf32>
      %jit3A_1775 = arith.constant 4.000000e+00 : f32
      %broadcast_in_dim3A_1776 = vector.broadcast %jit3A_1775 : f32 to vector<16xf32>
      %select_n3A_1777 = arith.select %eq3A_1774, %broadcast_in_dim3A_1776, %select_n3A_1773 : vector<16xi1>, vector<16xf32>
      %eq3A_1778 = arith.cmpf oeq, %select_n3A_1458, %min3A_1663 : vector<16xf32>
      %jit3A_1779 = arith.constant 3.000000e+00 : f32
      %broadcast_in_dim3A_1780 = vector.broadcast %jit3A_1779 : f32 to vector<16xf32>
      %select_n3A_1781 = arith.select %eq3A_1778, %broadcast_in_dim3A_1780, %select_n3A_1777 : vector<16xi1>, vector<16xf32>
      %eq3A_1782 = arith.cmpf oeq, %select_n3A_1452, %min3A_1663 : vector<16xf32>
      %jit3A_1783 = arith.constant 2.000000e+00 : f32
      %broadcast_in_dim3A_1784 = vector.broadcast %jit3A_1783 : f32 to vector<16xf32>
      %select_n3A_1785 = arith.select %eq3A_1782, %broadcast_in_dim3A_1784, %select_n3A_1781 : vector<16xi1>, vector<16xf32>
      %eq3A_1786 = arith.cmpf oeq, %select_n3A_1446, %min3A_1663 : vector<16xf32>
      %jit3A_1787 = arith.constant 1.000000e+00 : f32
      %broadcast_in_dim3A_1788 = vector.broadcast %jit3A_1787 : f32 to vector<16xf32>
      %select_n3A_1789 = arith.select %eq3A_1786, %broadcast_in_dim3A_1788, %select_n3A_1785 : vector<16xi1>, vector<16xf32>
      %eq3A_1790 = arith.cmpf oeq, %select_n3A_1440, %min3A_1663 : vector<16xf32>
      %jit3A_1791 = arith.constant 0.000000e+00 : f32
      %broadcast_in_dim3A_1792 = vector.broadcast %jit3A_1791 : f32 to vector<16xf32>
      %select_n3A_1793 = arith.select %eq3A_1790, %broadcast_in_dim3A_1792, %select_n3A_1789 : vector<16xi1>, vector<16xf32>
      %eq3A_1794 = arith.constant 0.000000e+00 : f32
      %eq3A_1795 = vector.broadcast %eq3A_1794 : f32 to vector<16xf32>
      %eq3A_1796 = arith.cmpf oeq, %select_n3A_1793, %eq3A_1795 : vector<16xf32>
      %jit3A_1797 = arith.constant 0x7F800000 : f32
      %broadcast_in_dim3A_1798 = vector.broadcast %jit3A_1797 : f32 to vector<16xf32>
      %select_n3A_1799 = arith.select %eq3A_1796, %broadcast_in_dim3A_1798, %select_n3A_1440 : vector<16xi1>, vector<16xf32>
      %eq3A_1800 = arith.constant 1.000000e+00 : f32
      %eq3A_1801 = vector.broadcast %eq3A_1800 : f32 to vector<16xf32>
      %eq3A_1802 = arith.cmpf oeq, %select_n3A_1793, %eq3A_1801 : vector<16xf32>
      %jit3A_1803 = arith.constant 0x7F800000 : f32
      %broadcast_in_dim3A_1804 = vector.broadcast %jit3A_1803 : f32 to vector<16xf32>
      %select_n3A_1805 = arith.select %eq3A_1802, %broadcast_in_dim3A_1804, %select_n3A_1446 : vector<16xi1>, vector<16xf32>
      %eq3A_1806 = arith.constant 2.000000e+00 : f32
      %eq3A_1807 = vector.broadcast %eq3A_1806 : f32 to vector<16xf32>
      %eq3A_1808 = arith.cmpf oeq, %select_n3A_1793, %eq3A_1807 : vector<16xf32>
      %jit3A_1809 = arith.constant 0x7F800000 : f32
      %broadcast_in_dim3A_1810 = vector.broadcast %jit3A_1809 : f32 to vector<16xf32>
      %select_n3A_1811 = arith.select %eq3A_1808, %broadcast_in_dim3A_1810, %select_n3A_1452 : vector<16xi1>, vector<16xf32>
      %eq3A_1812 = arith.constant 3.000000e+00 : f32
      %eq3A_1813 = vector.broadcast %eq3A_1812 : f32 to vector<16xf32>
      %eq3A_1814 = arith.cmpf oeq, %select_n3A_1793, %eq3A_1813 : vector<16xf32>
      %jit3A_1815 = arith.constant 0x7F800000 : f32
      %broadcast_in_dim3A_1816 = vector.broadcast %jit3A_1815 : f32 to vector<16xf32>
      %select_n3A_1817 = arith.select %eq3A_1814, %broadcast_in_dim3A_1816, %select_n3A_1458 : vector<16xi1>, vector<16xf32>
      %eq3A_1818 = arith.constant 4.000000e+00 : f32
      %eq3A_1819 = vector.broadcast %eq3A_1818 : f32 to vector<16xf32>
      %eq3A_1820 = arith.cmpf oeq, %select_n3A_1793, %eq3A_1819 : vector<16xf32>
      %jit3A_1821 = arith.constant 0x7F800000 : f32
      %broadcast_in_dim3A_1822 = vector.broadcast %jit3A_1821 : f32 to vector<16xf32>
      %select_n3A_1823 = arith.select %eq3A_1820, %broadcast_in_dim3A_1822, %select_n3A_1464 : vector<16xi1>, vector<16xf32>
      %eq3A_1824 = arith.constant 5.000000e+00 : f32
      %eq3A_1825 = vector.broadcast %eq3A_1824 : f32 to vector<16xf32>
      %eq3A_1826 = arith.cmpf oeq, %select_n3A_1793, %eq3A_1825 : vector<16xf32>
      %jit3A_1827 = arith.constant 0x7F800000 : f32
      %broadcast_in_dim3A_1828 = vector.broadcast %jit3A_1827 : f32 to vector<16xf32>
      %select_n3A_1829 = arith.select %eq3A_1826, %broadcast_in_dim3A_1828, %select_n3A_1470 : vector<16xi1>, vector<16xf32>
      %eq3A_1830 = arith.constant 6.000000e+00 : f32
      %eq3A_1831 = vector.broadcast %eq3A_1830 : f32 to vector<16xf32>
      %eq3A_1832 = arith.cmpf oeq, %select_n3A_1793, %eq3A_1831 : vector<16xf32>
      %jit3A_1833 = arith.constant 0x7F800000 : f32
      %broadcast_in_dim3A_1834 = vector.broadcast %jit3A_1833 : f32 to vector<16xf32>
      %select_n3A_1835 = arith.select %eq3A_1832, %broadcast_in_dim3A_1834, %select_n3A_1476 : vector<16xi1>, vector<16xf32>
      %eq3A_1836 = arith.constant 7.000000e+00 : f32
      %eq3A_1837 = vector.broadcast %eq3A_1836 : f32 to vector<16xf32>
      %eq3A_1838 = arith.cmpf oeq, %select_n3A_1793, %eq3A_1837 : vector<16xf32>
      %jit3A_1839 = arith.constant 0x7F800000 : f32
      %broadcast_in_dim3A_1840 = vector.broadcast %jit3A_1839 : f32 to vector<16xf32>
      %select_n3A_1841 = arith.select %eq3A_1838, %broadcast_in_dim3A_1840, %select_n3A_1482 : vector<16xi1>, vector<16xf32>
      %eq3A_1842 = arith.constant 8.000000e+00 : f32
      %eq3A_1843 = vector.broadcast %eq3A_1842 : f32 to vector<16xf32>
      %eq3A_1844 = arith.cmpf oeq, %select_n3A_1793, %eq3A_1843 : vector<16xf32>
      %jit3A_1845 = arith.constant 0x7F800000 : f32
      %broadcast_in_dim3A_1846 = vector.broadcast %jit3A_1845 : f32 to vector<16xf32>
      %select_n3A_1847 = arith.select %eq3A_1844, %broadcast_in_dim3A_1846, %select_n3A_1488 : vector<16xi1>, vector<16xf32>
      %eq3A_1848 = arith.constant 9.000000e+00 : f32
      %eq3A_1849 = vector.broadcast %eq3A_1848 : f32 to vector<16xf32>
      %eq3A_1850 = arith.cmpf oeq, %select_n3A_1793, %eq3A_1849 : vector<16xf32>
      %jit3A_1851 = arith.constant 0x7F800000 : f32
      %broadcast_in_dim3A_1852 = vector.broadcast %jit3A_1851 : f32 to vector<16xf32>
      %select_n3A_1853 = arith.select %eq3A_1850, %broadcast_in_dim3A_1852, %select_n3A_1494 : vector<16xi1>, vector<16xf32>
      %eq3A_1854 = arith.constant 1.000000e+01 : f32
      %eq3A_1855 = vector.broadcast %eq3A_1854 : f32 to vector<16xf32>
      %eq3A_1856 = arith.cmpf oeq, %select_n3A_1793, %eq3A_1855 : vector<16xf32>
      %jit3A_1857 = arith.constant 0x7F800000 : f32
      %broadcast_in_dim3A_1858 = vector.broadcast %jit3A_1857 : f32 to vector<16xf32>
      %select_n3A_1859 = arith.select %eq3A_1856, %broadcast_in_dim3A_1858, %select_n3A_1500 : vector<16xi1>, vector<16xf32>
      %eq3A_1860 = arith.constant 1.100000e+01 : f32
      %eq3A_1861 = vector.broadcast %eq3A_1860 : f32 to vector<16xf32>
      %eq3A_1862 = arith.cmpf oeq, %select_n3A_1793, %eq3A_1861 : vector<16xf32>
      %jit3A_1863 = arith.constant 0x7F800000 : f32
      %broadcast_in_dim3A_1864 = vector.broadcast %jit3A_1863 : f32 to vector<16xf32>
      %select_n3A_1865 = arith.select %eq3A_1862, %broadcast_in_dim3A_1864, %select_n3A_1506 : vector<16xi1>, vector<16xf32>
      %eq3A_1866 = arith.constant 1.200000e+01 : f32
      %eq3A_1867 = vector.broadcast %eq3A_1866 : f32 to vector<16xf32>
      %eq3A_1868 = arith.cmpf oeq, %select_n3A_1793, %eq3A_1867 : vector<16xf32>
      %jit3A_1869 = arith.constant 0x7F800000 : f32
      %broadcast_in_dim3A_1870 = vector.broadcast %jit3A_1869 : f32 to vector<16xf32>
      %select_n3A_1871 = arith.select %eq3A_1868, %broadcast_in_dim3A_1870, %select_n3A_1512 : vector<16xi1>, vector<16xf32>
      %eq3A_1872 = arith.constant 1.300000e+01 : f32
      %eq3A_1873 = vector.broadcast %eq3A_1872 : f32 to vector<16xf32>
      %eq3A_1874 = arith.cmpf oeq, %select_n3A_1793, %eq3A_1873 : vector<16xf32>
      %jit3A_1875 = arith.constant 0x7F800000 : f32
      %broadcast_in_dim3A_1876 = vector.broadcast %jit3A_1875 : f32 to vector<16xf32>
      %select_n3A_1877 = arith.select %eq3A_1874, %broadcast_in_dim3A_1876, %select_n3A_1518 : vector<16xi1>, vector<16xf32>
      %eq3A_1878 = arith.constant 1.400000e+01 : f32
      %eq3A_1879 = vector.broadcast %eq3A_1878 : f32 to vector<16xf32>
      %eq3A_1880 = arith.cmpf oeq, %select_n3A_1793, %eq3A_1879 : vector<16xf32>
      %jit3A_1881 = arith.constant 0x7F800000 : f32
      %broadcast_in_dim3A_1882 = vector.broadcast %jit3A_1881 : f32 to vector<16xf32>
      %select_n3A_1883 = arith.select %eq3A_1880, %broadcast_in_dim3A_1882, %select_n3A_1524 : vector<16xi1>, vector<16xf32>
      %eq3A_1884 = arith.constant 1.500000e+01 : f32
      %eq3A_1885 = vector.broadcast %eq3A_1884 : f32 to vector<16xf32>
      %eq3A_1886 = arith.cmpf oeq, %select_n3A_1793, %eq3A_1885 : vector<16xf32>
      %jit3A_1887 = arith.constant 0x7F800000 : f32
      %broadcast_in_dim3A_1888 = vector.broadcast %jit3A_1887 : f32 to vector<16xf32>
      %select_n3A_1889 = arith.select %eq3A_1886, %broadcast_in_dim3A_1888, %select_n3A_1530 : vector<16xi1>, vector<16xf32>
      %eq3A_1890 = arith.constant 1.600000e+01 : f32
      %eq3A_1891 = vector.broadcast %eq3A_1890 : f32 to vector<16xf32>
      %eq3A_1892 = arith.cmpf oeq, %select_n3A_1793, %eq3A_1891 : vector<16xf32>
      %jit3A_1893 = arith.constant 0x7F800000 : f32
      %broadcast_in_dim3A_1894 = vector.broadcast %jit3A_1893 : f32 to vector<16xf32>
      %select_n3A_1895 = arith.select %eq3A_1892, %broadcast_in_dim3A_1894, %select_n3A_1536 : vector<16xi1>, vector<16xf32>
      %eq3A_1896 = arith.constant 1.700000e+01 : f32
      %eq3A_1897 = vector.broadcast %eq3A_1896 : f32 to vector<16xf32>
      %eq3A_1898 = arith.cmpf oeq, %select_n3A_1793, %eq3A_1897 : vector<16xf32>
      %jit3A_1899 = arith.constant 0x7F800000 : f32
      %broadcast_in_dim3A_1900 = vector.broadcast %jit3A_1899 : f32 to vector<16xf32>
      %select_n3A_1901 = arith.select %eq3A_1898, %broadcast_in_dim3A_1900, %select_n3A_1542 : vector<16xi1>, vector<16xf32>
      %eq3A_1902 = arith.constant 1.800000e+01 : f32
      %eq3A_1903 = vector.broadcast %eq3A_1902 : f32 to vector<16xf32>
      %eq3A_1904 = arith.cmpf oeq, %select_n3A_1793, %eq3A_1903 : vector<16xf32>
      %jit3A_1905 = arith.constant 0x7F800000 : f32
      %broadcast_in_dim3A_1906 = vector.broadcast %jit3A_1905 : f32 to vector<16xf32>
      %select_n3A_1907 = arith.select %eq3A_1904, %broadcast_in_dim3A_1906, %select_n3A_1548 : vector<16xi1>, vector<16xf32>
      %eq3A_1908 = arith.constant 1.900000e+01 : f32
      %eq3A_1909 = vector.broadcast %eq3A_1908 : f32 to vector<16xf32>
      %eq3A_1910 = arith.cmpf oeq, %select_n3A_1793, %eq3A_1909 : vector<16xf32>
      %jit3A_1911 = arith.constant 0x7F800000 : f32
      %broadcast_in_dim3A_1912 = vector.broadcast %jit3A_1911 : f32 to vector<16xf32>
      %select_n3A_1913 = arith.select %eq3A_1910, %broadcast_in_dim3A_1912, %select_n3A_1554 : vector<16xi1>, vector<16xf32>
      %eq3A_1914 = arith.constant 2.000000e+01 : f32
      %eq3A_1915 = vector.broadcast %eq3A_1914 : f32 to vector<16xf32>
      %eq3A_1916 = arith.cmpf oeq, %select_n3A_1793, %eq3A_1915 : vector<16xf32>
      %jit3A_1917 = arith.constant 0x7F800000 : f32
      %broadcast_in_dim3A_1918 = vector.broadcast %jit3A_1917 : f32 to vector<16xf32>
      %select_n3A_1919 = arith.select %eq3A_1916, %broadcast_in_dim3A_1918, %select_n3A_1560 : vector<16xi1>, vector<16xf32>
      %eq3A_1920 = arith.constant 2.100000e+01 : f32
      %eq3A_1921 = vector.broadcast %eq3A_1920 : f32 to vector<16xf32>
      %eq3A_1922 = arith.cmpf oeq, %select_n3A_1793, %eq3A_1921 : vector<16xf32>
      %jit3A_1923 = arith.constant 0x7F800000 : f32
      %broadcast_in_dim3A_1924 = vector.broadcast %jit3A_1923 : f32 to vector<16xf32>
      %select_n3A_1925 = arith.select %eq3A_1922, %broadcast_in_dim3A_1924, %select_n3A_1566 : vector<16xi1>, vector<16xf32>
      %eq3A_1926 = arith.constant 2.200000e+01 : f32
      %eq3A_1927 = vector.broadcast %eq3A_1926 : f32 to vector<16xf32>
      %eq3A_1928 = arith.cmpf oeq, %select_n3A_1793, %eq3A_1927 : vector<16xf32>
      %jit3A_1929 = arith.constant 0x7F800000 : f32
      %broadcast_in_dim3A_1930 = vector.broadcast %jit3A_1929 : f32 to vector<16xf32>
      %select_n3A_1931 = arith.select %eq3A_1928, %broadcast_in_dim3A_1930, %select_n3A_1572 : vector<16xi1>, vector<16xf32>
      %eq3A_1932 = arith.constant 2.300000e+01 : f32
      %eq3A_1933 = vector.broadcast %eq3A_1932 : f32 to vector<16xf32>
      %eq3A_1934 = arith.cmpf oeq, %select_n3A_1793, %eq3A_1933 : vector<16xf32>
      %jit3A_1935 = arith.constant 0x7F800000 : f32
      %broadcast_in_dim3A_1936 = vector.broadcast %jit3A_1935 : f32 to vector<16xf32>
      %select_n3A_1937 = arith.select %eq3A_1934, %broadcast_in_dim3A_1936, %select_n3A_1578 : vector<16xi1>, vector<16xf32>
      %eq3A_1938 = arith.constant 2.400000e+01 : f32
      %eq3A_1939 = vector.broadcast %eq3A_1938 : f32 to vector<16xf32>
      %eq3A_1940 = arith.cmpf oeq, %select_n3A_1793, %eq3A_1939 : vector<16xf32>
      %jit3A_1941 = arith.constant 0x7F800000 : f32
      %broadcast_in_dim3A_1942 = vector.broadcast %jit3A_1941 : f32 to vector<16xf32>
      %select_n3A_1943 = arith.select %eq3A_1940, %broadcast_in_dim3A_1942, %select_n3A_1584 : vector<16xi1>, vector<16xf32>
      %eq3A_1944 = arith.constant 2.500000e+01 : f32
      %eq3A_1945 = vector.broadcast %eq3A_1944 : f32 to vector<16xf32>
      %eq3A_1946 = arith.cmpf oeq, %select_n3A_1793, %eq3A_1945 : vector<16xf32>
      %jit3A_1947 = arith.constant 0x7F800000 : f32
      %broadcast_in_dim3A_1948 = vector.broadcast %jit3A_1947 : f32 to vector<16xf32>
      %select_n3A_1949 = arith.select %eq3A_1946, %broadcast_in_dim3A_1948, %select_n3A_1590 : vector<16xi1>, vector<16xf32>
      %eq3A_1950 = arith.constant 2.600000e+01 : f32
      %eq3A_1951 = vector.broadcast %eq3A_1950 : f32 to vector<16xf32>
      %eq3A_1952 = arith.cmpf oeq, %select_n3A_1793, %eq3A_1951 : vector<16xf32>
      %jit3A_1953 = arith.constant 0x7F800000 : f32
      %broadcast_in_dim3A_1954 = vector.broadcast %jit3A_1953 : f32 to vector<16xf32>
      %select_n3A_1955 = arith.select %eq3A_1952, %broadcast_in_dim3A_1954, %select_n3A_1596 : vector<16xi1>, vector<16xf32>
      %eq3A_1956 = arith.constant 2.700000e+01 : f32
      %eq3A_1957 = vector.broadcast %eq3A_1956 : f32 to vector<16xf32>
      %eq3A_1958 = arith.cmpf oeq, %select_n3A_1793, %eq3A_1957 : vector<16xf32>
      %jit3A_1959 = arith.constant 0x7F800000 : f32
      %broadcast_in_dim3A_1960 = vector.broadcast %jit3A_1959 : f32 to vector<16xf32>
      %select_n3A_1961 = arith.select %eq3A_1958, %broadcast_in_dim3A_1960, %select_n3A_1602 : vector<16xi1>, vector<16xf32>
      %eq3A_1962 = arith.constant 2.800000e+01 : f32
      %eq3A_1963 = vector.broadcast %eq3A_1962 : f32 to vector<16xf32>
      %eq3A_1964 = arith.cmpf oeq, %select_n3A_1793, %eq3A_1963 : vector<16xf32>
      %jit3A_1965 = arith.constant 0x7F800000 : f32
      %broadcast_in_dim3A_1966 = vector.broadcast %jit3A_1965 : f32 to vector<16xf32>
      %select_n3A_1967 = arith.select %eq3A_1964, %broadcast_in_dim3A_1966, %select_n3A_1608 : vector<16xi1>, vector<16xf32>
      %eq3A_1968 = arith.constant 2.900000e+01 : f32
      %eq3A_1969 = vector.broadcast %eq3A_1968 : f32 to vector<16xf32>
      %eq3A_1970 = arith.cmpf oeq, %select_n3A_1793, %eq3A_1969 : vector<16xf32>
      %jit3A_1971 = arith.constant 0x7F800000 : f32
      %broadcast_in_dim3A_1972 = vector.broadcast %jit3A_1971 : f32 to vector<16xf32>
      %select_n3A_1973 = arith.select %eq3A_1970, %broadcast_in_dim3A_1972, %select_n3A_1614 : vector<16xi1>, vector<16xf32>
      %eq3A_1974 = arith.constant 3.000000e+01 : f32
      %eq3A_1975 = vector.broadcast %eq3A_1974 : f32 to vector<16xf32>
      %eq3A_1976 = arith.cmpf oeq, %select_n3A_1793, %eq3A_1975 : vector<16xf32>
      %jit3A_1977 = arith.constant 0x7F800000 : f32
      %broadcast_in_dim3A_1978 = vector.broadcast %jit3A_1977 : f32 to vector<16xf32>
      %select_n3A_1979 = arith.select %eq3A_1976, %broadcast_in_dim3A_1978, %select_n3A_1620 : vector<16xi1>, vector<16xf32>
      %eq3A_1980 = arith.constant 3.100000e+01 : f32
      %eq3A_1981 = vector.broadcast %eq3A_1980 : f32 to vector<16xf32>
      %eq3A_1982 = arith.cmpf oeq, %select_n3A_1793, %eq3A_1981 : vector<16xf32>
      %jit3A_1983 = arith.constant 0x7F800000 : f32
      %broadcast_in_dim3A_1984 = vector.broadcast %jit3A_1983 : f32 to vector<16xf32>
      %select_n3A_1985 = arith.select %eq3A_1982, %broadcast_in_dim3A_1984, %select_n3A_1626 : vector<16xi1>, vector<16xf32>
      %swap3A_1986 = arith.constant 4 : i32
      %swap3A_1987 = arith.index_cast %swap3A_1986 : i32 to index
      %swap3A_1988 = arith.index_cast %mul3A_40 : i32 to index
      %swap3A_1989 = tpu.vector_load %arg5[%swap3A_1987, %swap3A_1988] {strides = array<i32>} : memref<5x256xf32, #tpu.memory_space<vmem>>, vector<1x16xf32>,
      %swap3A_1990 = vector.shape_cast %swap3A_1989 : vector<1x16xf32> to vector<16xf32>
      %swap3A_1991 = vector.shape_cast %select_n3A_1793 : vector<16xf32> to vector<1x16xf32>
      tpu.vector_store %arg5[%swap3A_1987, %swap3A_1988], %swap3A_1991 {strides = array<i32>} : memref<5x256xf32, #tpu.memory_space<vmem>>, vector<1x16xf32>,
    }
    %scan3A_37 = arith.constant 16 : i32
    "tpu.region"() ({
      %run_scoped3A = tpu.sem_alloc : memref<!tpu.dma_semaphore, #tpu.memory_space<semaphore_mem>>
      %dma_start3A = arith.constant 0 : i32
      %dma_start3A_38 = tpu.memref_slice %arg3[%select_n3A, %dma_start3A, %mul3A_32] : memref<2x5x4096xf32, #tpu.memory_space<hbm>> -> memref<1x5x256xf32, #tpu.memory_space<hbm>>
      %dma_start3A_39 = tpu.memref_squeeze %dma_start3A_38 : memref<1x5x256xf32, #tpu.memory_space<hbm>> -> memref<5x256xf32, #tpu.memory_space<hbm>>
      %dma_start3A_40 = arith.constant 0 : i32
      %dma_start3A_41 = tpu.memref_slice %arg3[%select_n3A, %dma_start3A_40, %mul3A_32] : memref<2x5x4096xf32, #tpu.memory_space<hbm>> -> memref<1x5x256xf32, #tpu.memory_space<hbm>>
      %dma_start3A_42 = tpu.memref_squeeze %dma_start3A_41 : memref<1x5x256xf32, #tpu.memory_space<hbm>> -> memref<5x256xf32, #tpu.memory_space<hbm>>
      tpu.enqueue_dma source(%arg5 : memref<5x256xf32, #tpu.memory_space<vmem>>) target(%dma_start3A_42 : memref<5x256xf32, #tpu.memory_space<hbm>>) target_semaphore(%run_scoped3A : memref<!tpu.dma_semaphore, #tpu.memory_space<semaphore_mem>>)
      %dma_wait3A = arith.constant 0 : i32
      %dma_wait3A_43 = tpu.memref_slice %arg3[%select_n3A, %dma_wait3A, %mul3A_32] : memref<2x5x4096xf32, #tpu.memory_space<hbm>> -> memref<1x5x256xf32, #tpu.memory_space<hbm>>
      %dma_wait3A_44 = tpu.memref_squeeze %dma_wait3A_43 : memref<1x5x256xf32, #tpu.memory_space<hbm>> -> memref<5x256xf32, #tpu.memory_space<hbm>>
      %dma_wait3A_45 = arith.constant 0 : i32
      %dma_wait3A_46 = tpu.memref_slice %arg3[%select_n3A, %dma_wait3A_45, %mul3A_32] : memref<2x5x4096xf32, #tpu.memory_space<hbm>> -> memref<1x5x256xf32, #tpu.memory_space<hbm>>
      %dma_wait3A_47 = tpu.memref_squeeze %dma_wait3A_46 : memref<1x5x256xf32, #tpu.memory_space<hbm>> -> memref<5x256xf32, #tpu.memory_space<hbm>>
      tpu.wait_dma2 semaphore(%run_scoped3A : memref<!tpu.dma_semaphore, #tpu.memory_space<semaphore_mem>>) src(%arg5 : memref<5x256xf32, #tpu.memory_space<vmem>>) dst(%dma_wait3A_47 : memref<5x256xf32, #tpu.memory_space<hbm>>)
      tpu.yield
    }) : () -> ()
    return
  }
}

module attributes {stable_mosaic.version = 14 : i64} {
  func.func @_stage1_body(%arg0: memref<2x4096x96xf32, #tpu.memory_space<vmem>>, %arg1: memref<2x4096x1xf32, #tpu.memory_space<vmem>>, %arg2: memref<96x96xf32, #tpu.memory_space<vmem>>, %arg3: memref<1x96xf32, #tpu.memory_space<vmem>>, %arg4: memref<1x96xf32, #tpu.memory_space<vmem>>, %arg5: memref<32x96xf32, #tpu.memory_space<vmem>>, %arg6: memref<32x96xf32, #tpu.memory_space<vmem>>, %arg7: memref<2x32x96xf32, #tpu.memory_space<vmem>>) attributes {dimension_semantics = [], scalar_prefetch = 0 : i64, scratch_operands = 0 : i64, tpu.core_type = #tpu.core_type<tc>} {
    %broadcast_in_dim3A = arith.constant 0.000000e+00 : f32
    %broadcast_in_dim3A_0 = vector.broadcast %broadcast_in_dim3A : f32 to vector<1x96xf32>
    %broadcast_in_dim3A_1 = arith.constant 0.000000e+00 : f32
    %broadcast_in_dim3A_2 = vector.broadcast %broadcast_in_dim3A_1 : f32 to vector<1x96xf32>
    %get3A = arith.constant 0 : index
    %get3A_3 = arith.constant 0 : index
    %get3A_4 = arith.constant 0 : index
    %get3A_5 = vector.load %arg1[%get3A, %get3A_3, %get3A_4] : memref<2x4096x1xf32, #tpu.memory_space<vmem>>, vector<1x4096x1xf32>
    %get3A_6 = vector.shape_cast %get3A_5 : vector<1x4096x1xf32> to vector<4096x1xf32>
    %logistic3A = arith.negf %get3A_6 : vector<4096x1xf32>
    %logistic3A_7 = math.exp %logistic3A : vector<4096x1xf32>
    %logistic3A_8 = arith.constant 1.000000e+00 : f32
    %logistic3A_9 = vector.broadcast %logistic3A_8 : f32 to vector<4096x1xf32>
    %logistic3A_10 = arith.addf %logistic3A_9, %logistic3A_7 : vector<4096x1xf32>
    %logistic3A_11 = arith.divf %logistic3A_9, %logistic3A_10 : vector<4096x1xf32>
    %get3A_12 = arith.constant 0 : index
    %get3A_13 = arith.constant 0 : index
    %get3A_14 = arith.constant 0 : index
    %get3A_15 = vector.load %arg0[%get3A_12, %get3A_13, %get3A_14] : memref<2x4096x96xf32, #tpu.memory_space<vmem>>, vector<1x4096x96xf32>
    %get3A_16 = vector.shape_cast %get3A_15 : vector<1x4096x96xf32> to vector<4096x96xf32>
    %mul3A = vector.broadcast %logistic3A_11 : vector<4096x1xf32> to vector<4096x96xf32>
    %mul3A_17 = arith.mulf %mul3A, %get3A_16 : vector<4096x96xf32>
    %get3A_18 = arith.constant 0 : index
    %get3A_19 = arith.constant 0 : index
    %get3A_20 = vector.load %arg2[%get3A_18, %get3A_19] : memref<96x96xf32, #tpu.memory_space<vmem>>, vector<96x96xf32>
    %dot_general3A = arith.constant dense<0.000000e+00> : vector<4096x96xf32>
    %dot_general3A_21 = tpu.matmul %mul3A_17, %get3A_20, %dot_general3A {dimension_numbers = #tpu.dot_dimension_numbers<[1], [1], [0], [0], [0, 0, 1, 0], [], []>, precision = #tpu.contract_precision<fp32>, transpose_lhs_hint = false} : vector<4096x96xf32>, vector<96x96xf32>, vector<4096x96xf32> -> vector<4096x96xf32>
    %reduce_sum3A = arith.constant dense<0.000000e+00> : vector<96xf32>
    %reduce_sum3A_22 = vector.multi_reduction <add>, %dot_general3A_21, %reduce_sum3A [0] : vector<4096x96xf32> to vector<96xf32>
    %broadcast_in_dim3A_23 = vector.shape_cast %reduce_sum3A_22 : vector<96xf32> to vector<1x96xf32>
    %add3A = arith.addf %broadcast_in_dim3A_0, %broadcast_in_dim3A_23 : vector<1x96xf32>
    %mul3A_24 = arith.mulf %dot_general3A_21, %dot_general3A_21 : vector<4096x96xf32>
    %reduce_sum3A_25 = arith.constant dense<0.000000e+00> : vector<96xf32>
    %reduce_sum3A_26 = vector.multi_reduction <add>, %mul3A_24, %reduce_sum3A_25 [0] : vector<4096x96xf32> to vector<96xf32>
    %broadcast_in_dim3A_27 = vector.shape_cast %reduce_sum3A_26 : vector<96xf32> to vector<1x96xf32>
    %add3A_28 = arith.addf %broadcast_in_dim3A_2, %broadcast_in_dim3A_27 : vector<1x96xf32>
    %get3A_29 = arith.constant 1 : index
    %get3A_30 = arith.constant 0 : index
    %get3A_31 = arith.constant 0 : index
    %get3A_32 = vector.load %arg1[%get3A_29, %get3A_30, %get3A_31] : memref<2x4096x1xf32, #tpu.memory_space<vmem>>, vector<1x4096x1xf32>
    %get3A_33 = vector.shape_cast %get3A_32 : vector<1x4096x1xf32> to vector<4096x1xf32>
    %logistic3A_34 = arith.negf %get3A_33 : vector<4096x1xf32>
    %logistic3A_35 = math.exp %logistic3A_34 : vector<4096x1xf32>
    %logistic3A_36 = arith.constant 1.000000e+00 : f32
    %logistic3A_37 = vector.broadcast %logistic3A_36 : f32 to vector<4096x1xf32>
    %logistic3A_38 = arith.addf %logistic3A_37, %logistic3A_35 : vector<4096x1xf32>
    %logistic3A_39 = arith.divf %logistic3A_37, %logistic3A_38 : vector<4096x1xf32>
    %get3A_40 = arith.constant 1 : index
    %get3A_41 = arith.constant 0 : index
    %get3A_42 = arith.constant 0 : index
    %get3A_43 = vector.load %arg0[%get3A_40, %get3A_41, %get3A_42] : memref<2x4096x96xf32, #tpu.memory_space<vmem>>, vector<1x4096x96xf32>
    %get3A_44 = vector.shape_cast %get3A_43 : vector<1x4096x96xf32> to vector<4096x96xf32>
    %mul3A_45 = vector.broadcast %logistic3A_39 : vector<4096x1xf32> to vector<4096x96xf32>
    %mul3A_46 = arith.mulf %mul3A_45, %get3A_44 : vector<4096x96xf32>
    %get3A_47 = arith.constant 0 : index
    %get3A_48 = arith.constant 0 : index
    %get3A_49 = vector.load %arg2[%get3A_47, %get3A_48] : memref<96x96xf32, #tpu.memory_space<vmem>>, vector<96x96xf32>
    %dot_general3A_50 = arith.constant dense<0.000000e+00> : vector<4096x96xf32>
    %dot_general3A_51 = tpu.matmul %mul3A_46, %get3A_49, %dot_general3A_50 {dimension_numbers = #tpu.dot_dimension_numbers<[1], [1], [0], [0], [0, 0, 1, 0], [], []>, precision = #tpu.contract_precision<fp32>, transpose_lhs_hint = false} : vector<4096x96xf32>, vector<96x96xf32>, vector<4096x96xf32> -> vector<4096x96xf32>
    %reduce_sum3A_52 = arith.constant dense<0.000000e+00> : vector<96xf32>
    %reduce_sum3A_53 = vector.multi_reduction <add>, %dot_general3A_51, %reduce_sum3A_52 [0] : vector<4096x96xf32> to vector<96xf32>
    %broadcast_in_dim3A_54 = vector.shape_cast %reduce_sum3A_53 : vector<96xf32> to vector<1x96xf32>
    %add3A_55 = arith.addf %add3A, %broadcast_in_dim3A_54 : vector<1x96xf32>
    %mul3A_56 = arith.mulf %dot_general3A_51, %dot_general3A_51 : vector<4096x96xf32>
    %reduce_sum3A_57 = arith.constant dense<0.000000e+00> : vector<96xf32>
    %reduce_sum3A_58 = vector.multi_reduction <add>, %mul3A_56, %reduce_sum3A_57 [0] : vector<4096x96xf32> to vector<96xf32>
    %broadcast_in_dim3A_59 = vector.shape_cast %reduce_sum3A_58 : vector<96xf32> to vector<1x96xf32>
    %add3A_60 = arith.addf %add3A_28, %broadcast_in_dim3A_59 : vector<1x96xf32>
    %div3A = arith.constant 8.192000e+03 : f32
    %div3A_61 = vector.broadcast %div3A : f32 to vector<1x96xf32>
    %div3A_62 = arith.divf %add3A_55, %div3A_61 : vector<1x96xf32>
    %div3A_63 = arith.constant 8.192000e+03 : f32
    %div3A_64 = vector.broadcast %div3A_63 : f32 to vector<1x96xf32>
    %div3A_65 = arith.divf %add3A_60, %div3A_64 : vector<1x96xf32>
    %mul3A_66 = arith.mulf %div3A_62, %div3A_62 : vector<1x96xf32>
    %sub3A = arith.subf %div3A_65, %mul3A_66 : vector<1x96xf32>
    %get3A_67 = arith.constant 0 : index
    %get3A_68 = arith.constant 0 : index
    %get3A_69 = vector.load %arg3[%get3A_67, %get3A_68] : memref<1x96xf32, #tpu.memory_space<vmem>>, vector<1x96xf32>
    %add3A_70 = arith.constant 9.99999974E-6 : f32
    %add3A_71 = vector.broadcast %add3A_70 : f32 to vector<1x96xf32>
    %add3A_72 = arith.addf %sub3A, %add3A_71 : vector<1x96xf32>
    %sqrt3A = math.sqrt %add3A_72 : vector<1x96xf32>
    %div3A_73 = arith.divf %get3A_69, %sqrt3A : vector<1x96xf32>
    %get3A_74 = arith.constant 0 : index
    %get3A_75 = arith.constant 0 : index
    %get3A_76 = vector.load %arg4[%get3A_74, %get3A_75] : memref<1x96xf32, #tpu.memory_space<vmem>>, vector<1x96xf32>
    %mul3A_77 = arith.mulf %div3A_62, %div3A_73 : vector<1x96xf32>
    %sub3A_78 = arith.subf %get3A_76, %mul3A_77 : vector<1x96xf32>
    %get3A_79 = arith.constant 0 : index
    %get3A_80 = arith.constant 0 : index
    %get3A_81 = vector.load %arg6[%get3A_79, %get3A_80] : memref<32x96xf32, #tpu.memory_space<vmem>>, vector<32x96xf32>
    %logistic3A_82 = arith.negf %get3A_81 : vector<32x96xf32>
    %logistic3A_83 = math.exp %logistic3A_82 : vector<32x96xf32>
    %logistic3A_84 = arith.constant 1.000000e+00 : f32
    %logistic3A_85 = vector.broadcast %logistic3A_84 : f32 to vector<32x96xf32>
    %logistic3A_86 = arith.addf %logistic3A_85, %logistic3A_83 : vector<32x96xf32>
    %logistic3A_87 = arith.divf %logistic3A_85, %logistic3A_86 : vector<32x96xf32>
    %mul3A_88 = arith.mulf %logistic3A_87, %logistic3A_87 : vector<32x96xf32>
    %div3A_89 = arith.constant 1.000000e+00 : f32
    %div3A_90 = vector.broadcast %div3A_89 : f32 to vector<32x96xf32>
    %div3A_91 = arith.divf %div3A_90, %mul3A_88 : vector<32x96xf32>
    %get3A_92 = arith.constant 0 : index
    %get3A_93 = arith.constant 0 : index
    %get3A_94 = vector.load %arg5[%get3A_92, %get3A_93] : memref<32x96xf32, #tpu.memory_space<vmem>>, vector<32x96xf32>
    %mul3A_95 = arith.mulf %get3A_94, %div3A_91 : vector<32x96xf32>
    %broadcast_in_dim3A_96 = arith.constant 1.000000e+00 : f32
    %broadcast_in_dim3A_97 = vector.broadcast %broadcast_in_dim3A_96 : f32 to vector<96x1xf32>
    %mul3A_98 = arith.mulf %get3A_94, %mul3A_95 : vector<32x96xf32>
    %dot_general3A_99 = arith.constant dense<0.000000e+00> : vector<32x1xf32>
    %dot_general3A_100 = tpu.matmul %mul3A_98, %broadcast_in_dim3A_97, %dot_general3A_99 {dimension_numbers = #tpu.dot_dimension_numbers<[1], [0], [0], [1], [0, 0, 1, 1], [], []>, precision = #tpu.contract_precision<fp32>, transpose_lhs_hint = false} : vector<32x96xf32>, vector<96x1xf32>, vector<32x1xf32> -> vector<32x1xf32>
    %broadcast_in_dim3A_101 = arith.constant 1.000000e+00 : f32
    %broadcast_in_dim3A_102 = vector.broadcast %broadcast_in_dim3A_101 : f32 to vector<4096x1xf32>
    %mul3A_103 = vector.broadcast %div3A_73 : vector<1x96xf32> to vector<4096x96xf32>
    %mul3A_104 = arith.mulf %dot_general3A_21, %mul3A_103 : vector<4096x96xf32>
    %add3A_105 = vector.broadcast %sub3A_78 : vector<1x96xf32> to vector<4096x96xf32>
    %add3A_106 = arith.addf %mul3A_104, %add3A_105 : vector<4096x96xf32>
    %max3A = arith.constant 0.000000e+00 : f32
    %max3A_107 = vector.broadcast %max3A : f32 to vector<4096x96xf32>
    %max3A_108 = arith.maximumf %add3A_106, %max3A_107 : vector<4096x96xf32>
    %mul3A_109 = arith.mulf %max3A_108, %max3A_108 : vector<4096x96xf32>
    %dot_general3A_110 = arith.constant dense<0.000000e+00> : vector<32x4096xf32>
    %dot_general3A_111 = tpu.matmul %div3A_91, %mul3A_109, %dot_general3A_110 {dimension_numbers = #tpu.dot_dimension_numbers<[1], [1], [0], [0], [0, 0, 1, 0], [], []>, precision = #tpu.contract_precision<fp32>, transpose_lhs_hint = false} : vector<32x96xf32>, vector<4096x96xf32>, vector<32x4096xf32> -> vector<32x4096xf32>
    %dot_general3A_112 = arith.constant dense<0.000000e+00> : vector<32x4096xf32>
    %dot_general3A_113 = tpu.matmul %mul3A_95, %max3A_108, %dot_general3A_112 {dimension_numbers = #tpu.dot_dimension_numbers<[1], [1], [0], [0], [0, 0, 1, 0], [], []>, precision = #tpu.contract_precision<fp32>, transpose_lhs_hint = false} : vector<32x96xf32>, vector<4096x96xf32>, vector<32x4096xf32> -> vector<32x4096xf32>
    %mul3A_114 = arith.constant -5.000000e-01 : f32
    %mul3A_115 = vector.broadcast %mul3A_114 : f32 to vector<32x4096xf32>
    %mul3A_116 = arith.mulf %mul3A_115, %dot_general3A_111 : vector<32x4096xf32>
    %add3A_117 = arith.addf %mul3A_116, %dot_general3A_113 : vector<32x4096xf32>
    %mul3A_118 = arith.constant 5.000000e-01 : f32
    %mul3A_119 = vector.broadcast %mul3A_118 : f32 to vector<32x1xf32>
    %mul3A_120 = arith.mulf %mul3A_119, %dot_general3A_100 : vector<32x1xf32>
    %sub3A_121 = vector.broadcast %mul3A_120 : vector<32x1xf32> to vector<32x4096xf32>
    %sub3A_122 = arith.subf %add3A_117, %sub3A_121 : vector<32x4096xf32>
    %reduce_max3A = arith.constant dense<0xFF800000> : vector<4096xf32>
    %reduce_max3A_123 = vector.multi_reduction <maximumf>, %sub3A_122, %reduce_max3A [0] : vector<32x4096xf32> to vector<4096xf32>
    %broadcast_in_dim3A_124 = vector.shape_cast %reduce_max3A_123 : vector<4096xf32> to vector<1x4096xf32>
    %sub3A_125 = vector.broadcast %broadcast_in_dim3A_124 : vector<1x4096xf32> to vector<32x4096xf32>
    %sub3A_126 = arith.subf %sub3A_122, %sub3A_125 : vector<32x4096xf32>
    %exp3A = math.exp %sub3A_126 : vector<32x4096xf32>
    %reduce_sum3A_127 = arith.constant dense<0.000000e+00> : vector<4096xf32>
    %reduce_sum3A_128 = vector.multi_reduction <add>, %exp3A, %reduce_sum3A_127 [0] : vector<32x4096xf32> to vector<4096xf32>
    %broadcast_in_dim3A_129 = vector.shape_cast %reduce_sum3A_128 : vector<4096xf32> to vector<1x4096xf32>
    %div3A_130 = vector.broadcast %broadcast_in_dim3A_129 : vector<1x4096xf32> to vector<32x4096xf32>
    %div3A_131 = arith.divf %exp3A, %div3A_130 : vector<32x4096xf32>
    %dot_general3A_132 = arith.constant dense<0.000000e+00> : vector<32x1xf32>
    %dot_general3A_133 = tpu.matmul %div3A_131, %broadcast_in_dim3A_102, %dot_general3A_132 {dimension_numbers = #tpu.dot_dimension_numbers<[1], [0], [0], [1], [0, 0, 1, 1], [], []>, precision = #tpu.contract_precision<fp32>, transpose_lhs_hint = false} : vector<32x4096xf32>, vector<4096x1xf32>, vector<32x1xf32> -> vector<32x1xf32>
    %dot_general3A_134 = arith.constant dense<0.000000e+00> : vector<32x96xf32>
    %dot_general3A_135 = tpu.matmul %div3A_131, %max3A_108, %dot_general3A_134 {dimension_numbers = #tpu.dot_dimension_numbers<[1], [0], [0], [1], [0, 0, 1, 1], [], []>, precision = #tpu.contract_precision<fp32>, transpose_lhs_hint = false} : vector<32x4096xf32>, vector<4096x96xf32>, vector<32x96xf32> -> vector<32x96xf32>
    %mul3A_136 = vector.broadcast %dot_general3A_133 : vector<32x1xf32> to vector<32x96xf32>
    %mul3A_137 = arith.mulf %get3A_94, %mul3A_136 : vector<32x96xf32>
    %sub3A_138 = arith.subf %dot_general3A_135, %mul3A_137 : vector<32x96xf32>
    %div3A_139 = arith.divf %sub3A_138, %logistic3A_87 : vector<32x96xf32>
    %add3A_140 = arith.constant 9.99999971E-10 : f32
    %add3A_141 = vector.broadcast %add3A_140 : f32 to vector<32x1xf32>
    %add3A_142 = arith.addf %dot_general3A_133, %add3A_141 : vector<32x1xf32>
    %div3A_143 = vector.broadcast %add3A_142 : vector<32x1xf32> to vector<32x96xf32>
    %div3A_144 = arith.divf %div3A_139, %div3A_143 : vector<32x96xf32>
    %mul3A_145 = arith.mulf %div3A_144, %div3A_144 : vector<32x96xf32>
    %reduce_sum3A_146 = arith.constant dense<0.000000e+00> : vector<32xf32>
    %reduce_sum3A_147 = vector.multi_reduction <add>, %mul3A_145, %reduce_sum3A_146 [1] : vector<32x96xf32> to vector<32xf32>
    %broadcast_in_dim3A_148 = vector.shape_cast %reduce_sum3A_147 : vector<32xf32> to vector<32x1xf32>
    %sqrt3A_149 = math.sqrt %broadcast_in_dim3A_148 : vector<32x1xf32>
    %max3A_150 = arith.constant 9.99999996E-13 : f32
    %max3A_151 = vector.broadcast %max3A_150 : f32 to vector<32x1xf32>
    %max3A_152 = arith.maximumf %sqrt3A_149, %max3A_151 : vector<32x1xf32>
    %div3A_153 = vector.broadcast %max3A_152 : vector<32x1xf32> to vector<32x96xf32>
    %div3A_154 = arith.divf %div3A_144, %div3A_153 : vector<32x96xf32>
    %mul3A_155 = arith.mulf %div3A_154, %div3A_154 : vector<32x96xf32>
    %reduce_sum3A_156 = vector.shape_cast %mul3A_155 : vector<32x96xf32> to vector<1x32x96xf32>
    %reduce_sum3A_157 = arith.constant dense<0.000000e+00> : vector<1xf32>
    %reduce_sum3A_158 = vector.multi_reduction <add>, %reduce_sum3A_156, %reduce_sum3A_157 [1, 2] : vector<1x32x96xf32> to vector<1xf32>
    %reduce_sum3A_159 = vector.shape_cast %reduce_sum3A_158 : vector<1xf32> to vector<1x1x1xf32>
    %reduce_sum3A_160 = vector.extract %reduce_sum3A_159[0, 0, 0] : f32 from vector<1x1x1xf32>
    %broadcast_in_dim3A_161 = vector.broadcast %reduce_sum3A_160 : f32 to vector<1x1xf32>
    %sqrt3A_162 = math.sqrt %broadcast_in_dim3A_161 : vector<1x1xf32>
    %max3A_163 = arith.constant 9.99999996E-13 : f32
    %max3A_164 = vector.broadcast %max3A_163 : f32 to vector<1x1xf32>
    %max3A_165 = arith.maximumf %sqrt3A_162, %max3A_164 : vector<1x1xf32>
    %div3A_166 = vector.broadcast %max3A_165 : vector<1x1xf32> to vector<32x96xf32>
    %div3A_167 = arith.divf %div3A_154, %div3A_166 : vector<32x96xf32>
    %swap3A = arith.constant 0 : index
    %swap3A_168 = arith.constant 0 : index
    %swap3A_169 = arith.constant 0 : index
    %swap3A_170 = vector.load %arg7[%swap3A, %swap3A_168, %swap3A_169] : memref<2x32x96xf32, #tpu.memory_space<vmem>>, vector<1x32x96xf32>
    %swap3A_171 = vector.shape_cast %swap3A_170 : vector<1x32x96xf32> to vector<32x96xf32>
    %swap3A_172 = vector.shape_cast %div3A_167 : vector<32x96xf32> to vector<1x32x96xf32>
    tpu.vector_store %arg7[%swap3A, %swap3A_168, %swap3A_169], %swap3A_172 {strides = array<i32>} : memref<2x32x96xf32, #tpu.memory_space<vmem>>, vector<1x32x96xf32>,
    %mul3A_173 = vector.broadcast %div3A_73 : vector<1x96xf32> to vector<4096x96xf32>
    %mul3A_174 = arith.mulf %dot_general3A_51, %mul3A_173 : vector<4096x96xf32>
    %add3A_175 = vector.broadcast %sub3A_78 : vector<1x96xf32> to vector<4096x96xf32>
    %add3A_176 = arith.addf %mul3A_174, %add3A_175 : vector<4096x96xf32>
    %max3A_177 = arith.constant 0.000000e+00 : f32
    %max3A_178 = vector.broadcast %max3A_177 : f32 to vector<4096x96xf32>
    %max3A_179 = arith.maximumf %add3A_176, %max3A_178 : vector<4096x96xf32>
    %mul3A_180 = arith.mulf %max3A_179, %max3A_179 : vector<4096x96xf32>
    %dot_general3A_181 = arith.constant dense<0.000000e+00> : vector<32x4096xf32>
    %dot_general3A_182 = tpu.matmul %div3A_91, %mul3A_180, %dot_general3A_181 {dimension_numbers = #tpu.dot_dimension_numbers<[1], [1], [0], [0], [0, 0, 1, 0], [], []>, precision = #tpu.contract_precision<fp32>, transpose_lhs_hint = false} : vector<32x96xf32>, vector<4096x96xf32>, vector<32x4096xf32> -> vector<32x4096xf32>
    %dot_general3A_183 = arith.constant dense<0.000000e+00> : vector<32x4096xf32>
    %dot_general3A_184 = tpu.matmul %mul3A_95, %max3A_179, %dot_general3A_183 {dimension_numbers = #tpu.dot_dimension_numbers<[1], [1], [0], [0], [0, 0, 1, 0], [], []>, precision = #tpu.contract_precision<fp32>, transpose_lhs_hint = false} : vector<32x96xf32>, vector<4096x96xf32>, vector<32x4096xf32> -> vector<32x4096xf32>
    %mul3A_185 = arith.constant -5.000000e-01 : f32
    %mul3A_186 = vector.broadcast %mul3A_185 : f32 to vector<32x4096xf32>
    %mul3A_187 = arith.mulf %mul3A_186, %dot_general3A_182 : vector<32x4096xf32>
    %add3A_188 = arith.addf %mul3A_187, %dot_general3A_184 : vector<32x4096xf32>
    %mul3A_189 = arith.constant 5.000000e-01 : f32
    %mul3A_190 = vector.broadcast %mul3A_189 : f32 to vector<32x1xf32>
    %mul3A_191 = arith.mulf %mul3A_190, %dot_general3A_100 : vector<32x1xf32>
    %sub3A_192 = vector.broadcast %mul3A_191 : vector<32x1xf32> to vector<32x4096xf32>
    %sub3A_193 = arith.subf %add3A_188, %sub3A_192 : vector<32x4096xf32>
    %reduce_max3A_194 = arith.constant dense<0xFF800000> : vector<4096xf32>
    %reduce_max3A_195 = vector.multi_reduction <maximumf>, %sub3A_193, %reduce_max3A_194 [0] : vector<32x4096xf32> to vector<4096xf32>
    %broadcast_in_dim3A_196 = vector.shape_cast %reduce_max3A_195 : vector<4096xf32> to vector<1x4096xf32>
    %sub3A_197 = vector.broadcast %broadcast_in_dim3A_196 : vector<1x4096xf32> to vector<32x4096xf32>
    %sub3A_198 = arith.subf %sub3A_193, %sub3A_197 : vector<32x4096xf32>
    %exp3A_199 = math.exp %sub3A_198 : vector<32x4096xf32>
    %reduce_sum3A_200 = arith.constant dense<0.000000e+00> : vector<4096xf32>
    %reduce_sum3A_201 = vector.multi_reduction <add>, %exp3A_199, %reduce_sum3A_200 [0] : vector<32x4096xf32> to vector<4096xf32>
    %broadcast_in_dim3A_202 = vector.shape_cast %reduce_sum3A_201 : vector<4096xf32> to vector<1x4096xf32>
    %div3A_203 = vector.broadcast %broadcast_in_dim3A_202 : vector<1x4096xf32> to vector<32x4096xf32>
    %div3A_204 = arith.divf %exp3A_199, %div3A_203 : vector<32x4096xf32>
    %dot_general3A_205 = arith.constant dense<0.000000e+00> : vector<32x1xf32>
    %dot_general3A_206 = tpu.matmul %div3A_204, %broadcast_in_dim3A_102, %dot_general3A_205 {dimension_numbers = #tpu.dot_dimension_numbers<[1], [0], [0], [1], [0, 0, 1, 1], [], []>, precision = #tpu.contract_precision<fp32>, transpose_lhs_hint = false} : vector<32x4096xf32>, vector<4096x1xf32>, vector<32x1xf32> -> vector<32x1xf32>
    %dot_general3A_207 = arith.constant dense<0.000000e+00> : vector<32x96xf32>
    %dot_general3A_208 = tpu.matmul %div3A_204, %max3A_179, %dot_general3A_207 {dimension_numbers = #tpu.dot_dimension_numbers<[1], [0], [0], [1], [0, 0, 1, 1], [], []>, precision = #tpu.contract_precision<fp32>, transpose_lhs_hint = false} : vector<32x4096xf32>, vector<4096x96xf32>, vector<32x96xf32> -> vector<32x96xf32>
    %mul3A_209 = vector.broadcast %dot_general3A_206 : vector<32x1xf32> to vector<32x96xf32>
    %mul3A_210 = arith.mulf %get3A_94, %mul3A_209 : vector<32x96xf32>
    %sub3A_211 = arith.subf %dot_general3A_208, %mul3A_210 : vector<32x96xf32>
    %div3A_212 = arith.divf %sub3A_211, %logistic3A_87 : vector<32x96xf32>
    %add3A_213 = arith.constant 9.99999971E-10 : f32
    %add3A_214 = vector.broadcast %add3A_213 : f32 to vector<32x1xf32>
    %add3A_215 = arith.addf %dot_general3A_206, %add3A_214 : vector<32x1xf32>
    %div3A_216 = vector.broadcast %add3A_215 : vector<32x1xf32> to vector<32x96xf32>
    %div3A_217 = arith.divf %div3A_212, %div3A_216 : vector<32x96xf32>
    %mul3A_218 = arith.mulf %div3A_217, %div3A_217 : vector<32x96xf32>
    %reduce_sum3A_219 = arith.constant dense<0.000000e+00> : vector<32xf32>
    %reduce_sum3A_220 = vector.multi_reduction <add>, %mul3A_218, %reduce_sum3A_219 [1] : vector<32x96xf32> to vector<32xf32>
    %broadcast_in_dim3A_221 = vector.shape_cast %reduce_sum3A_220 : vector<32xf32> to vector<32x1xf32>
    %sqrt3A_222 = math.sqrt %broadcast_in_dim3A_221 : vector<32x1xf32>
    %max3A_223 = arith.constant 9.99999996E-13 : f32
    %max3A_224 = vector.broadcast %max3A_223 : f32 to vector<32x1xf32>
    %max3A_225 = arith.maximumf %sqrt3A_222, %max3A_224 : vector<32x1xf32>
    %div3A_226 = vector.broadcast %max3A_225 : vector<32x1xf32> to vector<32x96xf32>
    %div3A_227 = arith.divf %div3A_217, %div3A_226 : vector<32x96xf32>
    %mul3A_228 = arith.mulf %div3A_227, %div3A_227 : vector<32x96xf32>
    %reduce_sum3A_229 = vector.shape_cast %mul3A_228 : vector<32x96xf32> to vector<1x32x96xf32>
    %reduce_sum3A_230 = arith.constant dense<0.000000e+00> : vector<1xf32>
    %reduce_sum3A_231 = vector.multi_reduction <add>, %reduce_sum3A_229, %reduce_sum3A_230 [1, 2] : vector<1x32x96xf32> to vector<1xf32>
    %reduce_sum3A_232 = vector.shape_cast %reduce_sum3A_231 : vector<1xf32> to vector<1x1x1xf32>
    %reduce_sum3A_233 = vector.extract %reduce_sum3A_232[0, 0, 0] : f32 from vector<1x1x1xf32>
    %broadcast_in_dim3A_234 = vector.broadcast %reduce_sum3A_233 : f32 to vector<1x1xf32>
    %sqrt3A_235 = math.sqrt %broadcast_in_dim3A_234 : vector<1x1xf32>
    %max3A_236 = arith.constant 9.99999996E-13 : f32
    %max3A_237 = vector.broadcast %max3A_236 : f32 to vector<1x1xf32>
    %max3A_238 = arith.maximumf %sqrt3A_235, %max3A_237 : vector<1x1xf32>
    %div3A_239 = vector.broadcast %max3A_238 : vector<1x1xf32> to vector<32x96xf32>
    %div3A_240 = arith.divf %div3A_227, %div3A_239 : vector<32x96xf32>
    %swap3A_241 = arith.constant 1 : index
    %swap3A_242 = arith.constant 0 : index
    %swap3A_243 = arith.constant 0 : index
    %swap3A_244 = vector.load %arg7[%swap3A_241, %swap3A_242, %swap3A_243] : memref<2x32x96xf32, #tpu.memory_space<vmem>>, vector<1x32x96xf32>
    %swap3A_245 = vector.shape_cast %swap3A_244 : vector<1x32x96xf32> to vector<32x96xf32>
    %swap3A_246 = vector.shape_cast %div3A_240 : vector<32x96xf32> to vector<1x32x96xf32>
    tpu.vector_store %arg7[%swap3A_241, %swap3A_242, %swap3A_243], %swap3A_246 {strides = array<i32>} : memref<2x32x96xf32, #tpu.memory_space<vmem>>, vector<1x32x96xf32>,
    return
  }
}

module attributes {stable_mosaic.version = 14 : i64} {
  func.func @_d2_body(%arg0: memref<2x96x4096xf32, #tpu.memory_space<vmem>>, %arg1: memref<2x96x32xf32, #tpu.memory_space<vmem>>, %arg2: memref<2x32x4096xf32, #tpu.memory_space<vmem>>) attributes {dimension_semantics = [], scalar_prefetch = 0 : i64, scratch_operands = 0 : i64, tpu.core_type = #tpu.core_type<tc>} {
    %broadcast_in_dim3A = arith.constant 1.000000e+00 : f32
    %broadcast_in_dim3A_0 = vector.broadcast %broadcast_in_dim3A : f32 to vector<1x96xf32>
    %broadcast_in_dim3A_1 = arith.constant 1.000000e+00 : f32
    %broadcast_in_dim3A_2 = vector.broadcast %broadcast_in_dim3A_1 : f32 to vector<96x1xf32>
    %get3A = arith.constant 0 : index
    %get3A_3 = arith.constant 0 : index
    %get3A_4 = arith.constant 0 : index
    %get3A_5 = vector.load %arg0[%get3A, %get3A_3, %get3A_4] : memref<2x96x4096xf32, #tpu.memory_space<vmem>>, vector<1x96x4096xf32>
    %get3A_6 = vector.shape_cast %get3A_5 : vector<1x96x4096xf32> to vector<96x4096xf32>
    %get3A_7 = arith.constant 0 : index
    %get3A_8 = arith.constant 0 : index
    %get3A_9 = arith.constant 0 : index
    %get3A_10 = vector.load %arg1[%get3A_7, %get3A_8, %get3A_9] : memref<2x96x32xf32, #tpu.memory_space<vmem>>, vector<1x96x32xf32>
    %get3A_11 = vector.shape_cast %get3A_10 : vector<1x96x32xf32> to vector<96x32xf32>
    %dot_general3A = arith.constant dense<0.000000e+00> : vector<32x4096xf32>
    %dot_general3A_12 = tpu.matmul %get3A_11, %get3A_6, %dot_general3A {dimension_numbers = #tpu.dot_dimension_numbers<[0], [0], [1], [1], [0, 1, 1, 1], [], []>, precision = #tpu.contract_precision<fp32>, transpose_lhs_hint = false} : vector<96x32xf32>, vector<96x4096xf32>, vector<32x4096xf32> -> vector<32x4096xf32>
    %mul3A = arith.mulf %get3A_6, %get3A_6 : vector<96x4096xf32>
    %dot_general3A_13 = arith.constant dense<0.000000e+00> : vector<1x4096xf32>
    %dot_general3A_14 = tpu.matmul %broadcast_in_dim3A_0, %mul3A, %dot_general3A_13 {dimension_numbers = #tpu.dot_dimension_numbers<[1], [0], [0], [1], [0, 0, 1, 1], [], []>, precision = #tpu.contract_precision<fp32>, transpose_lhs_hint = false} : vector<1x96xf32>, vector<96x4096xf32>, vector<1x4096xf32> -> vector<1x4096xf32>
    %mul3A_15 = arith.mulf %get3A_11, %get3A_11 : vector<96x32xf32>
    %dot_general3A_16 = arith.constant dense<0.000000e+00> : vector<32x1xf32>
    %dot_general3A_17 = tpu.matmul %mul3A_15, %broadcast_in_dim3A_2, %dot_general3A_16 {dimension_numbers = #tpu.dot_dimension_numbers<[0], [0], [1], [1], [0, 1, 1, 1], [], []>, precision = #tpu.contract_precision<fp32>, transpose_lhs_hint = false} : vector<96x32xf32>, vector<96x1xf32>, vector<32x1xf32> -> vector<32x1xf32>
    %mul3A_18 = arith.constant 2.000000e+00 : f32
    %mul3A_19 = vector.broadcast %mul3A_18 : f32 to vector<32x4096xf32>
    %mul3A_20 = arith.mulf %mul3A_19, %dot_general3A_12 : vector<32x4096xf32>
    %sub3A = vector.broadcast %dot_general3A_14 : vector<1x4096xf32> to vector<32x4096xf32>
    %sub3A_21 = arith.subf %sub3A, %mul3A_20 : vector<32x4096xf32>
    %add3A = vector.broadcast %dot_general3A_17 : vector<32x1xf32> to vector<32x4096xf32>
    %add3A_22 = arith.addf %sub3A_21, %add3A : vector<32x4096xf32>
    %swap3A = arith.constant 0 : index
    %swap3A_23 = arith.constant 0 : index
    %swap3A_24 = arith.constant 0 : index
    %swap3A_25 = vector.load %arg2[%swap3A, %swap3A_23, %swap3A_24] : memref<2x32x4096xf32, #tpu.memory_space<vmem>>, vector<1x32x4096xf32>
    %swap3A_26 = vector.shape_cast %swap3A_25 : vector<1x32x4096xf32> to vector<32x4096xf32>
    %swap3A_27 = vector.shape_cast %add3A_22 : vector<32x4096xf32> to vector<1x32x4096xf32>
    tpu.vector_store %arg2[%swap3A, %swap3A_23, %swap3A_24], %swap3A_27 {strides = array<i32>} : memref<2x32x4096xf32, #tpu.memory_space<vmem>>, vector<1x32x4096xf32>,
    %get3A_28 = arith.constant 1 : index
    %get3A_29 = arith.constant 0 : index
    %get3A_30 = arith.constant 0 : index
    %get3A_31 = vector.load %arg0[%get3A_28, %get3A_29, %get3A_30] : memref<2x96x4096xf32, #tpu.memory_space<vmem>>, vector<1x96x4096xf32>
    %get3A_32 = vector.shape_cast %get3A_31 : vector<1x96x4096xf32> to vector<96x4096xf32>
    %get3A_33 = arith.constant 1 : index
    %get3A_34 = arith.constant 0 : index
    %get3A_35 = arith.constant 0 : index
    %get3A_36 = vector.load %arg1[%get3A_33, %get3A_34, %get3A_35] : memref<2x96x32xf32, #tpu.memory_space<vmem>>, vector<1x96x32xf32>
    %get3A_37 = vector.shape_cast %get3A_36 : vector<1x96x32xf32> to vector<96x32xf32>
    %dot_general3A_38 = arith.constant dense<0.000000e+00> : vector<32x4096xf32>
    %dot_general3A_39 = tpu.matmul %get3A_37, %get3A_32, %dot_general3A_38 {dimension_numbers = #tpu.dot_dimension_numbers<[0], [0], [1], [1], [0, 1, 1, 1], [], []>, precision = #tpu.contract_precision<fp32>, transpose_lhs_hint = false} : vector<96x32xf32>, vector<96x4096xf32>, vector<32x4096xf32> -> vector<32x4096xf32>
    %mul3A_40 = arith.mulf %get3A_32, %get3A_32 : vector<96x4096xf32>
    %dot_general3A_41 = arith.constant dense<0.000000e+00> : vector<1x4096xf32>
    %dot_general3A_42 = tpu.matmul %broadcast_in_dim3A_0, %mul3A_40, %dot_general3A_41 {dimension_numbers = #tpu.dot_dimension_numbers<[1], [0], [0], [1], [0, 0, 1, 1], [], []>, precision = #tpu.contract_precision<fp32>, transpose_lhs_hint = false} : vector<1x96xf32>, vector<96x4096xf32>, vector<1x4096xf32> -> vector<1x4096xf32>
    %mul3A_43 = arith.mulf %get3A_37, %get3A_37 : vector<96x32xf32>
    %dot_general3A_44 = arith.constant dense<0.000000e+00> : vector<32x1xf32>
    %dot_general3A_45 = tpu.matmul %mul3A_43, %broadcast_in_dim3A_2, %dot_general3A_44 {dimension_numbers = #tpu.dot_dimension_numbers<[0], [0], [1], [1], [0, 1, 1, 1], [], []>, precision = #tpu.contract_precision<fp32>, transpose_lhs_hint = false} : vector<96x32xf32>, vector<96x1xf32>, vector<32x1xf32> -> vector<32x1xf32>
    %mul3A_46 = arith.constant 2.000000e+00 : f32
    %mul3A_47 = vector.broadcast %mul3A_46 : f32 to vector<32x4096xf32>
    %mul3A_48 = arith.mulf %mul3A_47, %dot_general3A_39 : vector<32x4096xf32>
    %sub3A_49 = vector.broadcast %dot_general3A_42 : vector<1x4096xf32> to vector<32x4096xf32>
    %sub3A_50 = arith.subf %sub3A_49, %mul3A_48 : vector<32x4096xf32>
    %add3A_51 = vector.broadcast %dot_general3A_45 : vector<32x1xf32> to vector<32x4096xf32>
    %add3A_52 = arith.addf %sub3A_50, %add3A_51 : vector<32x4096xf32>
    %swap3A_53 = arith.constant 1 : index
    %swap3A_54 = arith.constant 0 : index
    %swap3A_55 = arith.constant 0 : index
    %swap3A_56 = vector.load %arg2[%swap3A_53, %swap3A_54, %swap3A_55] : memref<2x32x4096xf32, #tpu.memory_space<vmem>>, vector<1x32x4096xf32>
    %swap3A_57 = vector.shape_cast %swap3A_56 : vector<1x32x4096xf32> to vector<32x4096xf32>
    %swap3A_58 = vector.shape_cast %add3A_52 : vector<32x4096xf32> to vector<1x32x4096xf32>
    tpu.vector_store %arg2[%swap3A_53, %swap3A_54, %swap3A_55], %swap3A_58 {strides = array<i32>} : memref<2x32x4096xf32, #tpu.memory_space<vmem>>, vector<1x32x4096xf32>,
    return
  }
}

module attributes {stable_mosaic.version = 14 : i64} {
  func.func @_edgeconv_body(%arg0: memref<2x4096x96xf32, #tpu.memory_space<vmem>>, %arg1: memref<2x96x32xf32, #tpu.memory_space<vmem>>, %arg2: memref<96x96xf32, #tpu.memory_space<vmem>>, %arg3: memref<96x96xf32, #tpu.memory_space<vmem>>, %arg4: memref<2x5x4096xf32, #tpu.memory_space<vmem>>, %arg5: memref<1x96xf32, #tpu.memory_space<vmem>>, %arg6: memref<1x96xf32, #tpu.memory_space<vmem>>, %arg7: memref<2x4096x96xf32, #tpu.memory_space<vmem>>) attributes {dimension_semantics = [], scalar_prefetch = 0 : i64, scratch_operands = 0 : i64, tpu.core_type = #tpu.core_type<tc>} {
    %iota3A = tpu.iota {dimensions = array<i32: 0>} : vector<32x4096xi32>
    %convert_element_type3A = arith.sitofp %iota3A : vector<32x4096xi32> to vector<32x4096xf32>
    %broadcast_in_dim3A = arith.constant 1.000000e+00 : f32
    %broadcast_in_dim3A_0 = vector.broadcast %broadcast_in_dim3A : f32 to vector<1x4096xf32>
    %broadcast_in_dim3A_1 = arith.constant 0.000000e+00 : f32
    %broadcast_in_dim3A_2 = vector.broadcast %broadcast_in_dim3A_1 : f32 to vector<1x96xf32>
    %broadcast_in_dim3A_3 = arith.constant 0.000000e+00 : f32
    %broadcast_in_dim3A_4 = vector.broadcast %broadcast_in_dim3A_3 : f32 to vector<1x96xf32>
    %get3A = arith.constant 0 : index
    %get3A_5 = arith.constant 0 : index
    %get3A_6 = arith.constant 0 : index
    %get3A_7 = vector.load %arg0[%get3A, %get3A_5, %get3A_6] : memref<2x4096x96xf32, #tpu.memory_space<vmem>>, vector<1x4096x96xf32>
    %get3A_8 = vector.shape_cast %get3A_7 : vector<1x4096x96xf32> to vector<4096x96xf32>
    %get3A_9 = arith.constant 0 : index
    %get3A_10 = arith.constant 0 : index
    %get3A_11 = vector.load %arg3[%get3A_9, %get3A_10] : memref<96x96xf32, #tpu.memory_space<vmem>>, vector<96x96xf32>
    %dot_general3A = arith.constant dense<0.000000e+00> : vector<4096x96xf32>
    %dot_general3A_12 = tpu.matmul %get3A_8, %get3A_11, %dot_general3A {dimension_numbers = #tpu.dot_dimension_numbers<[1], [1], [0], [0], [0, 0, 1, 0], [], []>, precision = #tpu.contract_precision<fp32>, transpose_lhs_hint = false} : vector<4096x96xf32>, vector<96x96xf32>, vector<4096x96xf32> -> vector<4096x96xf32>
    %get3A_13 = arith.constant 0 : index
    %get3A_14 = arith.constant 0 : index
    %get3A_15 = arith.constant 0 : index
    %get3A_16 = vector.load %arg1[%get3A_13, %get3A_14, %get3A_15] : memref<2x96x32xf32, #tpu.memory_space<vmem>>, vector<1x96x32xf32>
    %get3A_17 = vector.shape_cast %get3A_16 : vector<1x96x32xf32> to vector<96x32xf32>
    %get3A_18 = arith.constant 0 : index
    %get3A_19 = arith.constant 0 : index
    %get3A_20 = vector.load %arg2[%get3A_18, %get3A_19] : memref<96x96xf32, #tpu.memory_space<vmem>>, vector<96x96xf32>
    %dot_general3A_21 = arith.constant dense<0.000000e+00> : vector<32x96xf32>
    %dot_general3A_22 = tpu.matmul %get3A_17, %get3A_20, %dot_general3A_21 {dimension_numbers = #tpu.dot_dimension_numbers<[0], [1], [1], [0], [0, 1, 1, 0], [], []>, precision = #tpu.contract_precision<fp32>, transpose_lhs_hint = false} : vector<96x32xf32>, vector<96x96xf32>, vector<32x96xf32> -> vector<32x96xf32>
    %get3A_23 = arith.constant 0 : index
    %get3A_24 = arith.constant 0 : index
    %get3A_25 = arith.constant 0 : index
    %get3A_26 = vector.load %arg4[%get3A_23, %get3A_24, %get3A_25] : memref<2x5x4096xf32, #tpu.memory_space<vmem>>, vector<1x5x4096xf32>
    %get3A_27 = vector.shape_cast %get3A_26 : vector<1x5x4096xf32> to vector<5x4096xf32>
    %broadcast_in_dim3A_28 = arith.constant 0.000000e+00 : f32
    %broadcast_in_dim3A_29 = vector.broadcast %broadcast_in_dim3A_28 : f32 to vector<4096x96xf32>
    %broadcast_in_dim3A_30 = arith.constant 0xFF800000 : f32
    %broadcast_in_dim3A_31 = vector.broadcast %broadcast_in_dim3A_30 : f32 to vector<4096x96xf32>
    %broadcast_in_dim3A_32 = arith.constant 0x7F800000 : f32
    %broadcast_in_dim3A_33 = vector.broadcast %broadcast_in_dim3A_32 : f32 to vector<4096x96xf32>
    %broadcast_in_dim3A_34 = arith.constant 0.000000e+00 : f32
    %broadcast_in_dim3A_35 = vector.broadcast %broadcast_in_dim3A_34 : f32 to vector<32x4096xf32>
    %slice3A = vector.extract_strided_slice %get3A_27 {offsets = [0, 0], sizes = [1, 4096], strides = [1, 1]} : vector<5x4096xf32> to vector<1x4096xf32>
    %eq3A = vector.broadcast %slice3A : vector<1x4096xf32> to vector<32x4096xf32>
    %eq3A_36 = arith.cmpf oeq, %convert_element_type3A, %eq3A : vector<32x4096xf32>
    %convert_element_type3A_37 = arith.extui %eq3A_36 : vector<32x4096xi1> to vector<32x4096xi32>
    %convert_element_type3A_38 = arith.sitofp %convert_element_type3A_37 : vector<32x4096xi32> to vector<32x4096xf32>
    %dot_general3A_39 = arith.constant dense<0.000000e+00> : vector<4096x96xf32>
    %dot_general3A_40 = tpu.matmul %convert_element_type3A_38, %dot_general3A_22, %dot_general3A_39 {dimension_numbers = #tpu.dot_dimension_numbers<[0], [0], [1], [1], [0, 1, 1, 1], [], []>, precision = #tpu.contract_precision<fp32>, transpose_lhs_hint = false} : vector<32x4096xf32>, vector<32x96xf32>, vector<4096x96xf32> -> vector<4096x96xf32>
    %add3A = arith.addf %broadcast_in_dim3A_29, %dot_general3A_40 : vector<4096x96xf32>
    %max3A = arith.maximumf %broadcast_in_dim3A_31, %dot_general3A_40 : vector<4096x96xf32>
    %min3A = arith.minimumf %broadcast_in_dim3A_33, %dot_general3A_40 : vector<4096x96xf32>
    %add3A_41 = arith.addf %broadcast_in_dim3A_35, %convert_element_type3A_38 : vector<32x4096xf32>
    %slice3A_42 = vector.extract_strided_slice %get3A_27 {offsets = [1, 0], sizes = [1, 4096], strides = [1, 1]} : vector<5x4096xf32> to vector<1x4096xf32>
    %eq3A_43 = vector.broadcast %slice3A_42 : vector<1x4096xf32> to vector<32x4096xf32>
    %eq3A_44 = arith.cmpf oeq, %convert_element_type3A, %eq3A_43 : vector<32x4096xf32>
    %convert_element_type3A_45 = arith.extui %eq3A_44 : vector<32x4096xi1> to vector<32x4096xi32>
    %convert_element_type3A_46 = arith.sitofp %convert_element_type3A_45 : vector<32x4096xi32> to vector<32x4096xf32>
    %dot_general3A_47 = arith.constant dense<0.000000e+00> : vector<4096x96xf32>
    %dot_general3A_48 = tpu.matmul %convert_element_type3A_46, %dot_general3A_22, %dot_general3A_47 {dimension_numbers = #tpu.dot_dimension_numbers<[0], [0], [1], [1], [0, 1, 1, 1], [], []>, precision = #tpu.contract_precision<fp32>, transpose_lhs_hint = false} : vector<32x4096xf32>, vector<32x96xf32>, vector<4096x96xf32> -> vector<4096x96xf32>
    %add3A_49 = arith.addf %add3A, %dot_general3A_48 : vector<4096x96xf32>
    %max3A_50 = arith.maximumf %max3A, %dot_general3A_48 : vector<4096x96xf32>
    %min3A_51 = arith.minimumf %min3A, %dot_general3A_48 : vector<4096x96xf32>
    %add3A_52 = arith.addf %add3A_41, %convert_element_type3A_46 : vector<32x4096xf32>
    %slice3A_53 = vector.extract_strided_slice %get3A_27 {offsets = [2, 0], sizes = [1, 4096], strides = [1, 1]} : vector<5x4096xf32> to vector<1x4096xf32>
    %eq3A_54 = vector.broadcast %slice3A_53 : vector<1x4096xf32> to vector<32x4096xf32>
    %eq3A_55 = arith.cmpf oeq, %convert_element_type3A, %eq3A_54 : vector<32x4096xf32>
    %convert_element_type3A_56 = arith.extui %eq3A_55 : vector<32x4096xi1> to vector<32x4096xi32>
    %convert_element_type3A_57 = arith.sitofp %convert_element_type3A_56 : vector<32x4096xi32> to vector<32x4096xf32>
    %dot_general3A_58 = arith.constant dense<0.000000e+00> : vector<4096x96xf32>
    %dot_general3A_59 = tpu.matmul %convert_element_type3A_57, %dot_general3A_22, %dot_general3A_58 {dimension_numbers = #tpu.dot_dimension_numbers<[0], [0], [1], [1], [0, 1, 1, 1], [], []>, precision = #tpu.contract_precision<fp32>, transpose_lhs_hint = false} : vector<32x4096xf32>, vector<32x96xf32>, vector<4096x96xf32> -> vector<4096x96xf32>
    %add3A_60 = arith.addf %add3A_49, %dot_general3A_59 : vector<4096x96xf32>
    %max3A_61 = arith.maximumf %max3A_50, %dot_general3A_59 : vector<4096x96xf32>
    %min3A_62 = arith.minimumf %min3A_51, %dot_general3A_59 : vector<4096x96xf32>
    %add3A_63 = arith.addf %add3A_52, %convert_element_type3A_57 : vector<32x4096xf32>
    %slice3A_64 = vector.extract_strided_slice %get3A_27 {offsets = [3, 0], sizes = [1, 4096], strides = [1, 1]} : vector<5x4096xf32> to vector<1x4096xf32>
    %eq3A_65 = vector.broadcast %slice3A_64 : vector<1x4096xf32> to vector<32x4096xf32>
    %eq3A_66 = arith.cmpf oeq, %convert_element_type3A, %eq3A_65 : vector<32x4096xf32>
    %convert_element_type3A_67 = arith.extui %eq3A_66 : vector<32x4096xi1> to vector<32x4096xi32>
    %convert_element_type3A_68 = arith.sitofp %convert_element_type3A_67 : vector<32x4096xi32> to vector<32x4096xf32>
    %dot_general3A_69 = arith.constant dense<0.000000e+00> : vector<4096x96xf32>
    %dot_general3A_70 = tpu.matmul %convert_element_type3A_68, %dot_general3A_22, %dot_general3A_69 {dimension_numbers = #tpu.dot_dimension_numbers<[0], [0], [1], [1], [0, 1, 1, 1], [], []>, precision = #tpu.contract_precision<fp32>, transpose_lhs_hint = false} : vector<32x4096xf32>, vector<32x96xf32>, vector<4096x96xf32> -> vector<4096x96xf32>
    %add3A_71 = arith.addf %add3A_60, %dot_general3A_70 : vector<4096x96xf32>
    %max3A_72 = arith.maximumf %max3A_61, %dot_general3A_70 : vector<4096x96xf32>
    %min3A_73 = arith.minimumf %min3A_62, %dot_general3A_70 : vector<4096x96xf32>
    %add3A_74 = arith.addf %add3A_63, %convert_element_type3A_68 : vector<32x4096xf32>
    %slice3A_75 = vector.extract_strided_slice %get3A_27 {offsets = [4, 0], sizes = [1, 4096], strides = [1, 1]} : vector<5x4096xf32> to vector<1x4096xf32>
    %eq3A_76 = vector.broadcast %slice3A_75 : vector<1x4096xf32> to vector<32x4096xf32>
    %eq3A_77 = arith.cmpf oeq, %convert_element_type3A, %eq3A_76 : vector<32x4096xf32>
    %convert_element_type3A_78 = arith.extui %eq3A_77 : vector<32x4096xi1> to vector<32x4096xi32>
    %convert_element_type3A_79 = arith.sitofp %convert_element_type3A_78 : vector<32x4096xi32> to vector<32x4096xf32>
    %dot_general3A_80 = arith.constant dense<0.000000e+00> : vector<4096x96xf32>
    %dot_general3A_81 = tpu.matmul %convert_element_type3A_79, %dot_general3A_22, %dot_general3A_80 {dimension_numbers = #tpu.dot_dimension_numbers<[0], [0], [1], [1], [0, 1, 1, 1], [], []>, precision = #tpu.contract_precision<fp32>, transpose_lhs_hint = false} : vector<32x4096xf32>, vector<32x96xf32>, vector<4096x96xf32> -> vector<4096x96xf32>
    %add3A_82 = arith.addf %add3A_71, %dot_general3A_81 : vector<4096x96xf32>
    %max3A_83 = arith.maximumf %max3A_72, %dot_general3A_81 : vector<4096x96xf32>
    %min3A_84 = arith.minimumf %min3A_73, %dot_general3A_81 : vector<4096x96xf32>
    %add3A_85 = arith.addf %add3A_74, %convert_element_type3A_79 : vector<32x4096xf32>
    %dot_general3A_86 = arith.constant dense<0.000000e+00> : vector<1x32xf32>
    %dot_general3A_87 = tpu.matmul %broadcast_in_dim3A_0, %add3A_85, %dot_general3A_86 {dimension_numbers = #tpu.dot_dimension_numbers<[1], [1], [0], [0], [0, 0, 1, 0], [], []>, precision = #tpu.contract_precision<fp32>, transpose_lhs_hint = false} : vector<1x4096xf32>, vector<32x4096xf32>, vector<1x32xf32> -> vector<1x32xf32>
    %reduce_sum3A = arith.constant dense<0.000000e+00> : vector<96xf32>
    %reduce_sum3A_88 = vector.multi_reduction <add>, %add3A_82, %reduce_sum3A [0] : vector<4096x96xf32> to vector<96xf32>
    %broadcast_in_dim3A_89 = vector.shape_cast %reduce_sum3A_88 : vector<96xf32> to vector<1x96xf32>
    %add3A_90 = arith.addf %broadcast_in_dim3A_2, %broadcast_in_dim3A_89 : vector<1x96xf32>
    %reduce_sum3A_91 = arith.constant dense<0.000000e+00> : vector<96xf32>
    %reduce_sum3A_92 = vector.multi_reduction <add>, %dot_general3A_12, %reduce_sum3A_91 [0] : vector<4096x96xf32> to vector<96xf32>
    %broadcast_in_dim3A_93 = vector.shape_cast %reduce_sum3A_92 : vector<96xf32> to vector<1x96xf32>
    %mul3A = arith.constant 5.000000e+00 : f32
    %mul3A_94 = vector.broadcast %mul3A : f32 to vector<1x96xf32>
    %mul3A_95 = arith.mulf %mul3A_94, %broadcast_in_dim3A_93 : vector<1x96xf32>
    %add3A_96 = arith.addf %add3A_90, %mul3A_95 : vector<1x96xf32>
    %mul3A_97 = arith.mulf %dot_general3A_22, %dot_general3A_22 : vector<32x96xf32>
    %dot_general3A_98 = arith.constant dense<0.000000e+00> : vector<1x96xf32>
    %dot_general3A_99 = tpu.matmul %dot_general3A_87, %mul3A_97, %dot_general3A_98 {dimension_numbers = #tpu.dot_dimension_numbers<[1], [0], [0], [1], [0, 0, 1, 1], [], []>, precision = #tpu.contract_precision<fp32>, transpose_lhs_hint = false} : vector<1x32xf32>, vector<32x96xf32>, vector<1x96xf32> -> vector<1x96xf32>
    %add3A_100 = arith.addf %broadcast_in_dim3A_4, %dot_general3A_99 : vector<1x96xf32>
    %mul3A_101 = arith.mulf %dot_general3A_12, %add3A_82 : vector<4096x96xf32>
    %reduce_sum3A_102 = arith.constant dense<0.000000e+00> : vector<96xf32>
    %reduce_sum3A_103 = vector.multi_reduction <add>, %mul3A_101, %reduce_sum3A_102 [0] : vector<4096x96xf32> to vector<96xf32>
    %broadcast_in_dim3A_104 = vector.shape_cast %reduce_sum3A_103 : vector<96xf32> to vector<1x96xf32>
    %mul3A_105 = arith.constant 2.000000e+00 : f32
    %mul3A_106 = vector.broadcast %mul3A_105 : f32 to vector<1x96xf32>
    %mul3A_107 = arith.mulf %mul3A_106, %broadcast_in_dim3A_104 : vector<1x96xf32>
    %add3A_108 = arith.addf %add3A_100, %mul3A_107 : vector<1x96xf32>
    %mul3A_109 = arith.mulf %dot_general3A_12, %dot_general3A_12 : vector<4096x96xf32>
    %reduce_sum3A_110 = arith.constant dense<0.000000e+00> : vector<96xf32>
    %reduce_sum3A_111 = vector.multi_reduction <add>, %mul3A_109, %reduce_sum3A_110 [0] : vector<4096x96xf32> to vector<96xf32>
    %broadcast_in_dim3A_112 = vector.shape_cast %reduce_sum3A_111 : vector<96xf32> to vector<1x96xf32>
    %mul3A_113 = arith.constant 5.000000e+00 : f32
    %mul3A_114 = vector.broadcast %mul3A_113 : f32 to vector<1x96xf32>
    %mul3A_115 = arith.mulf %mul3A_114, %broadcast_in_dim3A_112 : vector<1x96xf32>
    %add3A_116 = arith.addf %add3A_108, %mul3A_115 : vector<1x96xf32>
    %get3A_117 = arith.constant 1 : index
    %get3A_118 = arith.constant 0 : index
    %get3A_119 = arith.constant 0 : index
    %get3A_120 = vector.load %arg0[%get3A_117, %get3A_118, %get3A_119] : memref<2x4096x96xf32, #tpu.memory_space<vmem>>, vector<1x4096x96xf32>
    %get3A_121 = vector.shape_cast %get3A_120 : vector<1x4096x96xf32> to vector<4096x96xf32>
    %get3A_122 = arith.constant 0 : index
    %get3A_123 = arith.constant 0 : index
    %get3A_124 = vector.load %arg3[%get3A_122, %get3A_123] : memref<96x96xf32, #tpu.memory_space<vmem>>, vector<96x96xf32>
    %dot_general3A_125 = arith.constant dense<0.000000e+00> : vector<4096x96xf32>
    %dot_general3A_126 = tpu.matmul %get3A_121, %get3A_124, %dot_general3A_125 {dimension_numbers = #tpu.dot_dimension_numbers<[1], [1], [0], [0], [0, 0, 1, 0], [], []>, precision = #tpu.contract_precision<fp32>, transpose_lhs_hint = false} : vector<4096x96xf32>, vector<96x96xf32>, vector<4096x96xf32> -> vector<4096x96xf32>
    %get3A_127 = arith.constant 1 : index
    %get3A_128 = arith.constant 0 : index
    %get3A_129 = arith.constant 0 : index
    %get3A_130 = vector.load %arg1[%get3A_127, %get3A_128, %get3A_129] : memref<2x96x32xf32, #tpu.memory_space<vmem>>, vector<1x96x32xf32>
    %get3A_131 = vector.shape_cast %get3A_130 : vector<1x96x32xf32> to vector<96x32xf32>
    %get3A_132 = arith.constant 0 : index
    %get3A_133 = arith.constant 0 : index
    %get3A_134 = vector.load %arg2[%get3A_132, %get3A_133] : memref<96x96xf32, #tpu.memory_space<vmem>>, vector<96x96xf32>
    %dot_general3A_135 = arith.constant dense<0.000000e+00> : vector<32x96xf32>
    %dot_general3A_136 = tpu.matmul %get3A_131, %get3A_134, %dot_general3A_135 {dimension_numbers = #tpu.dot_dimension_numbers<[0], [1], [1], [0], [0, 1, 1, 0], [], []>, precision = #tpu.contract_precision<fp32>, transpose_lhs_hint = false} : vector<96x32xf32>, vector<96x96xf32>, vector<32x96xf32> -> vector<32x96xf32>
    %get3A_137 = arith.constant 1 : index
    %get3A_138 = arith.constant 0 : index
    %get3A_139 = arith.constant 0 : index
    %get3A_140 = vector.load %arg4[%get3A_137, %get3A_138, %get3A_139] : memref<2x5x4096xf32, #tpu.memory_space<vmem>>, vector<1x5x4096xf32>
    %get3A_141 = vector.shape_cast %get3A_140 : vector<1x5x4096xf32> to vector<5x4096xf32>
    %broadcast_in_dim3A_142 = arith.constant 0.000000e+00 : f32
    %broadcast_in_dim3A_143 = vector.broadcast %broadcast_in_dim3A_142 : f32 to vector<4096x96xf32>
    %broadcast_in_dim3A_144 = arith.constant 0xFF800000 : f32
    %broadcast_in_dim3A_145 = vector.broadcast %broadcast_in_dim3A_144 : f32 to vector<4096x96xf32>
    %broadcast_in_dim3A_146 = arith.constant 0x7F800000 : f32
    %broadcast_in_dim3A_147 = vector.broadcast %broadcast_in_dim3A_146 : f32 to vector<4096x96xf32>
    %broadcast_in_dim3A_148 = arith.constant 0.000000e+00 : f32
    %broadcast_in_dim3A_149 = vector.broadcast %broadcast_in_dim3A_148 : f32 to vector<32x4096xf32>
    %slice3A_150 = vector.extract_strided_slice %get3A_141 {offsets = [0, 0], sizes = [1, 4096], strides = [1, 1]} : vector<5x4096xf32> to vector<1x4096xf32>
    %eq3A_151 = vector.broadcast %slice3A_150 : vector<1x4096xf32> to vector<32x4096xf32>
    %eq3A_152 = arith.cmpf oeq, %convert_element_type3A, %eq3A_151 : vector<32x4096xf32>
    %convert_element_type3A_153 = arith.extui %eq3A_152 : vector<32x4096xi1> to vector<32x4096xi32>
    %convert_element_type3A_154 = arith.sitofp %convert_element_type3A_153 : vector<32x4096xi32> to vector<32x4096xf32>
    %dot_general3A_155 = arith.constant dense<0.000000e+00> : vector<4096x96xf32>
    %dot_general3A_156 = tpu.matmul %convert_element_type3A_154, %dot_general3A_136, %dot_general3A_155 {dimension_numbers = #tpu.dot_dimension_numbers<[0], [0], [1], [1], [0, 1, 1, 1], [], []>, precision = #tpu.contract_precision<fp32>, transpose_lhs_hint = false} : vector<32x4096xf32>, vector<32x96xf32>, vector<4096x96xf32> -> vector<4096x96xf32>
    %add3A_157 = arith.addf %broadcast_in_dim3A_143, %dot_general3A_156 : vector<4096x96xf32>
    %max3A_158 = arith.maximumf %broadcast_in_dim3A_145, %dot_general3A_156 : vector<4096x96xf32>
    %min3A_159 = arith.minimumf %broadcast_in_dim3A_147, %dot_general3A_156 : vector<4096x96xf32>
    %add3A_160 = arith.addf %broadcast_in_dim3A_149, %convert_element_type3A_154 : vector<32x4096xf32>
    %slice3A_161 = vector.extract_strided_slice %get3A_141 {offsets = [1, 0], sizes = [1, 4096], strides = [1, 1]} : vector<5x4096xf32> to vector<1x4096xf32>
    %eq3A_162 = vector.broadcast %slice3A_161 : vector<1x4096xf32> to vector<32x4096xf32>
    %eq3A_163 = arith.cmpf oeq, %convert_element_type3A, %eq3A_162 : vector<32x4096xf32>
    %convert_element_type3A_164 = arith.extui %eq3A_163 : vector<32x4096xi1> to vector<32x4096xi32>
    %convert_element_type3A_165 = arith.sitofp %convert_element_type3A_164 : vector<32x4096xi32> to vector<32x4096xf32>
    %dot_general3A_166 = arith.constant dense<0.000000e+00> : vector<4096x96xf32>
    %dot_general3A_167 = tpu.matmul %convert_element_type3A_165, %dot_general3A_136, %dot_general3A_166 {dimension_numbers = #tpu.dot_dimension_numbers<[0], [0], [1], [1], [0, 1, 1, 1], [], []>, precision = #tpu.contract_precision<fp32>, transpose_lhs_hint = false} : vector<32x4096xf32>, vector<32x96xf32>, vector<4096x96xf32> -> vector<4096x96xf32>
    %add3A_168 = arith.addf %add3A_157, %dot_general3A_167 : vector<4096x96xf32>
    %max3A_169 = arith.maximumf %max3A_158, %dot_general3A_167 : vector<4096x96xf32>
    %min3A_170 = arith.minimumf %min3A_159, %dot_general3A_167 : vector<4096x96xf32>
    %add3A_171 = arith.addf %add3A_160, %convert_element_type3A_165 : vector<32x4096xf32>
    %slice3A_172 = vector.extract_strided_slice %get3A_141 {offsets = [2, 0], sizes = [1, 4096], strides = [1, 1]} : vector<5x4096xf32> to vector<1x4096xf32>
    %eq3A_173 = vector.broadcast %slice3A_172 : vector<1x4096xf32> to vector<32x4096xf32>
    %eq3A_174 = arith.cmpf oeq, %convert_element_type3A, %eq3A_173 : vector<32x4096xf32>
    %convert_element_type3A_175 = arith.extui %eq3A_174 : vector<32x4096xi1> to vector<32x4096xi32>
    %convert_element_type3A_176 = arith.sitofp %convert_element_type3A_175 : vector<32x4096xi32> to vector<32x4096xf32>
    %dot_general3A_177 = arith.constant dense<0.000000e+00> : vector<4096x96xf32>
    %dot_general3A_178 = tpu.matmul %convert_element_type3A_176, %dot_general3A_136, %dot_general3A_177 {dimension_numbers = #tpu.dot_dimension_numbers<[0], [0], [1], [1], [0, 1, 1, 1], [], []>, precision = #tpu.contract_precision<fp32>, transpose_lhs_hint = false} : vector<32x4096xf32>, vector<32x96xf32>, vector<4096x96xf32> -> vector<4096x96xf32>
    %add3A_179 = arith.addf %add3A_168, %dot_general3A_178 : vector<4096x96xf32>
    %max3A_180 = arith.maximumf %max3A_169, %dot_general3A_178 : vector<4096x96xf32>
    %min3A_181 = arith.minimumf %min3A_170, %dot_general3A_178 : vector<4096x96xf32>
    %add3A_182 = arith.addf %add3A_171, %convert_element_type3A_176 : vector<32x4096xf32>
    %slice3A_183 = vector.extract_strided_slice %get3A_141 {offsets = [3, 0], sizes = [1, 4096], strides = [1, 1]} : vector<5x4096xf32> to vector<1x4096xf32>
    %eq3A_184 = vector.broadcast %slice3A_183 : vector<1x4096xf32> to vector<32x4096xf32>
    %eq3A_185 = arith.cmpf oeq, %convert_element_type3A, %eq3A_184 : vector<32x4096xf32>
    %convert_element_type3A_186 = arith.extui %eq3A_185 : vector<32x4096xi1> to vector<32x4096xi32>
    %convert_element_type3A_187 = arith.sitofp %convert_element_type3A_186 : vector<32x4096xi32> to vector<32x4096xf32>
    %dot_general3A_188 = arith.constant dense<0.000000e+00> : vector<4096x96xf32>
    %dot_general3A_189 = tpu.matmul %convert_element_type3A_187, %dot_general3A_136, %dot_general3A_188 {dimension_numbers = #tpu.dot_dimension_numbers<[0], [0], [1], [1], [0, 1, 1, 1], [], []>, precision = #tpu.contract_precision<fp32>, transpose_lhs_hint = false} : vector<32x4096xf32>, vector<32x96xf32>, vector<4096x96xf32> -> vector<4096x96xf32>
    %add3A_190 = arith.addf %add3A_179, %dot_general3A_189 : vector<4096x96xf32>
    %max3A_191 = arith.maximumf %max3A_180, %dot_general3A_189 : vector<4096x96xf32>
    %min3A_192 = arith.minimumf %min3A_181, %dot_general3A_189 : vector<4096x96xf32>
    %add3A_193 = arith.addf %add3A_182, %convert_element_type3A_187 : vector<32x4096xf32>
    %slice3A_194 = vector.extract_strided_slice %get3A_141 {offsets = [4, 0], sizes = [1, 4096], strides = [1, 1]} : vector<5x4096xf32> to vector<1x4096xf32>
    %eq3A_195 = vector.broadcast %slice3A_194 : vector<1x4096xf32> to vector<32x4096xf32>
    %eq3A_196 = arith.cmpf oeq, %convert_element_type3A, %eq3A_195 : vector<32x4096xf32>
    %convert_element_type3A_197 = arith.extui %eq3A_196 : vector<32x4096xi1> to vector<32x4096xi32>
    %convert_element_type3A_198 = arith.sitofp %convert_element_type3A_197 : vector<32x4096xi32> to vector<32x4096xf32>
    %dot_general3A_199 = arith.constant dense<0.000000e+00> : vector<4096x96xf32>
    %dot_general3A_200 = tpu.matmul %convert_element_type3A_198, %dot_general3A_136, %dot_general3A_199 {dimension_numbers = #tpu.dot_dimension_numbers<[0], [0], [1], [1], [0, 1, 1, 1], [], []>, precision = #tpu.contract_precision<fp32>, transpose_lhs_hint = false} : vector<32x4096xf32>, vector<32x96xf32>, vector<4096x96xf32> -> vector<4096x96xf32>
    %add3A_201 = arith.addf %add3A_190, %dot_general3A_200 : vector<4096x96xf32>
    %max3A_202 = arith.maximumf %max3A_191, %dot_general3A_200 : vector<4096x96xf32>
    %min3A_203 = arith.minimumf %min3A_192, %dot_general3A_200 : vector<4096x96xf32>
    %add3A_204 = arith.addf %add3A_193, %convert_element_type3A_198 : vector<32x4096xf32>
    %dot_general3A_205 = arith.constant dense<0.000000e+00> : vector<1x32xf32>
    %dot_general3A_206 = tpu.matmul %broadcast_in_dim3A_0, %add3A_204, %dot_general3A_205 {dimension_numbers = #tpu.dot_dimension_numbers<[1], [1], [0], [0], [0, 0, 1, 0], [], []>, precision = #tpu.contract_precision<fp32>, transpose_lhs_hint = false} : vector<1x4096xf32>, vector<32x4096xf32>, vector<1x32xf32> -> vector<1x32xf32>
    %reduce_sum3A_207 = arith.constant dense<0.000000e+00> : vector<96xf32>
    %reduce_sum3A_208 = vector.multi_reduction <add>, %add3A_201, %reduce_sum3A_207 [0] : vector<4096x96xf32> to vector<96xf32>
    %broadcast_in_dim3A_209 = vector.shape_cast %reduce_sum3A_208 : vector<96xf32> to vector<1x96xf32>
    %add3A_210 = arith.addf %add3A_96, %broadcast_in_dim3A_209 : vector<1x96xf32>
    %reduce_sum3A_211 = arith.constant dense<0.000000e+00> : vector<96xf32>
    %reduce_sum3A_212 = vector.multi_reduction <add>, %dot_general3A_126, %reduce_sum3A_211 [0] : vector<4096x96xf32> to vector<96xf32>
    %broadcast_in_dim3A_213 = vector.shape_cast %reduce_sum3A_212 : vector<96xf32> to vector<1x96xf32>
    %mul3A_214 = arith.constant 5.000000e+00 : f32
    %mul3A_215 = vector.broadcast %mul3A_214 : f32 to vector<1x96xf32>
    %mul3A_216 = arith.mulf %mul3A_215, %broadcast_in_dim3A_213 : vector<1x96xf32>
    %add3A_217 = arith.addf %add3A_210, %mul3A_216 : vector<1x96xf32>
    %mul3A_218 = arith.mulf %dot_general3A_136, %dot_general3A_136 : vector<32x96xf32>
    %dot_general3A_219 = arith.constant dense<0.000000e+00> : vector<1x96xf32>
    %dot_general3A_220 = tpu.matmul %dot_general3A_206, %mul3A_218, %dot_general3A_219 {dimension_numbers = #tpu.dot_dimension_numbers<[1], [0], [0], [1], [0, 0, 1, 1], [], []>, precision = #tpu.contract_precision<fp32>, transpose_lhs_hint = false} : vector<1x32xf32>, vector<32x96xf32>, vector<1x96xf32> -> vector<1x96xf32>
    %add3A_221 = arith.addf %add3A_116, %dot_general3A_220 : vector<1x96xf32>
    %mul3A_222 = arith.mulf %dot_general3A_126, %add3A_201 : vector<4096x96xf32>
    %reduce_sum3A_223 = arith.constant dense<0.000000e+00> : vector<96xf32>
    %reduce_sum3A_224 = vector.multi_reduction <add>, %mul3A_222, %reduce_sum3A_223 [0] : vector<4096x96xf32> to vector<96xf32>
    %broadcast_in_dim3A_225 = vector.shape_cast %reduce_sum3A_224 : vector<96xf32> to vector<1x96xf32>
    %mul3A_226 = arith.constant 2.000000e+00 : f32
    %mul3A_227 = vector.broadcast %mul3A_226 : f32 to vector<1x96xf32>
    %mul3A_228 = arith.mulf %mul3A_227, %broadcast_in_dim3A_225 : vector<1x96xf32>
    %add3A_229 = arith.addf %add3A_221, %mul3A_228 : vector<1x96xf32>
    %mul3A_230 = arith.mulf %dot_general3A_126, %dot_general3A_126 : vector<4096x96xf32>
    %reduce_sum3A_231 = arith.constant dense<0.000000e+00> : vector<96xf32>
    %reduce_sum3A_232 = vector.multi_reduction <add>, %mul3A_230, %reduce_sum3A_231 [0] : vector<4096x96xf32> to vector<96xf32>
    %broadcast_in_dim3A_233 = vector.shape_cast %reduce_sum3A_232 : vector<96xf32> to vector<1x96xf32>
    %mul3A_234 = arith.constant 5.000000e+00 : f32
    %mul3A_235 = vector.broadcast %mul3A_234 : f32 to vector<1x96xf32>
    %mul3A_236 = arith.mulf %mul3A_235, %broadcast_in_dim3A_233 : vector<1x96xf32>
    %add3A_237 = arith.addf %add3A_229, %mul3A_236 : vector<1x96xf32>
    %div3A = arith.constant 4.096000e+04 : f32
    %div3A_238 = vector.broadcast %div3A : f32 to vector<1x96xf32>
    %div3A_239 = arith.divf %add3A_217, %div3A_238 : vector<1x96xf32>
    %div3A_240 = arith.constant 4.096000e+04 : f32
    %div3A_241 = vector.broadcast %div3A_240 : f32 to vector<1x96xf32>
    %div3A_242 = arith.divf %add3A_237, %div3A_241 : vector<1x96xf32>
    %mul3A_243 = arith.mulf %div3A_239, %div3A_239 : vector<1x96xf32>
    %sub3A = arith.subf %div3A_242, %mul3A_243 : vector<1x96xf32>
    %get3A_244 = arith.constant 0 : index
    %get3A_245 = arith.constant 0 : index
    %get3A_246 = vector.load %arg5[%get3A_244, %get3A_245] : memref<1x96xf32, #tpu.memory_space<vmem>>, vector<1x96xf32>
    %add3A_247 = arith.constant 9.99999974E-6 : f32
    %add3A_248 = vector.broadcast %add3A_247 : f32 to vector<1x96xf32>
    %add3A_249 = arith.addf %sub3A, %add3A_248 : vector<1x96xf32>
    %sqrt3A = math.sqrt %add3A_249 : vector<1x96xf32>
    %div3A_250 = arith.divf %get3A_246, %sqrt3A : vector<1x96xf32>
    %get3A_251 = arith.constant 0 : index
    %get3A_252 = arith.constant 0 : index
    %get3A_253 = vector.load %arg6[%get3A_251, %get3A_252] : memref<1x96xf32, #tpu.memory_space<vmem>>, vector<1x96xf32>
    %mul3A_254 = arith.mulf %div3A_239, %div3A_250 : vector<1x96xf32>
    %sub3A_255 = arith.subf %get3A_253, %mul3A_254 : vector<1x96xf32>
    %ge3A = arith.constant 0.000000e+00 : f32
    %ge3A_256 = vector.broadcast %ge3A : f32 to vector<1x96xf32>
    %ge3A_257 = arith.cmpf oge, %div3A_250, %ge3A_256 : vector<1x96xf32>
    %broadcast_in_dim3A_258 = vector.shape_cast %ge3A_257 : vector<1x96xi1> to vector<1x96xi1>
    %broadcast_in_dim3A_259 = vector.broadcast %broadcast_in_dim3A_258 : vector<1x96xi1> to vector<4096x96xi1>
    %select_n3A = arith.select %broadcast_in_dim3A_259, %max3A_83, %min3A_84 : vector<4096x96xi1>, vector<4096x96xf32>
    %add3A_260 = arith.addf %select_n3A, %dot_general3A_12 : vector<4096x96xf32>
    %mul3A_261 = vector.broadcast %div3A_250 : vector<1x96xf32> to vector<4096x96xf32>
    %mul3A_262 = arith.mulf %mul3A_261, %add3A_260 : vector<4096x96xf32>
    %add3A_263 = vector.broadcast %sub3A_255 : vector<1x96xf32> to vector<4096x96xf32>
    %add3A_264 = arith.addf %mul3A_262, %add3A_263 : vector<4096x96xf32>
    %max3A_265 = arith.constant 0.000000e+00 : f32
    %max3A_266 = vector.broadcast %max3A_265 : f32 to vector<4096x96xf32>
    %max3A_267 = arith.maximumf %add3A_264, %max3A_266 : vector<4096x96xf32>
    %get3A_268 = arith.constant 0 : index
    %get3A_269 = arith.constant 0 : index
    %get3A_270 = arith.constant 0 : index
    %get3A_271 = vector.load %arg0[%get3A_268, %get3A_269, %get3A_270] : memref<2x4096x96xf32, #tpu.memory_space<vmem>>, vector<1x4096x96xf32>
    %get3A_272 = vector.shape_cast %get3A_271 : vector<1x4096x96xf32> to vector<4096x96xf32>
    %add3A_273 = arith.addf %get3A_272, %max3A_267 : vector<4096x96xf32>
    %swap3A = arith.constant 0 : index
    %swap3A_274 = arith.constant 0 : index
    %swap3A_275 = arith.constant 0 : index
    %swap3A_276 = vector.load %arg7[%swap3A, %swap3A_274, %swap3A_275] : memref<2x4096x96xf32, #tpu.memory_space<vmem>>, vector<1x4096x96xf32>
    %swap3A_277 = vector.shape_cast %swap3A_276 : vector<1x4096x96xf32> to vector<4096x96xf32>
    %swap3A_278 = vector.shape_cast %add3A_273 : vector<4096x96xf32> to vector<1x4096x96xf32>
    tpu.vector_store %arg7[%swap3A, %swap3A_274, %swap3A_275], %swap3A_278 {strides = array<i32>} : memref<2x4096x96xf32, #tpu.memory_space<vmem>>, vector<1x4096x96xf32>,
    %ge3A_279 = arith.constant 0.000000e+00 : f32
    %ge3A_280 = vector.broadcast %ge3A_279 : f32 to vector<1x96xf32>
    %ge3A_281 = arith.cmpf oge, %div3A_250, %ge3A_280 : vector<1x96xf32>
    %broadcast_in_dim3A_282 = vector.shape_cast %ge3A_281 : vector<1x96xi1> to vector<1x96xi1>
    %broadcast_in_dim3A_283 = vector.broadcast %broadcast_in_dim3A_282 : vector<1x96xi1> to vector<4096x96xi1>
    %select_n3A_284 = arith.select %broadcast_in_dim3A_283, %max3A_202, %min3A_203 : vector<4096x96xi1>, vector<4096x96xf32>
    %add3A_285 = arith.addf %select_n3A_284, %dot_general3A_126 : vector<4096x96xf32>
    %mul3A_286 = vector.broadcast %div3A_250 : vector<1x96xf32> to vector<4096x96xf32>
    %mul3A_287 = arith.mulf %mul3A_286, %add3A_285 : vector<4096x96xf32>
    %add3A_288 = vector.broadcast %sub3A_255 : vector<1x96xf32> to vector<4096x96xf32>
    %add3A_289 = arith.addf %mul3A_287, %add3A_288 : vector<4096x96xf32>
    %max3A_290 = arith.constant 0.000000e+00 : f32
    %max3A_291 = vector.broadcast %max3A_290 : f32 to vector<4096x96xf32>
    %max3A_292 = arith.maximumf %add3A_289, %max3A_291 : vector<4096x96xf32>
    %get3A_293 = arith.constant 1 : index
    %get3A_294 = arith.constant 0 : index
    %get3A_295 = arith.constant 0 : index
    %get3A_296 = vector.load %arg0[%get3A_293, %get3A_294, %get3A_295] : memref<2x4096x96xf32, #tpu.memory_space<vmem>>, vector<1x4096x96xf32>
    %get3A_297 = vector.shape_cast %get3A_296 : vector<1x4096x96xf32> to vector<4096x96xf32>
    %add3A_298 = arith.addf %get3A_297, %max3A_292 : vector<4096x96xf32>
    %swap3A_299 = arith.constant 1 : index
    %swap3A_300 = arith.constant 0 : index
    %swap3A_301 = arith.constant 0 : index
    %swap3A_302 = vector.load %arg7[%swap3A_299, %swap3A_300, %swap3A_301] : memref<2x4096x96xf32, #tpu.memory_space<vmem>>, vector<1x4096x96xf32>
    %swap3A_303 = vector.shape_cast %swap3A_302 : vector<1x4096x96xf32> to vector<4096x96xf32>
    %swap3A_304 = vector.shape_cast %add3A_298 : vector<4096x96xf32> to vector<1x4096x96xf32>
    tpu.vector_store %arg7[%swap3A_299, %swap3A_300, %swap3A_301], %swap3A_304 {strides = array<i32>} : memref<2x4096x96xf32, #tpu.memory_space<vmem>>, vector<1x4096x96xf32>,
    return
  }
}

</mosaic_0001>

<sc_bundles>
// kernel: kernel.6.cloned.1.call-start
scs
__scs_entry_jumppad:
0x0: {  	(pc) =	sbr.rel $0x88, $3  }
0x1: {  	(tag) =	ssettag $0x0;
	lr =	simm.s32 $0x1  }
0x2: {  	[smem:$0x3F97] =	sst lr;
	_ =	strace $0xD0000000  }
0x3: {  	_ = 	snop  }
0x4: {  	_ = 	snop  }
0x5: {  	_ = 	snop  }
0x6: {  	_ = 	snop  }
0x7: {  	_ = 	snop  }
__scs_overlays_trampoline_lowered:
0x8: {  	[smem:$0x3FA6] =	sst s0  }
0x9: {  	[smem:$0x3FA7] =	sst s1  }
0xa: {  	[smem:$0x3FA8] =	sst s2  }
0xb: {  	[smem:$0x3FA9] =	sst s3  }
0xc: {  	[smem:$0x3FAA] =	sst s4  }
0xd: {  	[smem:$0x3FAB] =	sst s5  }
0xe: {  	[smem:$0x3FAC] =	sst s6  }
0xf: {  	[smem:$0x3FAD] =	sst s7  }
0x10: {  	[smem:$0x3FAE] =	sst s8  }
0x11: {  	[smem:$0x3FAF] =	sst s9;
	s0 =	simm.s32 @!p0 $0x0  }
0x12: {  	s1 =	sld [smem:$0x3F95];
	s0 =	simm.s32 @p0 $0x1  }
0x13: {  	[smem:$0x3FB0] =	sst s0;
	s0 =	simm.s32 @!p1 $0x0  }
0x14: {  	s2 =	sld [smem:$0x3F94];
	s0 =	simm.s32 @p1 $0x1  }
0x15: {  	[smem:$0x3FB1] =	sst s0;
	s0 =	simm.s32 @!p2 $0x0  }
0x16: {  	s3 =	sld [smem:$0x3FDB];
	s0 =	simm.s32 @p2 $0x1  }
0x17: {  	s4 =	simm.s32 $0x1BF5;
	[smem:$0x3FB3] =	sst s0  }
0x18: {  	s0 =	sld [smem:$0x3F96];
	_ =	swait.ge [sflag:s4], $0x0  }
0x19: {  	s7 =	sld [smem:$0x3F97]  }
0x1a: {  	s8 =	sadd.s32 $0xFFFFE003, lr  }
0x1b: {  	s9 =	sadd.s32 $0xFFFFFEF7, lr;
	s5 =	simm.s32 $0xFFFFFFFF;
	p2 =	slt.u32 s8, $0xFFFFF086  }
0x1c: {  	p1 =	slt.u32 s9, $0xF7A;
	s5 =	simm.s32 @!p2 $0x0  }
0x1d: {  	s5 =	simm.s32 @p1 $0x1;
	p0 =	seq.s32 s7, s2  }
0x1e: {  	s7 =	smul.u32 @!p0 $0xF7A, s2;
	p2 =	seq.s32 @!p0 s5, $0x0  }
0x1f: {  	s9 =	smul.u32 $0xF7A, s1;
	s8 =	simm.s32 @!p0 $0x1BF5;
	p2 =	por !p2, p0  }
0x20: {  	[sflag:s8] =	ssyncset.s32 @!p0 $0xFFFFF086;
	s6 =	sadd.s32 @!p0 s3, s7;
	s7 =	simm.s32 @!p0 $0x108  }
0x21: {  	s3 =	sadd.s32 s3, s9;
	s6 =	sadd.s32 @!p0 $0x88, s6;
	s7 =	simm.s32 @p2 $0x1082  }
0x22: {  	[simem:s7], [sflag:s8] =	dma.local @!p0 [hbm:s6], $0xF7A  }
0x23: {  	s9 =	sor.u32 $0xD0000000, s2;
	s6 =	simm.s32 $0x108;
	_ =	swait.ge @!p0 [sflag:s8], $0x0  }
0x24: {  	s3 =	sadd.s32 $0x88, s3;
	s6 =	simm.s32 @!p1 $0x1082;
	[sflag:s4] =	ssyncset.s32 $0xFFFFF086  }
0x25: {  	[simem:s6], [sflag:s4] =	dma.local [hbm:s3], $0xF7A  }
0x26: {  	[smem:$0x3F97] =	sst s1;
	(tag) =	ssettag s2;
	_ =	strace s9  }
0x27: {  	s1 =	sld [smem:$0x3FA7]  }
0x28: {  	s2 =	sld [smem:$0x3FA8]  }
0x29: {  	s4 =	sld [smem:$0x3FAA]  }
0x2a: {  	p0 =	seq.s32 s5, $0x0;
	s5 =	sld [smem:$0x3FAB]  }
0x2b: {  	s6 =	sld [smem:$0x3FAC]  }
0x2c: {  	s7 =	sld [smem:$0x3FAD]  }
0x2d: {  	s3 =	simm.s32 $0x108;
	s8 =	sld [smem:$0x3FAE]  }
0x2e: {  	s3 =	simm.s32 @!p0 $0x1082;
	s9 =	sld [smem:$0x3FAF]  }
0x2f: {  	lr =	sadd.s32 s0, s3;
	s0 =	sld [smem:$0x3FA6]  }
0x30: {  	s3 =	sld [smem:$0x3FA9]  }
0x31: {  	[smem:$0x3FB2] =	sst s10  }
0x32: {  	s10 =	sld [smem:$0x3FB0];
	_ =	sdelay $0x3  }
0x33: {  	p0 =	seq.s32 s10, $0x1;
	s10 =	sld [smem:$0x3FB2];
	_ =	sdelay $0x3  }
0x34: {  	[smem:$0x3FB2] =	sst s10  }
0x35: {  	s10 =	sld [smem:$0x3FB1];
	_ =	sdelay $0x3  }
0x36: {  	p1 =	seq.s32 s10, $0x1;
	s10 =	sld [smem:$0x3FB2];
	_ =	sdelay $0x3  }
0x37: {  	[smem:$0x3FB2] =	sst s10  }
0x38: {  	s10 =	sld [smem:$0x3FB3]  }
0x39: {  	_ = 	snop;
	(pc) =	sbr.ind lr, $3  }
0x3a: {  	_ = 	snop  }
0x3b: {  	_ = 	snop  }
0x3c: {  	p2 =	seq.s32 s10, $0x1;
	s10 =	sld [smem:$0x3FB2]  }
0x3d: {  	_ =	shalt  }
0x3e: {  	_ =	shalt  }
0x3f: {  	_ =	shalt  }
0x40: {  	_ =	shalt  }
0x41: {  	_ =	shalt  }
0x42: {  	_ =	shalt  }
0x43: {  	_ =	shalt  }
0x44: {  	_ =	shalt  }
0x45: {  	_ =	shalt  }
0x46: {  	_ =	shalt  }
0x47: {  	_ =	shalt  }
0x48: {  	_ =	shalt  }
0x49: {  	_ =	shalt  }
0x4a: {  	_ =	shalt  }
0x4b: {  	_ =	shalt  }
0x4c: {  	_ =	shalt  }
0x4d: {  	_ =	shalt  }
0x4e: {  	_ =	shalt  }
0x4f: {  	_ =	shalt  }
0x50: {  	_ =	shalt  }
0x51: {  	_ =	shalt  }
0x52: {  	_ =	shalt  }
0x53: {  	_ =	shalt  }
0x54: {  	_ =	shalt  }
0x55: {  	_ =	shalt  }
0x56: {  	_ =	shalt  }
0x57: {  	_ =	shalt  }
0x58: {  	_ =	shalt  }
0x59: {  	_ =	shalt  }
0x5a: {  	_ =	shalt  }
0x5b: {  	_ =	shalt  }
0x5c: {  	_ =	shalt  }
0x5d: {  	_ =	shalt  }
0x5e: {  	_ =	shalt  }
0x5f: {  	_ =	shalt  }
0x60: {  	_ =	shalt  }
0x61: {  	_ =	shalt  }
0x62: {  	_ =	shalt  }
0x63: {  	_ =	shalt  }
0x64: {  	_ =	shalt  }
0x65: {  	_ =	shalt  }
0x66: {  	_ =	shalt  }
0x67: {  	_ =	shalt  }
0x68: {  	_ =	shalt  }
0x69: {  	_ =	shalt  }
0x6a: {  	_ =	shalt  }
0x6b: {  	_ =	shalt  }
0x6c: {  	_ =	shalt  }
0x6d: {  	_ =	shalt  }
0x6e: {  	_ =	shalt  }
0x6f: {  	_ =	shalt  }
0x70: {  	_ =	shalt  }
0x71: {  	_ =	shalt  }
0x72: {  	_ =	shalt  }
0x73: {  	_ =	shalt  }
0x74: {  	_ =	shalt  }
0x75: {  	_ =	shalt  }
0x76: {  	_ =	shalt  }
0x77: {  	_ =	shalt  }
0x78: {  	_ =	shalt  }
0x79: {  	_ =	shalt  }
0x7a: {  	_ =	shalt  }
0x7b: {  	_ =	shalt  }
0x7c: {  	_ =	shalt  }
0x7d: {  	_ =	shalt  }
0x7e: {  	_ =	shalt  }
0x7f: {  	_ =	shalt  }
0x80: {  	_ =	shalt  }
0x81: {  	_ =	shalt  }
0x82: {  	_ =	shalt  }
0x83: {  	_ =	shalt  }
0x84: {  	_ =	shalt  }
0x85: {  	_ =	shalt  }
0x86: {  	_ =	shalt  }
0x87: {  	_ =	shalt  }
.Lfunc_end0:
.L_simem_size_0:
called_computation_lowered:
.L_overlay_start_0:
0x88: {  	s2 =	sld [smem:$0x3FD9]  }
0x89: {  	s3 =	sld [smem:$0x3FFE];
	_ =	sdelay $0x1  }
0x8a: {  	s1 =	srdreg.scid  }
0x8b: {  	s0 =	sand.u32 $0x1, s1  }
0x8c: {  	s17 =	sshll.u32 s0, $0xA;
	s2 =	sadd.s32 s3, s2  }
0x8d: {  	s2 =	sadd.s32 s2, s17  }
0x8e: {  	[smem:$0x3FBE] =	sst s2  }
0x8f: {  	_ = 	snop  }
0x90: {  	s2 =	sld [smem:$0x3FD0];
	(tm) =	ssettm $0x1  }
0x91: {  	s18 =	sld [smem:$0x3FFB];
	_ =	sdelay $0x3  }
0x92: {  	_ =	strace s18  }
0x93: {  	s3 =	sld [smem:$0x3FFC];
	_ =	sdelay $0x3  }
0x94: {  	_ =	strace s3  }
0x95: {  	s3 =	sld [smem:$0x3FFD];
	_ =	sdelay $0x3  }
0x96: {  	_ =	strace s3  }
0x97: {  	_ =	strace $0x8FFFFFFF  }
0x98: {  	s19 =	sld [smem:$0x3FDB];
	_ =	sdelay $0x1  }
0x99: {  	s4 =	simm.s32 $_scs_section_size  }
0x9a: {  	s5 =	simm.s32 $_size__tile_overlayer_lowered;
	s6 =	simm.s32 $_tile_overlayer_lowered  }
0x9b: {  	s22 =	simm.s32 $0x1BFF;
	s21 =	sshll.u32 s6, $0x1;
	s3 =	sadd.s32 s4, s19  }
0x9c: {  	s7 =	simm.s32 $0x0;
	s20 =	sshll.u32 s5, $0x1;
	s5 =	sadd.s32 s21, s3  }
0x9d: {  	[timem:s7], [sflag:s22] =	dma.local [hbm:s5], s20  }
0x9e: {  	_ =	swait.ge [sflag:s22], s20  }
0x9f: {  	s4 =	ssub.s32 $0x0, s20;
	[sflag:s22] =	ssyncset.done $0x0  }
0xa0: {  	[sflag:s22] =	ssyncadd.s32 s4;
	_ =	sdelay $0x1  }
0xa1: {  	s23 =	simm.s32 $0x1B8B  }
0xa2: {  	_ =	swait.ge [sflag:s23], $0x1  }
0xa3: {  	[sflag:s23] =	ssyncset.done $0x0  }
0xa4: {  	s25 =	simm.s32 $0x1B8E;
	s24 =	sld [smem:$0x3FFE];
	[sflag:s23] =	ssyncadd.s32 $0xFFFFFFFF  }
0xa5: {  	s26 =	simm.s32 $execute0_lowered;
	[smem:$0x3FD2] =	sst s25  }
0xa6: {  	s5 =	sshll.u32 s26, $0x1;
	_ =	strace $0x80000046;
	[dreg:$0x1] =	wrdreg $0xFFFFFFFF  }
0xa7: {  	s28 =	simm.s32 $_size_execute0_lowered;
	s3 =	sadd.s32 s3, s5;
	[dreg:$0x0] =	wrdreg $0x0  }
0xa8: {  	s5 =	sshll.u32 s28, $0x1;
	[dreg:$0x2] =	wrdreg s3  }
0xa9: {  	[dreg:$0x3] =	wrdreg s5  }
0xaa: {  	[dreg:$0x4] =	wrdreg $0xC0  }
0xab: {  	_ =	task [dreg:s7], $0x5FFFF  }
0xac: {  	[dreg:$0x1] =	wrdreg $0xFFFFFFFF  }
0xad: {  	[dreg:$0x0] =	wrdreg $0x60  }
0xae: {  	[dreg:$0x2] =	wrdreg s2  }
0xaf: {  	[dreg:$0x3] =	wrdreg s24  }
0xb0: {  	[dreg:$0x4] =	wrdreg $0x9  }
0xb1: {  	_ =	task.clear_ibuf [dreg:s7], $0x5FFFF;
	_ =	strace $0x90000046  }
0xb2: {  	s29 =	simm.s32 $0x9;
	_ =	strace $0x80000048  }
0xb3: {  	_ =	swait.ge [sflag:s29], $0x1  }
0xb4: {  	[sflag:s29] =	ssyncadd.s32 $0xFFFFFFFF  }
0xb5: {  	_ =	strace $0x90000048  }
0xb6: {  	_ =	sfence  }
0xb7: {  	s30 =	sld [smem:$0x0];
	_ =	sdelay $0x2  }
0xb8: {  	s31 =	sshll.u32 s1, $0xD;
	s1 =	sshrl.u32 s1, $0x2  }
0xb9: {  	s3 =	sand.u32 $0x4000, s31;
	s1 =	sadd.s32 s1, s30  }
0xba: {  	s0 =	sor.u32 s3, s0;
	s1 =	sshll.u32 s1, $0x11  }
0xbb: {  	s0 =	sor.u32 s1, s0  }
0xbc: {  	s0 =	sadd.s32 $0x8F2B, s0  }
0xbd: {  	[sflag:s0] =	ssyncadd.remote.s32 $0x1  }
0xbe: {  	_ =	sfence.sel $0xFFFF  }
0xbf: {  	[dreg:$0x0] =	wrdreg $0xFFFFFFFF;
	(pc) =	sbr.abs _section_cstart, $3  }
0xc0: {  	[dreg:$0x1] =	wrdreg $0xFFFFFFFF  }
0xc1: {  	_ =	task.clear_ibuf [dreg:s7], $0x2FFFF;
	_ =	strace $0x9FFFFFFF  }
0xc2: {  	(tm) =	ssettm $0x7FFFFFFF  }
0xc3: {  	_ =	shalt  }
tec
execute0_lowered:
.L_overlay_start_1:
0x0: {  	(tag) =	ssettag $0x1  }
0x1: {  	s3 =	rddreg [dreg:$0x0]  }
0x2: {  	s0 =	stileid.u32;
	s4 =	rddreg [dreg:$0x1]  }
0x3: {  	s2 =	srdreg.scid;
	s1 =	rddreg [dreg:$0x2]  }
0x4: {  	s9 =	simm.s32 $0x2000;
	s10 =	simm.s32 $0x0;
	s5 =	sshll.u32 s0, $0x1  }
0x5: {  	s6 =	sand.u32 $0x1, s2;
	s2 =	simm.s32 $0x0;
	s7 =	sshrl.u32 s0, $0x3  }
0x6: {  	s5 =	sand.u32 $0xE, s5;
	[smem:$0x7FF] =	sst s2;
	s8 =	sshll.u32 s7, $0xF  }
0x7: {  	s7 =	sshll.u32 s7, $0x11;
	s5 =	sor.u32 s6, s5;
	s6 =	ssub.s32 $0x2, s6  }
0x8: {  	_ =	strace $0x80000047;
	s5 =	sshll.u32 s5, $0xB;
	s31 =	sshrl.u32 s6, $0x1  }
0x9: {  	s8 =	sor.u32 s8, s5;
	s5 =	sor.u32 s7, s5;
	s6 =	ssub.s32 s6, s31  }
0xa: {  	s7 =	simm.s32 $0x8000;
	s8 =	sshrl.u32 s8, $0x3;
	s5 =	sshrl.u32 s5, $0x3  }
0xb: {  	s4 =	sadd.s32 s8, s4;
	s3 =	sadd.s32 s3, s5;
	s5 =	smax.u32 s6, $0x1  }
0xc: {  	v0 =	vimm.f32 $3.200000000e+01;
	s6 =	simm.s32 $0x800;
	s8 =	simm.s32 $0x1;
	s4 =	sadd.s32 $0x1A00, s4  }
.LBB2_1:
0xd: {  	[tilespmem:s2], [sflag:$0x1] =	stream.strided.gather [hbm4b:s3+s6], $0x2000, s7, s6, $0x38;
	[tilespmem:$0x2800] =	vst v63  }
0xe: {  	_ =	swait.ge [sflag:s8], $0x2000  }
0xf: {  	[sflag:s8] =	ssyncset.done $0x0  }
0x10: {  	s11 =	simm.s32 $0x0;
	s12 =	simm.s32 $0x0;
	[sflag:s8] =	ssyncadd.s32 $0xFFFFE000  }
.LBB2_2:
0x11: {  	s13 =	sand.u32 $0x70, s12;
	s15 =	sand.u32 $0x400, s11  }
0x12: {  	s13 =	sor.u32 s13, s15  }
0x13: {  	v4 =	vld [tilespmem:s13+$0x0]  }
0x14: {  	v6 =	vld [tilespmem:s13+$0x100]  }
0x15: {  	v8 =	vld [tilespmem:s13+$0x200]  }
0x16: {  	s16 =	sor.u32 s11, s12;
	v9 =	vld [tilespmem:s13+$0x280]  }
0x17: {  	s16 =	sor.u32 $0x380, s16;
	v10 =	vld [tilespmem:s13+$0x300]  }
0x18: {  	v11 =	vld [tilespmem:s16+$0x0]  }
0x19: {  	v12 =	vld [tilespmem:s13+$0x800]  }
0x1a: {  	v13 =	vld [tilespmem:s13+$0x880]  }
0x1b: {  	v14 =	vld [tilespmem:s13+$0x900]  }
0x1c: {  	v15 =	vld [tilespmem:s13+$0x980]  }
0x1d: {  	v16 =	vld [tilespmem:s13+$0xA00]  }
0x1e: {  	v17 =	vld [tilespmem:s13+$0xA80]  }
0x1f: {  	v18 =	vld [tilespmem:s13+$0xB00]  }
0x20: {  	v19 =	vld [tilespmem:s13+$0xB80]  }
0x21: {  	v20 =	vld [tilespmem:s13+$0x1000]  }
0x22: {  	v21 =	vld [tilespmem:s13+$0x1080]  }
0x23: {  	v22 =	vld [tilespmem:s13+$0x1100]  }
0x24: {  	v23 =	vld [tilespmem:s13+$0x1180]  }
0x25: {  	v24 =	vld [tilespmem:s13+$0x1200]  }
0x26: {  	v25 =	vld [tilespmem:s13+$0x1280]  }
0x27: {  	v26 =	vld [tilespmem:s13+$0x1300]  }
0x28: {  	v27 =	vld [tilespmem:s13+$0x1380]  }
0x29: {  	v28 =	vld [tilespmem:s13+$0x1800]  }
0x2a: {  	v29 =	vld [tilespmem:s13+$0x1880]  }
0x2b: {  	v30 =	vld [tilespmem:s13+$0x1900]  }
0x2c: {  	v31 =	vld [tilespmem:s13+$0x1980]  }
0x2d: {  	v32 =	vld [tilespmem:s13+$0x1A00]  }
0x2e: {  	s14 =	sand.u32 $0xFFFFFC00, s11;
	v33 =	vld [tilespmem:s13+$0x1A80]  }
0x2f: {  	s14 =	sadd.s32 s14, s12;
	v2 =	vld [tilespmem:s13+$0x1B00]  }
0x30: {  	s31 =	sor.u32 $0x80, s14;
	v3 =	vld [tilespmem:s13+$0x1B80]  }
0x31: {  	s14 =	sor.u32 $0x180, s14;
	v5 =	vld [tilespmem:s31+$0x0]  }
0x32: {  	v7 =	vld [tilespmem:s14+$0x0];
	v35 =	vmin.f32 v8, v9  }
0x33: {  	v36 =	vmin.f32 v10, v11;
	v37 =	vmin.f32 v12, v13;
	v38 =	vmin.f32 v14, v15  }
0x34: {  	v39 =	vmin.f32 v16, v17;
	v40 =	vmin.f32 v18, v19;
	v41 =	vmin.f32 v20, v21  }
0x35: {  	v42 =	vmin.f32 v22, v23;
	v43 =	vmin.f32 v24, v25;
	v44 =	vmin.f32 v26, v27  }
0x36: {  	v45 =	vmin.f32 v28, v29;
	v46 =	vmin.f32 v30, v31;
	v47 =	vmin.f32 v32, v33  }
0x37: {  	v48 =	vmin.f32 v2, v3;
	v1 =	vmin.f32 v4, v5;
	v34 =	vmin.f32 v6, v7  }
0x38: {  	v63 =	vmin.f32 v35, v36;
	v49 =	vmin.f32 v37, v38;
	v50 =	vmin.f32 v39, v40  }
0x39: {  	v51 =	vmin.f32 v41, v42;
	v52 =	vmin.f32 v43, v44;
	v53 =	vmin.f32 v45, v46  }
0x3a: {  	v54 =	vmin.f32 v47, v48;
	v1 =	vmin.f32 v1, v34;
	v55 =	vmin.f32 v49, v50  }
0x3b: {  	v56 =	vmin.f32 v51, v52;
	v57 =	vmin.f32 v53, v54;
	v1 =	vmin.f32 v1, v63  }
0x3c: {  	v58 =	vmin.f32 v56, v57;
	v1 =	vmin.f32 v1, v55  }
0x3d: {  	v1 =	vmin.f32 v1, v58  }
0x3e: {  	vm0 =	veq.f32 v3, v1  }
0x3f: {  	vm10 =	veq.f32 v2, v1;
	v59 =	vsel vm0, $0x41F80000, v0  }
0x40: {  	vm11 =	veq.f32 v33, v1;
	v34 =	vsel vm10, $0x41F00000, v59  }
0x41: {  	vm12 =	veq.f32 v32, v1;
	v34 =	vsel vm11, $0x41E80000, v34  }
0x42: {  	vm13 =	veq.f32 v31, v1;
	v34 =	vsel vm12, $0x41E00000, v34  }
0x43: {  	vm14 =	veq.f32 v30, v1;
	v34 =	vsel vm13, $0x41D80000, v34  }
0x44: {  	vm15 =	veq.f32 v29, v1;
	v34 =	vsel vm14, $0x41D00000, v34  }
0x45: {  	vm4 =	veq.f32 v28, v1;
	v34 =	vsel vm15, $0x41C80000, v34  }
0x46: {  	vm5 =	veq.f32 v27, v1;
	v34 =	vsel vm4, $0x41C00000, v34  }
0x47: {  	vm6 =	veq.f32 v26, v1;
	v34 =	vsel vm5, $0x41B80000, v34  }
0x48: {  	vm7 =	veq.f32 v25, v1;
	v34 =	vsel vm6, $0x41B00000, v34  }
0x49: {  	vm8 =	veq.f32 v24, v1;
	v34 =	vsel vm7, $0x41A80000, v34  }
0x4a: {  	vm9 =	veq.f32 v23, v1;
	v34 =	vsel vm8, $0x41A00000, v34  }
0x4b: {  	vm10 =	veq.f32 v22, v1;
	v34 =	vsel vm9, $0x41980000, v34  }
0x4c: {  	vm11 =	veq.f32 v21, v1;
	v34 =	vsel vm10, $0x41900000, v34  }
0x4d: {  	vm12 =	veq.f32 v20, v1;
	v34 =	vsel vm11, $0x41880000, v34  }
0x4e: {  	vm13 =	veq.f32 v19, v1;
	v34 =	vsel vm12, $0x41800000, v34  }
0x4f: {  	vm14 =	veq.f32 v18, v1;
	v34 =	vsel vm13, $0x41700000, v34  }
0x50: {  	vm15 =	veq.f32 v17, v1;
	v34 =	vsel vm14, $0x41600000, v34  }
0x51: {  	vm4 =	veq.f32 v16, v1;
	v34 =	vsel vm15, $0x41500000, v34  }
0x52: {  	vm5 =	veq.f32 v15, v1;
	v34 =	vsel vm4, $0x41400000, v34  }
0x53: {  	vm6 =	veq.f32 v14, v1;
	v34 =	vsel vm5, $0x41300000, v34  }
0x54: {  	vm7 =	veq.f32 v13, v1;
	v34 =	vsel vm6, $0x41200000, v34  }
0x55: {  	vm8 =	veq.f32 v12, v1;
	v34 =	vsel vm7, $0x41100000, v34  }
0x56: {  	vm9 =	veq.f32 v11, v1;
	v34 =	vsel vm8, $0x41000000, v34  }
0x57: {  	vm10 =	veq.f32 v10, v1;
	v34 =	vsel vm9, $0x40E00000, v34  }
0x58: {  	vm11 =	veq.f32 v9, v1;
	v34 =	vsel vm10, $0x40C00000, v34  }
0x59: {  	vm12 =	veq.f32 v8, v1;
	v34 =	vsel vm11, $0x40A00000, v34  }
0x5a: {  	vm13 =	veq.f32 v7, v1;
	v34 =	vsel vm12, $0x40800000, v34  }
0x5b: {  	vm14 =	veq.f32 v6, v1;
	v34 =	vsel vm13, $0x40400000, v34  }
0x5c: {  	vm15 =	veq.f32 v5, v1;
	v34 =	vsel vm14, $0x40000000, v34  }
0x5d: {  	vm4 =	veq.f32 v4, v1;
	v34 =	vsel vm15, $0x3F800000, v34  }
0x5e: {  	v1 =	vsel vm4, $0x0, v34  }
0x5f: {  	vm0 =	veq.f32 v1, $0.0e+00;
	vm1 =	veq.f32 v1, $1.000000000e+00  }
0x60: {  	vm5 =	veq.f32 v1, $2.000000000e+00;
	vm6 =	veq.f32 v1, $3.000000000e+00;
	vm7 =	veq.f32 v1, $4.000000000e+00  }
0x61: {  	vm8 =	veq.f32 v1, $5.000000000e+00;
	vm9 =	veq.f32 v1, $6.000000000e+00;
	vm10 =	veq.f32 v1, $7.000000000e+00  }
0x62: {  	vm11 =	veq.f32 v1, $8.000000000e+00;
	vm12 =	veq.f32 v1, $9.000000000e+00;
	vm13 =	veq.f32 v1, $1.000000000e+01  }
0x63: {  	vm14 =	veq.f32 v1, $1.100000000e+01;
	vm15 =	veq.f32 v1, $1.200000000e+01;
	vm4 =	veq.f32 v1, $1.300000000e+01  }
0x64: {  	v4 =	vsel vm0, $0x7F800000, v4;
	v5 =	vsel vm1, $0x7F800000, v5;
	v6 =	vsel vm5, $0x7F800000, v6  }
0x65: {  	v7 =	vsel vm6, $0x7F800000, v7;
	v8 =	vsel vm7, $0x7F800000, v8;
	v9 =	vsel vm8, $0x7F800000, v9  }
0x66: {  	v10 =	vsel vm9, $0x7F800000, v10;
	v11 =	vsel vm10, $0x7F800000, v11;
	v12 =	vsel vm11, $0x7F800000, v12  }
0x67: {  	v13 =	vsel vm12, $0x7F800000, v13;
	v14 =	vsel vm13, $0x7F800000, v14;
	v15 =	vsel vm14, $0x7F800000, v15  }
0x68: {  	v16 =	vsel vm15, $0x7F800000, v16;
	v17 =	vsel vm4, $0x7F800000, v17;
	vm5 =	veq.f32 v1, $1.400000000e+01  }
0x69: {  	vm6 =	veq.f32 v1, $1.500000000e+01;
	vm7 =	veq.f32 v1, $1.600000000e+01;
	vm8 =	veq.f32 v1, $1.700000000e+01  }
0x6a: {  	vm9 =	veq.f32 v1, $1.800000000e+01;
	vm10 =	veq.f32 v1, $1.900000000e+01;
	vm11 =	veq.f32 v1, $2.000000000e+01  }
0x6b: {  	vm12 =	veq.f32 v1, $2.100000000e+01;
	vm13 =	veq.f32 v1, $2.200000000e+01;
	vm14 =	veq.f32 v1, $2.300000000e+01  }
0x6c: {  	vm15 =	veq.f32 v1, $2.400000000e+01;
	vm4 =	veq.f32 v1, $2.500000000e+01;
	v18 =	vsel vm5, $0x7F800000, v18  }
0x6d: {  	v19 =	vsel vm6, $0x7F800000, v19;
	v20 =	vsel vm7, $0x7F800000, v20;
	v21 =	vsel vm8, $0x7F800000, v21  }
0x6e: {  	v22 =	vsel vm9, $0x7F800000, v22;
	v23 =	vsel vm10, $0x7F800000, v23;
	v24 =	vsel vm11, $0x7F800000, v24  }
0x6f: {  	v25 =	vsel vm12, $0x7F800000, v25;
	v26 =	vsel vm13, $0x7F800000, v26;
	v27 =	vsel vm14, $0x7F800000, v27  }
0x70: {  	v28 =	vsel vm15, $0x7F800000, v28;
	v29 =	vsel vm4, $0x7F800000, v29;
	vm5 =	veq.f32 v1, $2.600000000e+01  }
0x71: {  	vm6 =	veq.f32 v1, $2.700000000e+01;
	vm7 =	veq.f32 v1, $2.800000000e+01;
	vm8 =	veq.f32 v1, $2.900000000e+01  }
0x72: {  	vm9 =	veq.f32 v1, $3.000000000e+01;
	vm10 =	veq.f32 v1, $3.100000000e+01;
	v60 =	vmin.f32 v6, v7  }
0x73: {  	v36 =	vmin.f32 v8, v9;
	v37 =	vmin.f32 v10, v11;
	v61 =	vmin.f32 v12, v13  }
0x74: {  	v62 =	vmin.f32 v14, v15;
	v63 =	vmin.f32 v16, v17;
	v30 =	vsel vm5, $0x7F800000, v30  }
0x75: {  	v31 =	vsel vm6, $0x7F800000, v31;
	v32 =	vsel vm7, $0x7F800000, v32;
	v33 =	vsel vm8, $0x7F800000, v33  }
0x76: {  	v34 =	vsel vm9, $0x7F800000, v2;
	v3 =	vsel vm10, $0x7F800000, v3;
	v2 =	vmin.f32 v4, v5  }
0x77: {  	v52 =	vmin.f32 v18, v19;
	v53 =	vmin.f32 v20, v21;
	v54 =	vmin.f32 v22, v23  }
0x78: {  	v55 =	vmin.f32 v24, v25;
	v56 =	vmin.f32 v26, v27;
	v57 =	vmin.f32 v28, v29  }
0x79: {  	v36 =	vmin.f32 v36, v37;
	v61 =	vmin.f32 v61, v62;
	v58 =	vmin.f32 v30, v31  }
0x7a: {  	v59 =	vmin.f32 v32, v33;
	v2 =	vmin.f32 v2, v60;
	v60 =	vmin.f32 v34, v3  }
0x7b: {  	v62 =	vmin.f32 v63, v52;
	v63 =	vmin.f32 v53, v54;
	v49 =	vmin.f32 v55, v56  }
0x7c: {  	v50 =	vmin.f32 v57, v58;
	v35 =	vmin.f32 v59, v60;
	v2 =	vmin.f32 v2, v36  }
0x7d: {  	v51 =	vmin.f32 v61, v62;
	v52 =	vmin.f32 v63, v49;
	v35 =	vmin.f32 v50, v35  }
0x7e: {  	v2 =	vmin.f32 v2, v51;
	v35 =	vmin.f32 v52, v35  }
0x7f: {  	v2 =	vmin.f32 v2, v35  }
0x80: {  	vm11 =	veq.f32 v3, v2  }
0x81: {  	vm12 =	veq.f32 v34, v2;
	v53 =	vsel vm11, $0x41F80000, v0  }
0x82: {  	vm13 =	veq.f32 v33, v2;
	v35 =	vsel vm12, $0x41F00000, v53  }
0x83: {  	vm14 =	veq.f32 v32, v2;
	v35 =	vsel vm13, $0x41E80000, v35  }
0x84: {  	vm15 =	veq.f32 v31, v2;
	v35 =	vsel vm14, $0x41E00000, v35  }
0x85: {  	vm4 =	veq.f32 v30, v2;
	v35 =	vsel vm15, $0x41D80000, v35  }
0x86: {  	vm5 =	veq.f32 v29, v2;
	v35 =	vsel vm4, $0x41D00000, v35  }
0x87: {  	vm6 =	veq.f32 v28, v2;
	v35 =	vsel vm5, $0x41C80000, v35  }
0x88: {  	vm7 =	veq.f32 v27, v2;
	v35 =	vsel vm6, $0x41C00000, v35  }
0x89: {  	vm8 =	veq.f32 v26, v2;
	v35 =	vsel vm7, $0x41B80000, v35  }
0x8a: {  	vm9 =	veq.f32 v25, v2;
	v35 =	vsel vm8, $0x41B00000, v35  }
0x8b: {  	vm10 =	veq.f32 v24, v2;
	v35 =	vsel vm9, $0x41A80000, v35  }
0x8c: {  	vm11 =	veq.f32 v23, v2;
	v35 =	vsel vm10, $0x41A00000, v35  }
0x8d: {  	vm12 =	veq.f32 v22, v2;
	v35 =	vsel vm11, $0x41980000, v35  }
0x8e: {  	vm13 =	veq.f32 v21, v2;
	v35 =	vsel vm12, $0x41900000, v35  }
0x8f: {  	vm14 =	veq.f32 v20, v2;
	v35 =	vsel vm13, $0x41880000, v35  }
0x90: {  	vm15 =	veq.f32 v19, v2;
	v35 =	vsel vm14, $0x41800000, v35  }
0x91: {  	vm4 =	veq.f32 v18, v2;
	v35 =	vsel vm15, $0x41700000, v35  }
0x92: {  	vm5 =	veq.f32 v17, v2;
	v35 =	vsel vm4, $0x41600000, v35  }
0x93: {  	vm6 =	veq.f32 v16, v2;
	v35 =	vsel vm5, $0x41500000, v35  }
0x94: {  	vm7 =	veq.f32 v15, v2;
	v35 =	vsel vm6, $0x41400000, v35  }
0x95: {  	vm8 =	veq.f32 v14, v2;
	v35 =	vsel vm7, $0x41300000, v35  }
0x96: {  	vm9 =	veq.f32 v13, v2;
	v35 =	vsel vm8, $0x41200000, v35  }
0x97: {  	vm10 =	veq.f32 v12, v2;
	v35 =	vsel vm9, $0x41100000, v35  }
0x98: {  	vm11 =	veq.f32 v11, v2;
	v35 =	vsel vm10, $0x41000000, v35  }
0x99: {  	vm12 =	veq.f32 v10, v2;
	v35 =	vsel vm11, $0x40E00000, v35  }
0x9a: {  	vm13 =	veq.f32 v9, v2;
	v35 =	vsel vm12, $0x40C00000, v35  }
0x9b: {  	vm14 =	veq.f32 v8, v2;
	v35 =	vsel vm13, $0x40A00000, v35  }
0x9c: {  	vm15 =	veq.f32 v7, v2;
	v35 =	vsel vm14, $0x40800000, v35  }
0x9d: {  	vm4 =	veq.f32 v6, v2;
	v35 =	vsel vm15, $0x40400000, v35  }
0x9e: {  	vm5 =	veq.f32 v5, v2;
	v35 =	vsel vm4, $0x40000000, v35  }
0x9f: {  	vm6 =	veq.f32 v4, v2;
	v35 =	vsel vm5, $0x3F800000, v35  }
0xa0: {  	v2 =	vsel vm6, $0x0, v35  }
0xa1: {  	vm0 =	veq.f32 v2, $0.0e+00;
	vm7 =	veq.f32 v2, $1.000000000e+00  }
0xa2: {  	vm8 =	veq.f32 v2, $2.000000000e+00;
	vm9 =	veq.f32 v2, $3.000000000e+00;
	vm10 =	veq.f32 v2, $4.000000000e+00  }
0xa3: {  	vm11 =	veq.f32 v2, $5.000000000e+00;
	vm12 =	veq.f32 v2, $6.000000000e+00;
	vm13 =	veq.f32 v2, $7.000000000e+00  }
0xa4: {  	vm14 =	veq.f32 v2, $8.000000000e+00;
	vm15 =	veq.f32 v2, $9.000000000e+00;
	vm4 =	veq.f32 v2, $1.000000000e+01  }
0xa5: {  	vm5 =	veq.f32 v2, $1.100000000e+01;
	vm6 =	veq.f32 v2, $1.200000000e+01;
	v4 =	vsel vm0, $0x7F800000, v4  }
0xa6: {  	v5 =	vsel vm7, $0x7F800000, v5;
	v6 =	vsel vm8, $0x7F800000, v6;
	v7 =	vsel vm9, $0x7F800000, v7  }
0xa7: {  	v8 =	vsel vm10, $0x7F800000, v8;
	v9 =	vsel vm11, $0x7F800000, v9;
	v10 =	vsel vm12, $0x7F800000, v10  }
0xa8: {  	v11 =	vsel vm13, $0x7F800000, v11;
	v12 =	vsel vm14, $0x7F800000, v12;
	v13 =	vsel vm15, $0x7F800000, v13  }
0xa9: {  	v14 =	vsel vm4, $0x7F800000, v14;
	v15 =	vsel vm5, $0x7F800000, v15;
	vm7 =	veq.f32 v2, $1.300000000e+01  }
0xaa: {  	v16 =	vsel vm6, $0x7F800000, v16;
	vm8 =	veq.f32 v2, $1.400000000e+01;
	vm9 =	veq.f32 v2, $1.500000000e+01  }
0xab: {  	vm10 =	veq.f32 v2, $1.600000000e+01;
	vm11 =	veq.f32 v2, $1.700000000e+01;
	vm12 =	veq.f32 v2, $1.800000000e+01  }
0xac: {  	vm13 =	veq.f32 v2, $1.900000000e+01;
	vm14 =	veq.f32 v2, $2.000000000e+01;
	vm15 =	veq.f32 v2, $2.100000000e+01  }
0xad: {  	vm4 =	veq.f32 v2, $2.200000000e+01;
	vm5 =	veq.f32 v2, $2.300000000e+01;
	vm6 =	veq.f32 v2, $2.400000000e+01  }
0xae: {  	v17 =	vsel vm7, $0x7F800000, v17;
	v18 =	vsel vm8, $0x7F800000, v18;
	v19 =	vsel vm9, $0x7F800000, v19  }
0xaf: {  	v20 =	vsel vm10, $0x7F800000, v20;
	v21 =	vsel vm11, $0x7F800000, v21;
	v22 =	vsel vm12, $0x7F800000, v22  }
0xb0: {  	v23 =	vsel vm13, $0x7F800000, v23;
	v24 =	vsel vm14, $0x7F800000, v24;
	v25 =	vsel vm15, $0x7F800000, v25  }
0xb1: {  	v26 =	vsel vm4, $0x7F800000, v26;
	v27 =	vsel vm5, $0x7F800000, v27;
	vm7 =	veq.f32 v2, $2.500000000e+01  }
0xb2: {  	v28 =	vsel vm6, $0x7F800000, v28;
	vm8 =	veq.f32 v2, $2.600000000e+01;
	vm9 =	veq.f32 v2, $2.700000000e+01  }
0xb3: {  	vm10 =	veq.f32 v2, $2.800000000e+01;
	vm11 =	veq.f32 v2, $2.900000000e+01;
	vm12 =	veq.f32 v2, $3.000000000e+01  }
0xb4: {  	vm13 =	veq.f32 v2, $3.100000000e+01;
	v54 =	vmin.f32 v6, v7;
	v37 =	vmin.f32 v8, v9  }
0xb5: {  	v55 =	vmin.f32 v10, v11;
	v56 =	vmin.f32 v12, v13;
	v57 =	vmin.f32 v14, v15  }
0xb6: {  	v29 =	vsel vm7, $0x7F800000, v29;
	v30 =	vsel vm8, $0x7F800000, v30;
	v31 =	vsel vm9, $0x7F800000, v31  }
0xb7: {  	v32 =	vsel vm10, $0x7F800000, v32;
	v33 =	vsel vm11, $0x7F800000, v33;
	v34 =	vsel vm12, $0x7F800000, v34  }
0xb8: {  	v35 =	vsel vm13, $0x7F800000, v3;
	v3 =	vmin.f32 v4, v5;
	v58 =	vmin.f32 v16, v17  }
0xb9: {  	v59 =	vmin.f32 v18, v19;
	v60 =	vmin.f32 v20, v21;
	v61 =	vmin.f32 v22, v23  }
0xba: {  	v62 =	vmin.f32 v24, v25;
	v63 =	vmin.f32 v26, v27;
	v37 =	vmin.f32 v37, v55  }
0xbb: {  	v39 =	vmin.f32 v56, v57;
	v52 =	vmin.f32 v28, v29;
	v53 =	vmin.f32 v30, v31  }
0xbc: {  	v3 =	vmin.f32 v3, v54;
	v54 =	vmin.f32 v32, v33;
	v55 =	vmin.f32 v34, v35  }
0xbd: {  	v56 =	vmin.f32 v58, v59;
	v57 =	vmin.f32 v60, v61;
	v58 =	vmin.f32 v62, v63  }
0xbe: {  	v59 =	vmin.f32 v52, v53;
	v36 =	vmin.f32 v54, v55;
	v3 =	vmin.f32 v3, v37  }
0xbf: {  	v60 =	vmin.f32 v39, v56;
	v61 =	vmin.f32 v57, v58;
	v36 =	vmin.f32 v59, v36  }
0xc0: {  	v3 =	vmin.f32 v3, v60;
	v36 =	vmin.f32 v61, v36  }
0xc1: {  	v3 =	vmin.f32 v3, v36  }
0xc2: {  	vm14 =	veq.f32 v35, v3  }
0xc3: {  	vm15 =	veq.f32 v34, v3;
	v62 =	vsel vm14, $0x41F80000, v0  }
0xc4: {  	vm4 =	veq.f32 v33, v3;
	v36 =	vsel vm15, $0x41F00000, v62  }
0xc5: {  	vm5 =	veq.f32 v32, v3;
	v36 =	vsel vm4, $0x41E80000, v36  }
0xc6: {  	vm6 =	veq.f32 v31, v3;
	v36 =	vsel vm5, $0x41E00000, v36  }
0xc7: {  	vm7 =	veq.f32 v30, v3;
	v36 =	vsel vm6, $0x41D80000, v36  }
0xc8: {  	vm8 =	veq.f32 v29, v3;
	v36 =	vsel vm7, $0x41D00000, v36  }
0xc9: {  	vm9 =	veq.f32 v28, v3;
	v36 =	vsel vm8, $0x41C80000, v36  }
0xca: {  	vm10 =	veq.f32 v27, v3;
	v36 =	vsel vm9, $0x41C00000, v36  }
0xcb: {  	vm11 =	veq.f32 v26, v3;
	v36 =	vsel vm10, $0x41B80000, v36  }
0xcc: {  	vm12 =	veq.f32 v25, v3;
	v36 =	vsel vm11, $0x41B00000, v36  }
0xcd: {  	vm13 =	veq.f32 v24, v3;
	v36 =	vsel vm12, $0x41A80000, v36  }
0xce: {  	vm14 =	veq.f32 v23, v3;
	v36 =	vsel vm13, $0x41A00000, v36  }
0xcf: {  	vm15 =	veq.f32 v22, v3;
	v36 =	vsel vm14, $0x41980000, v36  }
0xd0: {  	vm4 =	veq.f32 v21, v3;
	v36 =	vsel vm15, $0x41900000, v36  }
0xd1: {  	vm5 =	veq.f32 v20, v3;
	v36 =	vsel vm4, $0x41880000, v36  }
0xd2: {  	vm6 =	veq.f32 v19, v3;
	v36 =	vsel vm5, $0x41800000, v36  }
0xd3: {  	vm7 =	veq.f32 v18, v3;
	v36 =	vsel vm6, $0x41700000, v36  }
0xd4: {  	vm8 =	veq.f32 v17, v3;
	v36 =	vsel vm7, $0x41600000, v36  }
0xd5: {  	vm9 =	veq.f32 v16, v3;
	v36 =	vsel vm8, $0x41500000, v36  }
0xd6: {  	vm10 =	veq.f32 v15, v3;
	v36 =	vsel vm9, $0x41400000, v36  }
0xd7: {  	vm11 =	veq.f32 v14, v3;
	v36 =	vsel vm10, $0x41300000, v36  }
0xd8: {  	vm12 =	veq.f32 v13, v3;
	v36 =	vsel vm11, $0x41200000, v36  }
0xd9: {  	vm13 =	veq.f32 v12, v3;
	v36 =	vsel vm12, $0x41100000, v36  }
0xda: {  	vm14 =	veq.f32 v11, v3;
	v36 =	vsel vm13, $0x41000000, v36  }
0xdb: {  	vm15 =	veq.f32 v10, v3;
	v36 =	vsel vm14, $0x40E00000, v36  }
0xdc: {  	vm4 =	veq.f32 v9, v3;
	v36 =	vsel vm15, $0x40C00000, v36  }
0xdd: {  	vm5 =	veq.f32 v8, v3;
	v36 =	vsel vm4, $0x40A00000, v36  }
0xde: {  	vm6 =	veq.f32 v7, v3;
	v36 =	vsel vm5, $0x40800000, v36  }
0xdf: {  	vm7 =	veq.f32 v6, v3;
	v36 =	vsel vm6, $0x40400000, v36  }
0xe0: {  	vm8 =	veq.f32 v5, v3;
	v36 =	vsel vm7, $0x40000000, v36  }
0xe1: {  	vm9 =	veq.f32 v4, v3;
	v36 =	vsel vm8, $0x3F800000, v36  }
0xe2: {  	v3 =	vsel vm9, $0x0, v36  }
0xe3: {  	vm0 =	veq.f32 v3, $0.0e+00;
	vm10 =	veq.f32 v3, $1.000000000e+00  }
0xe4: {  	vm11 =	veq.f32 v3, $2.000000000e+00;
	vm12 =	veq.f32 v3, $3.000000000e+00;
	vm13 =	veq.f32 v3, $4.000000000e+00  }
0xe5: {  	vm14 =	veq.f32 v3, $5.000000000e+00;
	vm15 =	veq.f32 v3, $6.000000000e+00;
	vm4 =	veq.f32 v3, $7.000000000e+00  }
0xe6: {  	vm5 =	veq.f32 v3, $8.000000000e+00;
	vm6 =	veq.f32 v3, $9.000000000e+00;
	vm7 =	veq.f32 v3, $1.000000000e+01  }
0xe7: {  	vm8 =	veq.f32 v3, $1.100000000e+01;
	vm9 =	veq.f32 v3, $1.200000000e+01;
	v36 =	vsel vm0, $0x7F800000, v4  }
0xe8: {  	v5 =	vsel vm10, $0x7F800000, v5;
	v6 =	vsel vm11, $0x7F800000, v6;
	v7 =	vsel vm12, $0x7F800000, v7  }
0xe9: {  	v8 =	vsel vm13, $0x7F800000, v8;
	v9 =	vsel vm14, $0x7F800000, v9;
	v10 =	vsel vm15, $0x7F800000, v10  }
0xea: {  	v11 =	vsel vm4, $0x7F800000, v11;
	v12 =	vsel vm5, $0x7F800000, v12;
	v13 =	vsel vm6, $0x7F800000, v13  }
0xeb: {  	v14 =	vsel vm7, $0x7F800000, v14;
	v15 =	vsel vm8, $0x7F800000, v15;
	vm10 =	veq.f32 v3, $1.300000000e+01  }
0xec: {  	v16 =	vsel vm9, $0x7F800000, v16;
	vm11 =	veq.f32 v3, $1.400000000e+01;
	vm12 =	veq.f32 v3, $1.500000000e+01  }
0xed: {  	vm13 =	veq.f32 v3, $1.600000000e+01;
	vm14 =	veq.f32 v3, $1.700000000e+01;
	vm15 =	veq.f32 v3, $1.800000000e+01  }
0xee: {  	vm4 =	veq.f32 v3, $1.900000000e+01;
	vm5 =	veq.f32 v3, $2.000000000e+01;
	vm6 =	veq.f32 v3, $2.100000000e+01  }
0xef: {  	vm7 =	veq.f32 v3, $2.200000000e+01;
	vm8 =	veq.f32 v3, $2.300000000e+01;
	vm9 =	veq.f32 v3, $2.400000000e+01  }
0xf0: {  	v17 =	vsel vm10, $0x7F800000, v17;
	v18 =	vsel vm11, $0x7F800000, v18;
	v19 =	vsel vm12, $0x7F800000, v19  }
0xf1: {  	v20 =	vsel vm13, $0x7F800000, v20;
	v21 =	vsel vm14, $0x7F800000, v21;
	v22 =	vsel vm15, $0x7F800000, v22  }
0xf2: {  	v23 =	vsel vm4, $0x7F800000, v23;
	v24 =	vsel vm5, $0x7F800000, v24;
	v25 =	vsel vm6, $0x7F800000, v25  }
0xf3: {  	v26 =	vsel vm7, $0x7F800000, v26;
	v27 =	vsel vm8, $0x7F800000, v27;
	vm10 =	veq.f32 v3, $2.500000000e+01  }
0xf4: {  	v28 =	vsel vm9, $0x7F800000, v28;
	vm11 =	veq.f32 v3, $2.600000000e+01;
	vm12 =	veq.f32 v3, $2.700000000e+01  }
0xf5: {  	vm13 =	veq.f32 v3, $2.800000000e+01;
	vm14 =	veq.f32 v3, $2.900000000e+01;
	vm15 =	veq.f32 v3, $3.000000000e+01  }
0xf6: {  	vm4 =	veq.f32 v3, $3.100000000e+01;
	v4 =	vmin.f32 v36, v5;
	v63 =	vmin.f32 v6, v7  }
0xf7: {  	v52 =	vmin.f32 v8, v9;
	v53 =	vmin.f32 v10, v11;
	v54 =	vmin.f32 v12, v13  }
0xf8: {  	v55 =	vmin.f32 v14, v15;
	v29 =	vsel vm10, $0x7F800000, v29;
	v30 =	vsel vm11, $0x7F800000, v30  }
0xf9: {  	v31 =	vsel vm12, $0x7F800000, v31;
	v32 =	vsel vm13, $0x7F800000, v32;
	v33 =	vsel vm14, $0x7F800000, v33  }
0xfa: {  	v34 =	vsel vm15, $0x7F800000, v34;
	v35 =	vsel vm4, $0x7F800000, v35;
	v56 =	vmin.f32 v16, v17  }
0xfb: {  	v57 =	vmin.f32 v18, v19;
	v58 =	vmin.f32 v20, v21;
	v59 =	vmin.f32 v22, v23  }
0xfc: {  	v60 =	vmin.f32 v24, v25;
	v61 =	vmin.f32 v26, v27;
	v4 =	vmin.f32 v4, v63  }
0xfd: {  	v38 =	vmin.f32 v52, v53;
	v40 =	vmin.f32 v54, v55;
	v62 =	vmin.f32 v28, v29  }
0xfe: {  	v63 =	vmin.f32 v30, v31;
	v49 =	vmin.f32 v32, v33;
	v50 =	vmin.f32 v34, v35  }
0xff: {  	v42 =	vmin.f32 v56, v57;
	v51 =	vmin.f32 v58, v59;
	v52 =	vmin.f32 v60, v61  }
0x100: {  	v4 =	vmin.f32 v4, v38;
	v37 =	vmin.f32 v62, v63;
	v39 =	vmin.f32 v49, v50  }
0x101: {  	v53 =	vmin.f32 v40, v42;
	v54 =	vmin.f32 v51, v52;
	v37 =	vmin.f32 v37, v39  }
0x102: {  	v4 =	vmin.f32 v4, v53;
	v37 =	vmin.f32 v54, v37  }
0x103: {  	v4 =	vmin.f32 v4, v37  }
0x104: {  	vm5 =	veq.f32 v35, v4  }
0x105: {  	vm6 =	veq.f32 v34, v4;
	v55 =	vsel vm5, $0x41F80000, v0  }
0x106: {  	vm7 =	veq.f32 v33, v4;
	v37 =	vsel vm6, $0x41F00000, v55  }
0x107: {  	vm8 =	veq.f32 v32, v4;
	v37 =	vsel vm7, $0x41E80000, v37  }
0x108: {  	vm9 =	veq.f32 v31, v4;
	v37 =	vsel vm8, $0x41E00000, v37  }
0x109: {  	vm10 =	veq.f32 v30, v4;
	v37 =	vsel vm9, $0x41D80000, v37  }
0x10a: {  	vm11 =	veq.f32 v29, v4;
	v37 =	vsel vm10, $0x41D00000, v37  }
0x10b: {  	vm12 =	veq.f32 v28, v4;
	v37 =	vsel vm11, $0x41C80000, v37  }
0x10c: {  	vm13 =	veq.f32 v27, v4;
	v37 =	vsel vm12, $0x41C00000, v37  }
0x10d: {  	vm14 =	veq.f32 v26, v4;
	v37 =	vsel vm13, $0x41B80000, v37  }
0x10e: {  	vm15 =	veq.f32 v25, v4;
	v37 =	vsel vm14, $0x41B00000, v37  }
0x10f: {  	vm4 =	veq.f32 v24, v4;
	v37 =	vsel vm15, $0x41A80000, v37  }
0x110: {  	vm5 =	veq.f32 v23, v4;
	v37 =	vsel vm4, $0x41A00000, v37  }
0x111: {  	vm6 =	veq.f32 v22, v4;
	v37 =	vsel vm5, $0x41980000, v37  }
0x112: {  	vm7 =	veq.f32 v21, v4;
	v37 =	vsel vm6, $0x41900000, v37  }
0x113: {  	vm8 =	veq.f32 v20, v4;
	v37 =	vsel vm7, $0x41880000, v37  }
0x114: {  	vm9 =	veq.f32 v19, v4;
	v37 =	vsel vm8, $0x41800000, v37  }
0x115: {  	vm10 =	veq.f32 v18, v4;
	v37 =	vsel vm9, $0x41700000, v37  }
0x116: {  	vm11 =	veq.f32 v17, v4;
	v37 =	vsel vm10, $0x41600000, v37  }
0x117: {  	vm12 =	veq.f32 v16, v4;
	v37 =	vsel vm11, $0x41500000, v37  }
0x118: {  	vm13 =	veq.f32 v15, v4;
	v37 =	vsel vm12, $0x41400000, v37  }
0x119: {  	vm14 =	veq.f32 v14, v4;
	v37 =	vsel vm13, $0x41300000, v37  }
0x11a: {  	vm15 =	veq.f32 v13, v4;
	v37 =	vsel vm14, $0x41200000, v37  }
0x11b: {  	vm4 =	veq.f32 v12, v4;
	v37 =	vsel vm15, $0x41100000, v37  }
0x11c: {  	vm5 =	veq.f32 v11, v4;
	v37 =	vsel vm4, $0x41000000, v37  }
0x11d: {  	vm6 =	veq.f32 v10, v4;
	v37 =	vsel vm5, $0x40E00000, v37  }
0x11e: {  	vm7 =	veq.f32 v9, v4;
	v37 =	vsel vm6, $0x40C00000, v37  }
0x11f: {  	vm8 =	veq.f32 v8, v4;
	v37 =	vsel vm7, $0x40A00000, v37  }
0x120: {  	vm9 =	veq.f32 v7, v4;
	v37 =	vsel vm8, $0x40800000, v37  }
0x121: {  	vm10 =	veq.f32 v6, v4;
	v37 =	vsel vm9, $0x40400000, v37  }
0x122: {  	vm11 =	veq.f32 v5, v4;
	v37 =	vsel vm10, $0x40000000, v37  }
0x123: {  	vm12 =	veq.f32 v36, v4;
	v37 =	vsel vm11, $0x3F800000, v37  }
0x124: {  	v4 =	vsel vm12, $0x0, v37  }
0x125: {  	vm0 =	veq.f32 v4, $0.0e+00;
	vm13 =	veq.f32 v4, $1.000000000e+00  }
0x126: {  	vm14 =	veq.f32 v4, $2.000000000e+00;
	vm15 =	veq.f32 v4, $3.000000000e+00;
	vm4 =	veq.f32 v4, $4.000000000e+00  }
0x127: {  	vm5 =	veq.f32 v4, $5.000000000e+00;
	vm6 =	veq.f32 v4, $6.000000000e+00;
	vm7 =	veq.f32 v4, $7.000000000e+00  }
0x128: {  	vm8 =	veq.f32 v4, $8.000000000e+00;
	vm9 =	veq.f32 v4, $9.000000000e+00;
	vm10 =	veq.f32 v4, $1.000000000e+01  }
0x129: {  	vm11 =	veq.f32 v4, $1.100000000e+01;
	vm12 =	veq.f32 v4, $1.200000000e+01;
	v36 =	vsel vm0, $0x7F800000, v36  }
0x12a: {  	v5 =	vsel vm13, $0x7F800000, v5;
	v6 =	vsel vm14, $0x7F800000, v6;
	v7 =	vsel vm15, $0x7F800000, v7  }
0x12b: {  	v8 =	vsel vm4, $0x7F800000, v8;
	v9 =	vsel vm5, $0x7F800000, v9;
	v10 =	vsel vm6, $0x7F800000, v10  }
0x12c: {  	v11 =	vsel vm7, $0x7F800000, v11;
	v12 =	vsel vm8, $0x7F800000, v12;
	v13 =	vsel vm9, $0x7F800000, v13  }
0x12d: {  	v14 =	vsel vm10, $0x7F800000, v14;
	v15 =	vsel vm11, $0x7F800000, v15;
	vm13 =	veq.f32 v4, $1.300000000e+01  }
0x12e: {  	v16 =	vsel vm12, $0x7F800000, v16;
	vm14 =	veq.f32 v4, $1.400000000e+01;
	vm15 =	veq.f32 v4, $1.500000000e+01  }
0x12f: {  	vm4 =	veq.f32 v4, $1.600000000e+01;
	vm5 =	veq.f32 v4, $1.700000000e+01;
	vm6 =	veq.f32 v4, $1.800000000e+01  }
0x130: {  	vm7 =	veq.f32 v4, $1.900000000e+01;
	vm8 =	veq.f32 v4, $2.000000000e+01;
	vm9 =	veq.f32 v4, $2.100000000e+01  }
0x131: {  	vm10 =	veq.f32 v4, $2.200000000e+01;
	vm11 =	veq.f32 v4, $2.300000000e+01;
	vm12 =	veq.f32 v4, $2.400000000e+01  }
0x132: {  	v17 =	vsel vm13, $0x7F800000, v17;
	v18 =	vsel vm14, $0x7F800000, v18;
	v19 =	vsel vm15, $0x7F800000, v19  }
0x133: {  	v20 =	vsel vm4, $0x7F800000, v20;
	v21 =	vsel vm5, $0x7F800000, v21;
	v22 =	vsel vm6, $0x7F800000, v22  }
0x134: {  	v23 =	vsel vm7, $0x7F800000, v23;
	v24 =	vsel vm8, $0x7F800000, v24;
	v25 =	vsel vm9, $0x7F800000, v25  }
0x135: {  	v26 =	vsel vm10, $0x7F800000, v26;
	v27 =	vsel vm11, $0x7F800000, v27;
	vm13 =	veq.f32 v4, $2.500000000e+01  }
0x136: {  	v28 =	vsel vm12, $0x7F800000, v28;
	vm14 =	veq.f32 v4, $2.600000000e+01;
	vm15 =	veq.f32 v4, $2.700000000e+01  }
0x137: {  	vm4 =	veq.f32 v4, $2.800000000e+01;
	vm5 =	veq.f32 v4, $2.900000000e+01;
	vm6 =	veq.f32 v4, $3.000000000e+01  }
0x138: {  	vm7 =	veq.f32 v4, $3.100000000e+01;
	v56 =	vmin.f32 v36, v5;
	v57 =	vmin.f32 v6, v7  }
0x139: {  	v58 =	vmin.f32 v8, v9;
	v59 =	vmin.f32 v10, v11;
	v60 =	vmin.f32 v12, v13  }
0x13a: {  	v61 =	vmin.f32 v14, v15;
	v29 =	vsel vm13, $0x7F800000, v29;
	v30 =	vsel vm14, $0x7F800000, v30  }
0x13b: {  	v31 =	vsel vm15, $0x7F800000, v31;
	v32 =	vsel vm4, $0x7F800000, v32;
	v33 =	vsel vm5, $0x7F800000, v33  }
0x13c: {  	v34 =	vsel vm6, $0x7F800000, v34;
	v35 =	vsel vm7, $0x7F800000, v35;
	v62 =	vmin.f32 v16, v17  }
0x13d: {  	v63 =	vmin.f32 v18, v19;
	v52 =	vmin.f32 v20, v21;
	v53 =	vmin.f32 v22, v23  }
0x13e: {  	v54 =	vmin.f32 v24, v25;
	v55 =	vmin.f32 v26, v27;
	v37 =	vmin.f32 v56, v57  }
0x13f: {  	v39 =	vmin.f32 v58, v59;
	v41 =	vmin.f32 v60, v61;
	v56 =	vmin.f32 v28, v29  }
0x140: {  	v57 =	vmin.f32 v30, v31;
	v58 =	vmin.f32 v32, v33;
	v43 =	vmin.f32 v62, v63  }
0x141: {  	v59 =	vmin.f32 v34, v35;
	v45 =	vmin.f32 v52, v53;
	v60 =	vmin.f32 v54, v55  }
0x142: {  	v37 =	vmin.f32 v37, v39;
	v38 =	vmin.f32 v56, v57;
	v61 =	vmin.f32 v58, v59  }
0x143: {  	v62 =	vmin.f32 v41, v43;
	v63 =	vmin.f32 v45, v60;
	v38 =	vmin.f32 v38, v61  }
0x144: {  	v37 =	vmin.f32 v37, v62;
	v38 =	vmin.f32 v63, v38  }
0x145: {  	v37 =	vmin.f32 v37, v38  }
0x146: {  	vm8 =	veq.f32 v35, v37  }
0x147: {  	vm9 =	veq.f32 v34, v37;
	v35 =	vsel vm8, $0x41F80000, v0  }
0x148: {  	vm10 =	veq.f32 v33, v37;
	v34 =	vsel vm9, $0x41F00000, v35  }
0x149: {  	vm11 =	veq.f32 v32, v37;
	v33 =	vsel vm10, $0x41E80000, v34  }
0x14a: {  	vm12 =	veq.f32 v31, v37;
	v32 =	vsel vm11, $0x41E00000, v33  }
0x14b: {  	vm13 =	veq.f32 v30, v37;
	v31 =	vsel vm12, $0x41D80000, v32  }
0x14c: {  	vm14 =	veq.f32 v29, v37;
	v30 =	vsel vm13, $0x41D00000, v31  }
0x14d: {  	vm15 =	veq.f32 v28, v37;
	v29 =	vsel vm14, $0x41C80000, v30  }
0x14e: {  	vm4 =	veq.f32 v27, v37;
	v28 =	vsel vm15, $0x41C00000, v29  }
0x14f: {  	vm5 =	veq.f32 v26, v37;
	v27 =	vsel vm4, $0x41B80000, v28  }
0x150: {  	vm6 =	veq.f32 v25, v37;
	v26 =	vsel vm5, $0x41B00000, v27  }
0x151: {  	vm7 =	veq.f32 v24, v37;
	v25 =	vsel vm6, $0x41A80000, v26  }
0x152: {  	vm8 =	veq.f32 v23, v37;
	v24 =	vsel vm7, $0x41A00000, v25  }
0x153: {  	vm9 =	veq.f32 v22, v37;
	v23 =	vsel vm8, $0x41980000, v24  }
0x154: {  	vm10 =	veq.f32 v21, v37;
	v22 =	vsel vm9, $0x41900000, v23  }
0x155: {  	vm11 =	veq.f32 v20, v37;
	v21 =	vsel vm10, $0x41880000, v22  }
0x156: {  	vm12 =	veq.f32 v19, v37;
	v20 =	vsel vm11, $0x41800000, v21  }
0x157: {  	vm13 =	veq.f32 v18, v37;
	v19 =	vsel vm12, $0x41700000, v20  }
0x158: {  	vm14 =	veq.f32 v17, v37;
	v18 =	vsel vm13, $0x41600000, v19  }
0x159: {  	vm15 =	veq.f32 v16, v37;
	v17 =	vsel vm14, $0x41500000, v18  }
0x15a: {  	vm4 =	veq.f32 v15, v37;
	v16 =	vsel vm15, $0x41400000, v17  }
0x15b: {  	vm5 =	veq.f32 v14, v37;
	v15 =	vsel vm4, $0x41300000, v16  }
0x15c: {  	vm6 =	veq.f32 v13, v37;
	v14 =	vsel vm5, $0x41200000, v15  }
0x15d: {  	vm7 =	veq.f32 v12, v37;
	v13 =	vsel vm6, $0x41100000, v14  }
0x15e: {  	vm8 =	veq.f32 v11, v37;
	v12 =	vsel vm7, $0x41000000, v13  }
0x15f: {  	vm9 =	veq.f32 v10, v37;
	v11 =	vsel vm8, $0x40E00000, v12  }
0x160: {  	vm10 =	veq.f32 v9, v37;
	v10 =	vsel vm9, $0x40C00000, v11  }
0x161: {  	vm11 =	veq.f32 v8, v37;
	v9 =	vsel vm10, $0x40A00000, v10  }
0x162: {  	p0 =	sne.s32 s12, $0xF0;
	vm12 =	veq.f32 v7, v37;
	v8 =	vsel vm11, $0x40800000, v9  }
.Ltmp0:
0x163: {  	[tilespmem:s13+$0x2000] =	vst v1;
	vm13 =	veq.f32 v6, v37;
	v1 =	vsel vm12, $0x40400000, v8;
	(pc) =	sbr.rel @p0 .LBB2_2-.Ltmp0, $4  }
0x164: {  	[tilespmem:s31+$0x2000] =	vst v2;
	vm14 =	veq.f32 v5, v37;
	v1 =	vsel vm13, $0x40000000, v1  }
0x165: {  	[tilespmem:s13+$0x2100] =	vst v3;
	vm15 =	veq.f32 v36, v37;
	v1 =	vsel vm14, $0x3F800000, v1  }
0x166: {  	[tilespmem:s14+$0x2000] =	vst v4;
	v1 =	vsel vm15, $0x0, v1  }
0x167: {  	s11 =	sadd.s32 $0x80, s11;
	s12 =	sadd.s32 $0x10, s12;
	[tilespmem:s13+$0x2200] =	vst v1  }
0x168: {  	s10 =	sadd.s32 $0x1, s10  }
0x169: {  	p0 =	sne.s32 s10, s5  }
.Ltmp1:
0x16a: {  	_ = 	snop;
	(pc) =	sbr.rel @p0 .LBB2_1-.Ltmp1, $4  }
0x16b: {  	[hbm4b:s4+s2] =	stream.linear.scatter [tilespmem:s9], [sflag:$0x1], $0x800, $0x38;
	[tilespmem:$0x2800] =	vst v63  }
0x16c: {  	_ =	swait.ge [sflag:s8], $0x800  }
0x16d: {  	[sflag:s8] =	ssyncset.done $0x0  }
0x16e: {  	[sflag:s8] =	ssyncadd.s32 $0xFFFFF800  }
0x16f: {  	_ =	sfence.sel $0x180000  }
0x170: {  	[bflag:$0x0] =	sbarrier.arrive $0xFFFF  }
0x171: {  	p0 =	sne.s32 s0, $0x0;
	_ =	strace $0x90000047  }
0x172: {  	s0 =	sadd.s32 @!p0 $0x100000, s1;
	[bflag:$0x2] =	sbarrier.arrive $0xFFFF  }
0x173: {  	[sflag:s0] =	ssyncadd.tile.s32 @!p0 $0x1;
	_ =	shalt  }
.Lfunc_end2:
_tile_overlayer_lowered:
.L_overlay_start_2:
0x174: {  	(tag) =	ssettag $0x2  }
0x175: {  	s0 =	rddreg [dreg:$0x0];
	s2 =	stileid.u32  }
0x176: {  	s1 =	rddreg [dreg:$0x1];
	p0 =	sne.s32 s2, $0x0  }
0x177: {  	s3 =	rddreg [dreg:$0x2];
	[bflag:$0x3] =	sbarrier.arrive $0xFFFF;
	s2 =	simm.s32 @!p0 $0x1C01  }
0x178: {  	[timem:s3], [sflag:s2] =	dma.local @!p0 [hbm:s0], s1  }
0x179: {  	s0 =	simm.s32 @!p0 $0x1  }
0x17a: {  	_ =	swait.ge @!p0 [sflag:s0], s1  }
0x17b: {  	s1 =	ssub.s32 @!p0 $0x0, s1;
	[sflag:s0] =	ssyncset.done @!p0 $0x0  }
0x17c: {  	[sflag:s0] =	ssyncadd.s32 @!p0 s1  }
0x17d: {  	[bflag:$0x3] =	sbarrier.arrive $0xFFFF  }
0x17e: {  	_ =	shalt  }

</sc_bundles>
